<compile_context>
chip_gen: v7x
topology: tpu7x:2x2x1
jax: 0.10.2.dev20260603
libtpu: 0.0.44.dev20260713+nightly
codegen_flags: <defaults>
</compile_context>

<pallas_src>
import functools

import jax
import jax.numpy as jnp
from jax import lax
from jax.experimental import pallas as pl
from jax.experimental.pallas import tpu as pltpu
from jax.experimental.pallas import tpu_sc as plsc

_INFO = plsc.get_sparse_core_info()
_NC, _NS, _L = _INFO.num_cores, _INFO.num_subcores, _INFO.num_lanes
_NW = _NC * _NS

_NB = 8
_MAGIC = 1.5 * 2.0 ** 23


@functools.lru_cache(maxsize=None)
def _make_quantize(nrow: int, ncol: int, k: int):
    rows_w = nrow // _NW
    rch = rows_w // _NB
    assert nrow % _NW == 0 and rows_w % _NB == 0 and ncol % _L == 0
    assert k >= _L
    n_vec = ncol // _L
    mesh = plsc.VectorSubcoreMesh(core_axis_name="c", subcore_axis_name="s")

    @functools.partial(
        pl.kernel,
        mesh=mesh,
        out_type=jax.ShapeDtypeStruct((nrow, ncol), jnp.float32),
        scratch_types=[pltpu.VMEM((rch, ncol), jnp.float32)] * _NB + [
            pltpu.VMEM((4 * _L,), jnp.float32),
            pltpu.VMEM((k,), jnp.float32),
        ] + [pltpu.SemaphoreType.DMA] * (2 * _NB),
    )
    def _quantize(x_hbm, cb_hbm, out_hbm, *refs):
        bufs = refs[:_NB]
        consts_v = refs[_NB]
        cb_v = refs[_NB + 1]
        isems = refs[_NB + 2:2 * _NB + 2]
        osems = refs[2 * _NB + 2:]
        wid = lax.axis_index("s") * _NC + lax.axis_index("c")
        row0 = wid * rows_w

        hin = [
            pltpu.async_copy(
                x_hbm.at[pl.ds(row0 + j * rch, rch)], bufs[j], isems[j])
            for j in range(_NB)
        ]

        pltpu.sync_copy(cb_hbm, cb_v)

        def bcast_lane(vec, lane):
            idx = jnp.full((_L, 1), lane, jnp.int32)
            dn = lax.GatherDimensionNumbers(
                offset_dims=(), collapsed_slice_dims=(0,),
                start_index_map=(0,))
            return lax.gather(vec, idx, dn, (1,),
                              mode=lax.GatherScatterMode.PROMISE_IN_BOUNDS)

        c0_g = bcast_lane(cb_v[pl.ds(0, _L)], 0)
        c_last = bcast_lane(cb_v[pl.ds(k - _L, _L)], _L - 1)
        step_g = (c_last - c0_g) * jnp.float32(1.0 / (k - 1))
        inv_g = jnp.float32(1.0) / step_g
        consts_v[pl.ds(0, _L)] = -c0_g * inv_g
        consts_v[pl.ds(_L, _L)] = c0_g
        consts_v[pl.ds(2 * _L, _L)] = step_g
        consts_v[pl.ds(3 * _L, _L)] = inv_g
        bias = consts_v[pl.ds(0, _L)]
        c0 = consts_v[pl.ds(_L, _L)]
        step = consts_v[pl.ds(2 * _L, _L)]
        inv = consts_v[pl.ds(3 * _L, _L)]
        ubound = jnp.full((_L,), float(k - 1), jnp.float32)
        zero = jnp.zeros((_L,), jnp.float32)
        magic = jnp.full((_L,), _MAGIC, jnp.float32)

        hout = []
        for j in range(_NB):
            hin[j].wait()
            buf = bufs[j]

            @plsc.parallel_loop(0, n_vec)
            def _loop(i, buf=buf):
                for r in range(rch):
                    x = buf[r, pl.ds(i * _L, _L)]
                    t = x * inv + bias
                    t = jnp.minimum(jnp.maximum(t, zero), ubound)
                    idx_f = (t + magic) - magic
                    buf[r, pl.ds(i * _L, _L)] = c0 + idx_f * step
            hout.append(pltpu.async_copy(
                buf, out_hbm.at[pl.ds(row0 + j * rch, rch)], osems[j]))
        for h in hout:
            h.wait()

    return _quantize


def kernel(input, codebook):
    nrow, ncol = input.shape
    k = codebook.shape[0]
    return _make_quantize(nrow, ncol, k)(input, codebook)

# --- scband reference (transcript-rebuilt; emitter-appended) ---
"""Pipeline reference for scband-quantizer-uniform-layer-78975858639646 (READ-ONLY COPY).

The authoritative reference and input builder live on the scoring server;
editing this copy changes nothing except your own understanding.
"""

import jax, jax.numpy as jnp
import numpy as np


def setup_inputs(seed: int = 0) -> dict:
    key = jax.random.key(seed)
    k1, _ = jax.random.split(key)
    input = jax.random.normal(k1, (2048, 1024), dtype=jnp.float32)
    codebook = jnp.linspace(-1.0, 1.0, 64, dtype=jnp.float32)
    return {"input": input, "codebook": codebook}


def reference(input, codebook):
    # Faithful vectorization of the per-element double loop:
    # for each scalar input[ii, jj], pick the optimal (nearest) codebook word.
    # dist[ii, jj, k] = |input[ii, jj] - codebook[k]|
    dist = jnp.abs(input[:, :, None] - codebook[None, None, :])
    idx = jnp.argmin(dist, axis=-1)  # [2048, 1024] int32
    quantized_input = jnp.take(codebook, idx, axis=0)  # gather -> SparseCore-friendly
    return quantized_input

if __name__ == "__main__":
    import jax
    _d = setup_inputs()
    print(jax.jit(kernel)(*tuple(_d.values())))

</pallas_src>

<mosaic_0001>
#map = affine_map<(d0, d1) -> (0, 0)>
#map1 = affine_map<(d0, d1) -> (0)>
module attributes {stable_mosaic.version = 14 : i64} {
  func.func @_quantize(%arg0: i32, %arg1: i32, %arg2: memref<2048x1024xf32, #tpu.memory_space<hbm>>, %arg3: memref<64xf32, #tpu.memory_space<hbm>>, %arg4: memref<2048x1024xf32, #tpu.memory_space<hbm>>, %arg5: memref<8x1024xf32, #tpu.memory_space<vmem>>, %arg6: memref<8x1024xf32, #tpu.memory_space<vmem>>, %arg7: memref<8x1024xf32, #tpu.memory_space<vmem>>, %arg8: memref<8x1024xf32, #tpu.memory_space<vmem>>, %arg9: memref<8x1024xf32, #tpu.memory_space<vmem>>, %arg10: memref<8x1024xf32, #tpu.memory_space<vmem>>, %arg11: memref<8x1024xf32, #tpu.memory_space<vmem>>, %arg12: memref<8x1024xf32, #tpu.memory_space<vmem>>, %arg13: memref<64xf32, #tpu.memory_space<vmem>>, %arg14: memref<64xf32, #tpu.memory_space<vmem>>, %arg15: memref<!tpu.dma_semaphore, #tpu.memory_space<semaphore_mem>>, %arg16: memref<!tpu.dma_semaphore, #tpu.memory_space<semaphore_mem>>, %arg17: memref<!tpu.dma_semaphore, #tpu.memory_space<semaphore_mem>>, %arg18: memref<!tpu.dma_semaphore, #tpu.memory_space<semaphore_mem>>, %arg19: memref<!tpu.dma_semaphore, #tpu.memory_space<semaphore_mem>>, %arg20: memref<!tpu.dma_semaphore, #tpu.memory_space<semaphore_mem>>, %arg21: memref<!tpu.dma_semaphore, #tpu.memory_space<semaphore_mem>>, %arg22: memref<!tpu.dma_semaphore, #tpu.memory_space<semaphore_mem>>, %arg23: memref<!tpu.dma_semaphore, #tpu.memory_space<semaphore_mem>>, %arg24: memref<!tpu.dma_semaphore, #tpu.memory_space<semaphore_mem>>, %arg25: memref<!tpu.dma_semaphore, #tpu.memory_space<semaphore_mem>>, %arg26: memref<!tpu.dma_semaphore, #tpu.memory_space<semaphore_mem>>, %arg27: memref<!tpu.dma_semaphore, #tpu.memory_space<semaphore_mem>>, %arg28: memref<!tpu.dma_semaphore, #tpu.memory_space<semaphore_mem>>, %arg29: memref<!tpu.dma_semaphore, #tpu.memory_space<semaphore_mem>>, %arg30: memref<!tpu.dma_semaphore, #tpu.memory_space<semaphore_mem>>) attributes {dimension_semantics = [#tpu.dimension_semantics<core_parallel>, #tpu.dimension_semantics<subcore_parallel>], iteration_bounds = array<i64: 2, 16>, scalar_prefetch = 0 : i64, scratch_operands = 26 : i64, tpu.core_type = #tpu.core_type<sc_vector_subcore>, window_params = [{transform_indices = #map}, {transform_indices = #map1}, {transform_indices = #map}]} {
    %mul3A = arith.constant 2 : i32
    %mul3A_0 = arith.muli %arg1, %mul3A : i32
    %add3A = arith.addi %mul3A_0, %arg0 : i32
    %mul3A_1 = arith.constant 64 : i32
    %mul3A_2 = arith.muli %add3A, %mul3A_1 : i32
    %add3A_3 = arith.constant 0 : i32
    %add3A_4 = arith.addi %mul3A_2, %add3A_3 : i32
    %dma_start3A = arith.constant 0 : i32
    %dma_start3A_5 = tpu.memref_slice %arg2[%add3A_4, %dma_start3A] : memref<2048x1024xf32, #tpu.memory_space<hbm>> -> memref<8x1024xf32, #tpu.memory_space<hbm>>
    %dma_start3A_6 = arith.constant 0 : i32
    %dma_start3A_7 = tpu.memref_slice %arg2[%add3A_4, %dma_start3A_6] : memref<2048x1024xf32, #tpu.memory_space<hbm>> -> memref<8x1024xf32, #tpu.memory_space<hbm>>
    tpu.enqueue_dma source(%dma_start3A_7 : memref<8x1024xf32, #tpu.memory_space<hbm>>) target(%arg5 : memref<8x1024xf32, #tpu.memory_space<vmem>>) target_semaphore(%arg15 : memref<!tpu.dma_semaphore, #tpu.memory_space<semaphore_mem>>)
    %add3A_8 = arith.constant 8 : i32
    %add3A_9 = arith.addi %mul3A_2, %add3A_8 : i32
    %dma_start3A_10 = arith.constant 0 : i32
    %dma_start3A_11 = tpu.memref_slice %arg2[%add3A_9, %dma_start3A_10] : memref<2048x1024xf32, #tpu.memory_space<hbm>> -> memref<8x1024xf32, #tpu.memory_space<hbm>>
    %dma_start3A_12 = arith.constant 0 : i32
    %dma_start3A_13 = tpu.memref_slice %arg2[%add3A_9, %dma_start3A_12] : memref<2048x1024xf32, #tpu.memory_space<hbm>> -> memref<8x1024xf32, #tpu.memory_space<hbm>>
    tpu.enqueue_dma source(%dma_start3A_13 : memref<8x1024xf32, #tpu.memory_space<hbm>>) target(%arg6 : memref<8x1024xf32, #tpu.memory_space<vmem>>) target_semaphore(%arg16 : memref<!tpu.dma_semaphore, #tpu.memory_space<semaphore_mem>>)
    %add3A_14 = arith.constant 16 : i32
    %add3A_15 = arith.addi %mul3A_2, %add3A_14 : i32
    %dma_start3A_16 = arith.constant 0 : i32
    %dma_start3A_17 = tpu.memref_slice %arg2[%add3A_15, %dma_start3A_16] : memref<2048x1024xf32, #tpu.memory_space<hbm>> -> memref<8x1024xf32, #tpu.memory_space<hbm>>
    %dma_start3A_18 = arith.constant 0 : i32
    %dma_start3A_19 = tpu.memref_slice %arg2[%add3A_15, %dma_start3A_18] : memref<2048x1024xf32, #tpu.memory_space<hbm>> -> memref<8x1024xf32, #tpu.memory_space<hbm>>
    tpu.enqueue_dma source(%dma_start3A_19 : memref<8x1024xf32, #tpu.memory_space<hbm>>) target(%arg7 : memref<8x1024xf32, #tpu.memory_space<vmem>>) target_semaphore(%arg17 : memref<!tpu.dma_semaphore, #tpu.memory_space<semaphore_mem>>)
    %add3A_20 = arith.constant 24 : i32
    %add3A_21 = arith.addi %mul3A_2, %add3A_20 : i32
    %dma_start3A_22 = arith.constant 0 : i32
    %dma_start3A_23 = tpu.memref_slice %arg2[%add3A_21, %dma_start3A_22] : memref<2048x1024xf32, #tpu.memory_space<hbm>> -> memref<8x1024xf32, #tpu.memory_space<hbm>>
    %dma_start3A_24 = arith.constant 0 : i32
    %dma_start3A_25 = tpu.memref_slice %arg2[%add3A_21, %dma_start3A_24] : memref<2048x1024xf32, #tpu.memory_space<hbm>> -> memref<8x1024xf32, #tpu.memory_space<hbm>>
    tpu.enqueue_dma source(%dma_start3A_25 : memref<8x1024xf32, #tpu.memory_space<hbm>>) target(%arg8 : memref<8x1024xf32, #tpu.memory_space<vmem>>) target_semaphore(%arg18 : memref<!tpu.dma_semaphore, #tpu.memory_space<semaphore_mem>>)
    %add3A_26 = arith.constant 32 : i32
    %add3A_27 = arith.addi %mul3A_2, %add3A_26 : i32
    %dma_start3A_28 = arith.constant 0 : i32
    %dma_start3A_29 = tpu.memref_slice %arg2[%add3A_27, %dma_start3A_28] : memref<2048x1024xf32, #tpu.memory_space<hbm>> -> memref<8x1024xf32, #tpu.memory_space<hbm>>
    %dma_start3A_30 = arith.constant 0 : i32
    %dma_start3A_31 = tpu.memref_slice %arg2[%add3A_27, %dma_start3A_30] : memref<2048x1024xf32, #tpu.memory_space<hbm>> -> memref<8x1024xf32, #tpu.memory_space<hbm>>
    tpu.enqueue_dma source(%dma_start3A_31 : memref<8x1024xf32, #tpu.memory_space<hbm>>) target(%arg9 : memref<8x1024xf32, #tpu.memory_space<vmem>>) target_semaphore(%arg19 : memref<!tpu.dma_semaphore, #tpu.memory_space<semaphore_mem>>)
    %add3A_32 = arith.constant 40 : i32
    %add3A_33 = arith.addi %mul3A_2, %add3A_32 : i32
    %dma_start3A_34 = arith.constant 0 : i32
    %dma_start3A_35 = tpu.memref_slice %arg2[%add3A_33, %dma_start3A_34] : memref<2048x1024xf32, #tpu.memory_space<hbm>> -> memref<8x1024xf32, #tpu.memory_space<hbm>>
    %dma_start3A_36 = arith.constant 0 : i32
    %dma_start3A_37 = tpu.memref_slice %arg2[%add3A_33, %dma_start3A_36] : memref<2048x1024xf32, #tpu.memory_space<hbm>> -> memref<8x1024xf32, #tpu.memory_space<hbm>>
    tpu.enqueue_dma source(%dma_start3A_37 : memref<8x1024xf32, #tpu.memory_space<hbm>>) target(%arg10 : memref<8x1024xf32, #tpu.memory_space<vmem>>) target_semaphore(%arg20 : memref<!tpu.dma_semaphore, #tpu.memory_space<semaphore_mem>>)
    %add3A_38 = arith.constant 48 : i32
    %add3A_39 = arith.addi %mul3A_2, %add3A_38 : i32
    %dma_start3A_40 = arith.constant 0 : i32
    %dma_start3A_41 = tpu.memref_slice %arg2[%add3A_39, %dma_start3A_40] : memref<2048x1024xf32, #tpu.memory_space<hbm>> -> memref<8x1024xf32, #tpu.memory_space<hbm>>
    %dma_start3A_42 = arith.constant 0 : i32
    %dma_start3A_43 = tpu.memref_slice %arg2[%add3A_39, %dma_start3A_42] : memref<2048x1024xf32, #tpu.memory_space<hbm>> -> memref<8x1024xf32, #tpu.memory_space<hbm>>
    tpu.enqueue_dma source(%dma_start3A_43 : memref<8x1024xf32, #tpu.memory_space<hbm>>) target(%arg11 : memref<8x1024xf32, #tpu.memory_space<vmem>>) target_semaphore(%arg21 : memref<!tpu.dma_semaphore, #tpu.memory_space<semaphore_mem>>)
    %add3A_44 = arith.constant 56 : i32
    %add3A_45 = arith.addi %mul3A_2, %add3A_44 : i32
    %dma_start3A_46 = arith.constant 0 : i32
    %dma_start3A_47 = tpu.memref_slice %arg2[%add3A_45, %dma_start3A_46] : memref<2048x1024xf32, #tpu.memory_space<hbm>> -> memref<8x1024xf32, #tpu.memory_space<hbm>>
    %dma_start3A_48 = arith.constant 0 : i32
    %dma_start3A_49 = tpu.memref_slice %arg2[%add3A_45, %dma_start3A_48] : memref<2048x1024xf32, #tpu.memory_space<hbm>> -> memref<8x1024xf32, #tpu.memory_space<hbm>>
    tpu.enqueue_dma source(%dma_start3A_49 : memref<8x1024xf32, #tpu.memory_space<hbm>>) target(%arg12 : memref<8x1024xf32, #tpu.memory_space<vmem>>) target_semaphore(%arg22 : memref<!tpu.dma_semaphore, #tpu.memory_space<semaphore_mem>>)
    "tpu.region"() ({
      %run_scoped3A = tpu.sem_alloc : memref<!tpu.dma_semaphore, #tpu.memory_space<semaphore_mem>>
      tpu.enqueue_dma source(%arg3 : memref<64xf32, #tpu.memory_space<hbm>>) target(%arg14 : memref<64xf32, #tpu.memory_space<vmem>>) target_semaphore(%run_scoped3A : memref<!tpu.dma_semaphore, #tpu.memory_space<semaphore_mem>>)
      tpu.wait_dma2 semaphore(%run_scoped3A : memref<!tpu.dma_semaphore, #tpu.memory_space<semaphore_mem>>) src(%arg3 : memref<64xf32, #tpu.memory_space<hbm>>) dst(%arg14 : memref<64xf32, #tpu.memory_space<vmem>>)
      tpu.yield
    }) : () -> ()
    %get3A = arith.constant 0 : index
    %get3A_50 = tpu.vector_load %arg14[%get3A] {strides = array<i32>} : memref<64xf32, #tpu.memory_space<vmem>>, vector<16xf32>,
    %get3A_51 = vector.shape_cast %get3A_50 : vector<16xf32> to vector<16xf32>
    %broadcast_in_dim3A = arith.constant 0 : i32
    %broadcast_in_dim3A_52 = vector.broadcast %broadcast_in_dim3A : i32 to vector<16x1xi32>
    %gather3A = vector.shape_cast %broadcast_in_dim3A_52 : vector<16x1xi32> to vector<16xi32>
    %gather3A_53 = tpu.dynamic_gather %get3A_51[%gather3A] in [0] : vector<16xf32>, vector<16xi32> -> vector<16xf32>
    %get3A_54 = arith.constant 48 : index
    %get3A_55 = tpu.vector_load %arg14[%get3A_54] {strides = array<i32>} : memref<64xf32, #tpu.memory_space<vmem>>, vector<16xf32>,
    %get3A_56 = vector.shape_cast %get3A_55 : vector<16xf32> to vector<16xf32>
    %broadcast_in_dim3A_57 = arith.constant 15 : i32
    %broadcast_in_dim3A_58 = vector.broadcast %broadcast_in_dim3A_57 : i32 to vector<16x1xi32>
    %gather3A_59 = vector.shape_cast %broadcast_in_dim3A_58 : vector<16x1xi32> to vector<16xi32>
    %gather3A_60 = tpu.dynamic_gather %get3A_56[%gather3A_59] in [0] : vector<16xf32>, vector<16xi32> -> vector<16xf32>
    %sub3A = arith.subf %gather3A_60, %gather3A_53 : vector<16xf32>
    %mul3A_61 = arith.constant 0.0158730168 : f32
    %mul3A_62 = vector.broadcast %mul3A_61 : f32 to vector<16xf32>
    %mul3A_63 = arith.mulf %sub3A, %mul3A_62 : vector<16xf32>
    %div3A = arith.constant 1.000000e+00 : f32
    %div3A_64 = vector.broadcast %div3A : f32 to vector<16xf32>
    %div3A_65 = arith.divf %div3A_64, %mul3A_63 : vector<16xf32>
    %neg3A = arith.constant 0.000000e+00 : f32
    %neg3A_66 = vector.broadcast %neg3A : f32 to vector<16xf32>
    %neg3A_67 = arith.subf %neg3A_66, %gather3A_53 : vector<16xf32>
    %mul3A_68 = arith.mulf %neg3A_67, %div3A_65 : vector<16xf32>
    %swap3A = arith.constant 0 : index
    %swap3A_69 = tpu.vector_load %arg13[%swap3A] {strides = array<i32>} : memref<64xf32, #tpu.memory_space<vmem>>, vector<16xf32>,
    %swap3A_70 = vector.shape_cast %swap3A_69 : vector<16xf32> to vector<16xf32>
    %swap3A_71 = vector.shape_cast %mul3A_68 : vector<16xf32> to vector<16xf32>
    tpu.vector_store %arg13[%swap3A], %swap3A_71 {strides = array<i32>} : memref<64xf32, #tpu.memory_space<vmem>>, vector<16xf32>,
    %swap3A_72 = arith.constant 16 : index
    %swap3A_73 = tpu.vector_load %arg13[%swap3A_72] {strides = array<i32>} : memref<64xf32, #tpu.memory_space<vmem>>, vector<16xf32>,
    %swap3A_74 = vector.shape_cast %swap3A_73 : vector<16xf32> to vector<16xf32>
    %swap3A_75 = vector.shape_cast %gather3A_53 : vector<16xf32> to vector<16xf32>
    tpu.vector_store %arg13[%swap3A_72], %swap3A_75 {strides = array<i32>} : memref<64xf32, #tpu.memory_space<vmem>>, vector<16xf32>,
    %swap3A_76 = arith.constant 32 : index
    %swap3A_77 = tpu.vector_load %arg13[%swap3A_76] {strides = array<i32>} : memref<64xf32, #tpu.memory_space<vmem>>, vector<16xf32>,
    %swap3A_78 = vector.shape_cast %swap3A_77 : vector<16xf32> to vector<16xf32>
    %swap3A_79 = vector.shape_cast %mul3A_63 : vector<16xf32> to vector<16xf32>
    tpu.vector_store %arg13[%swap3A_76], %swap3A_79 {strides = array<i32>} : memref<64xf32, #tpu.memory_space<vmem>>, vector<16xf32>,
    %swap3A_80 = arith.constant 48 : index
    %swap3A_81 = tpu.vector_load %arg13[%swap3A_80] {strides = array<i32>} : memref<64xf32, #tpu.memory_space<vmem>>, vector<16xf32>,
    %swap3A_82 = vector.shape_cast %swap3A_81 : vector<16xf32> to vector<16xf32>
    %swap3A_83 = vector.shape_cast %div3A_65 : vector<16xf32> to vector<16xf32>
    tpu.vector_store %arg13[%swap3A_80], %swap3A_83 {strides = array<i32>} : memref<64xf32, #tpu.memory_space<vmem>>, vector<16xf32>,
    %get3A_84 = arith.constant 0 : index
    %get3A_85 = tpu.vector_load %arg13[%get3A_84] {strides = array<i32>} : memref<64xf32, #tpu.memory_space<vmem>>, vector<16xf32>,
    %get3A_86 = vector.shape_cast %get3A_85 : vector<16xf32> to vector<16xf32>
    %get3A_87 = arith.constant 16 : index
    %get3A_88 = tpu.vector_load %arg13[%get3A_87] {strides = array<i32>} : memref<64xf32, #tpu.memory_space<vmem>>, vector<16xf32>,
    %get3A_89 = vector.shape_cast %get3A_88 : vector<16xf32> to vector<16xf32>
    %get3A_90 = arith.constant 32 : index
    %get3A_91 = tpu.vector_load %arg13[%get3A_90] {strides = array<i32>} : memref<64xf32, #tpu.memory_space<vmem>>, vector<16xf32>,
    %get3A_92 = vector.shape_cast %get3A_91 : vector<16xf32> to vector<16xf32>
    %get3A_93 = arith.constant 48 : index
    %get3A_94 = tpu.vector_load %arg13[%get3A_93] {strides = array<i32>} : memref<64xf32, #tpu.memory_space<vmem>>, vector<16xf32>,
    %get3A_95 = vector.shape_cast %get3A_94 : vector<16xf32> to vector<16xf32>
    %broadcast_in_dim3A_96 = arith.constant 6.300000e+01 : f32
    %broadcast_in_dim3A_97 = vector.broadcast %broadcast_in_dim3A_96 : f32 to vector<16xf32>
    %broadcast_in_dim3A_98 = arith.constant 0.000000e+00 : f32
    %broadcast_in_dim3A_99 = vector.broadcast %broadcast_in_dim3A_98 : f32 to vector<16xf32>
    %broadcast_in_dim3A_100 = arith.constant 0x4B400000 : f32
    %broadcast_in_dim3A_101 = vector.broadcast %broadcast_in_dim3A_100 : f32 to vector<16xf32>
    %dma_wait3A = arith.constant 0 : i32
    %dma_wait3A_102 = tpu.memref_slice %arg2[%add3A_4, %dma_wait3A] : memref<2048x1024xf32, #tpu.memory_space<hbm>> -> memref<8x1024xf32, #tpu.memory_space<hbm>>
    %dma_wait3A_103 = arith.constant 0 : i32
    %dma_wait3A_104 = tpu.memref_slice %arg2[%add3A_4, %dma_wait3A_103] : memref<2048x1024xf32, #tpu.memory_space<hbm>> -> memref<8x1024xf32, #tpu.memory_space<hbm>>
    tpu.wait_dma2 semaphore(%arg15 : memref<!tpu.dma_semaphore, #tpu.memory_space<semaphore_mem>>) src(%dma_wait3A_104 : memref<8x1024xf32, #tpu.memory_space<hbm>>) dst(%arg5 : memref<8x1024xf32, #tpu.memory_space<vmem>>)
    %parallel_loop3A = arith.constant 0 : i32
    %parallel_loop3A_105 = arith.constant 64 : i32
    %parallel_loop3A_106 = arith.constant 1 : i32
    scf.for %parallel_loop3A_236 = %parallel_loop3A to %parallel_loop3A_105 step %parallel_loop3A_106  : i32 {
      %parallel_loop3A_237 = arith.constant 16 : i32
      %parallel_loop3A_238 = arith.muli %parallel_loop3A_236, %parallel_loop3A_237 : i32
      %parallel_loop3A_239 = arith.constant 0 : i32
      %parallel_loop3A_240 = arith.index_cast %parallel_loop3A_239 : i32 to index
      %parallel_loop3A_241 = arith.index_cast %parallel_loop3A_238 : i32 to index
      %parallel_loop3A_242 = tpu.vector_load %arg5[%parallel_loop3A_240, %parallel_loop3A_241] {strides = array<i32>} : memref<8x1024xf32, #tpu.memory_space<vmem>>, vector<1x16xf32>,
      %parallel_loop3A_243 = vector.shape_cast %parallel_loop3A_242 : vector<1x16xf32> to vector<16xf32>
      %parallel_loop3A_244 = arith.mulf %parallel_loop3A_243, %get3A_95 : vector<16xf32>
      %parallel_loop3A_245 = arith.addf %parallel_loop3A_244, %get3A_86 : vector<16xf32>
      %parallel_loop3A_246 = arith.maximumf %parallel_loop3A_245, %broadcast_in_dim3A_99 : vector<16xf32>
      %parallel_loop3A_247 = arith.minimumf %parallel_loop3A_246, %broadcast_in_dim3A_97 : vector<16xf32>
      %parallel_loop3A_248 = arith.addf %parallel_loop3A_247, %broadcast_in_dim3A_101 : vector<16xf32>
      %parallel_loop3A_249 = arith.subf %parallel_loop3A_248, %broadcast_in_dim3A_101 : vector<16xf32>
      %parallel_loop3A_250 = arith.mulf %parallel_loop3A_249, %get3A_92 : vector<16xf32>
      %parallel_loop3A_251 = arith.addf %get3A_89, %parallel_loop3A_250 : vector<16xf32>
      %parallel_loop3A_252 = arith.constant 16 : i32
      %parallel_loop3A_253 = arith.muli %parallel_loop3A_236, %parallel_loop3A_252 : i32
      %parallel_loop3A_254 = arith.constant 0 : i32
      %parallel_loop3A_255 = arith.index_cast %parallel_loop3A_254 : i32 to index
      %parallel_loop3A_256 = arith.index_cast %parallel_loop3A_253 : i32 to index
      %parallel_loop3A_257 = tpu.vector_load %arg5[%parallel_loop3A_255, %parallel_loop3A_256] {strides = array<i32>} : memref<8x1024xf32, #tpu.memory_space<vmem>>, vector<1x16xf32>,
      %parallel_loop3A_258 = vector.shape_cast %parallel_loop3A_257 : vector<1x16xf32> to vector<16xf32>
      %parallel_loop3A_259 = vector.shape_cast %parallel_loop3A_251 : vector<16xf32> to vector<1x16xf32>
      tpu.vector_store %arg5[%parallel_loop3A_255, %parallel_loop3A_256], %parallel_loop3A_259 {strides = array<i32>} : memref<8x1024xf32, #tpu.memory_space<vmem>>, vector<1x16xf32>,
      %parallel_loop3A_260 = arith.constant 16 : i32
      %parallel_loop3A_261 = arith.muli %parallel_loop3A_236, %parallel_loop3A_260 : i32
      %parallel_loop3A_262 = arith.constant 1 : i32
      %parallel_loop3A_263 = arith.index_cast %parallel_loop3A_262 : i32 to index
      %parallel_loop3A_264 = arith.index_cast %parallel_loop3A_261 : i32 to index
      %parallel_loop3A_265 = tpu.vector_load %arg5[%parallel_loop3A_263, %parallel_loop3A_264] {strides = array<i32>} : memref<8x1024xf32, #tpu.memory_space<vmem>>, vector<1x16xf32>,
      %parallel_loop3A_266 = vector.shape_cast %parallel_loop3A_265 : vector<1x16xf32> to vector<16xf32>
      %parallel_loop3A_267 = arith.mulf %parallel_loop3A_266, %get3A_95 : vector<16xf32>
      %parallel_loop3A_268 = arith.addf %parallel_loop3A_267, %get3A_86 : vector<16xf32>
      %parallel_loop3A_269 = arith.maximumf %parallel_loop3A_268, %broadcast_in_dim3A_99 : vector<16xf32>
      %parallel_loop3A_270 = arith.minimumf %parallel_loop3A_269, %broadcast_in_dim3A_97 : vector<16xf32>
      %parallel_loop3A_271 = arith.addf %parallel_loop3A_270, %broadcast_in_dim3A_101 : vector<16xf32>
      %parallel_loop3A_272 = arith.subf %parallel_loop3A_271, %broadcast_in_dim3A_101 : vector<16xf32>
      %parallel_loop3A_273 = arith.mulf %parallel_loop3A_272, %get3A_92 : vector<16xf32>
      %parallel_loop3A_274 = arith.addf %get3A_89, %parallel_loop3A_273 : vector<16xf32>
      %parallel_loop3A_275 = arith.constant 16 : i32
      %parallel_loop3A_276 = arith.muli %parallel_loop3A_236, %parallel_loop3A_275 : i32
      %parallel_loop3A_277 = arith.constant 1 : i32
      %parallel_loop3A_278 = arith.index_cast %parallel_loop3A_277 : i32 to index
      %parallel_loop3A_279 = arith.index_cast %parallel_loop3A_276 : i32 to index
      %parallel_loop3A_280 = tpu.vector_load %arg5[%parallel_loop3A_278, %parallel_loop3A_279] {strides = array<i32>} : memref<8x1024xf32, #tpu.memory_space<vmem>>, vector<1x16xf32>,
      %parallel_loop3A_281 = vector.shape_cast %parallel_loop3A_280 : vector<1x16xf32> to vector<16xf32>
      %parallel_loop3A_282 = vector.shape_cast %parallel_loop3A_274 : vector<16xf32> to vector<1x16xf32>
      tpu.vector_store %arg5[%parallel_loop3A_278, %parallel_loop3A_279], %parallel_loop3A_282 {strides = array<i32>} : memref<8x1024xf32, #tpu.memory_space<vmem>>, vector<1x16xf32>,
      %parallel_loop3A_283 = arith.constant 16 : i32
      %parallel_loop3A_284 = arith.muli %parallel_loop3A_236, %parallel_loop3A_283 : i32
      %parallel_loop3A_285 = arith.constant 2 : i32
      %parallel_loop3A_286 = arith.index_cast %parallel_loop3A_285 : i32 to index
      %parallel_loop3A_287 = arith.index_cast %parallel_loop3A_284 : i32 to index
      %parallel_loop3A_288 = tpu.vector_load %arg5[%parallel_loop3A_286, %parallel_loop3A_287] {strides = array<i32>} : memref<8x1024xf32, #tpu.memory_space<vmem>>, vector<1x16xf32>,
      %parallel_loop3A_289 = vector.shape_cast %parallel_loop3A_288 : vector<1x16xf32> to vector<16xf32>
      %parallel_loop3A_290 = arith.mulf %parallel_loop3A_289, %get3A_95 : vector<16xf32>
      %parallel_loop3A_291 = arith.addf %parallel_loop3A_290, %get3A_86 : vector<16xf32>
      %parallel_loop3A_292 = arith.maximumf %parallel_loop3A_291, %broadcast_in_dim3A_99 : vector<16xf32>
      %parallel_loop3A_293 = arith.minimumf %parallel_loop3A_292, %broadcast_in_dim3A_97 : vector<16xf32>
      %parallel_loop3A_294 = arith.addf %parallel_loop3A_293, %broadcast_in_dim3A_101 : vector<16xf32>
      %parallel_loop3A_295 = arith.subf %parallel_loop3A_294, %broadcast_in_dim3A_101 : vector<16xf32>
      %parallel_loop3A_296 = arith.mulf %parallel_loop3A_295, %get3A_92 : vector<16xf32>
      %parallel_loop3A_297 = arith.addf %get3A_89, %parallel_loop3A_296 : vector<16xf32>
      %parallel_loop3A_298 = arith.constant 16 : i32
      %parallel_loop3A_299 = arith.muli %parallel_loop3A_236, %parallel_loop3A_298 : i32
      %parallel_loop3A_300 = arith.constant 2 : i32
      %parallel_loop3A_301 = arith.index_cast %parallel_loop3A_300 : i32 to index
      %parallel_loop3A_302 = arith.index_cast %parallel_loop3A_299 : i32 to index
      %parallel_loop3A_303 = tpu.vector_load %arg5[%parallel_loop3A_301, %parallel_loop3A_302] {strides = array<i32>} : memref<8x1024xf32, #tpu.memory_space<vmem>>, vector<1x16xf32>,
      %parallel_loop3A_304 = vector.shape_cast %parallel_loop3A_303 : vector<1x16xf32> to vector<16xf32>
      %parallel_loop3A_305 = vector.shape_cast %parallel_loop3A_297 : vector<16xf32> to vector<1x16xf32>
      tpu.vector_store %arg5[%parallel_loop3A_301, %parallel_loop3A_302], %parallel_loop3A_305 {strides = array<i32>} : memref<8x1024xf32, #tpu.memory_space<vmem>>, vector<1x16xf32>,
      %parallel_loop3A_306 = arith.constant 16 : i32
      %parallel_loop3A_307 = arith.muli %parallel_loop3A_236, %parallel_loop3A_306 : i32
      %parallel_loop3A_308 = arith.constant 3 : i32
      %parallel_loop3A_309 = arith.index_cast %parallel_loop3A_308 : i32 to index
      %parallel_loop3A_310 = arith.index_cast %parallel_loop3A_307 : i32 to index
      %parallel_loop3A_311 = tpu.vector_load %arg5[%parallel_loop3A_309, %parallel_loop3A_310] {strides = array<i32>} : memref<8x1024xf32, #tpu.memory_space<vmem>>, vector<1x16xf32>,
      %parallel_loop3A_312 = vector.shape_cast %parallel_loop3A_311 : vector<1x16xf32> to vector<16xf32>
      %parallel_loop3A_313 = arith.mulf %parallel_loop3A_312, %get3A_95 : vector<16xf32>
      %parallel_loop3A_314 = arith.addf %parallel_loop3A_313, %get3A_86 : vector<16xf32>
      %parallel_loop3A_315 = arith.maximumf %parallel_loop3A_314, %broadcast_in_dim3A_99 : vector<16xf32>
      %parallel_loop3A_316 = arith.minimumf %parallel_loop3A_315, %broadcast_in_dim3A_97 : vector<16xf32>
      %parallel_loop3A_317 = arith.addf %parallel_loop3A_316, %broadcast_in_dim3A_101 : vector<16xf32>
      %parallel_loop3A_318 = arith.subf %parallel_loop3A_317, %broadcast_in_dim3A_101 : vector<16xf32>
      %parallel_loop3A_319 = arith.mulf %parallel_loop3A_318, %get3A_92 : vector<16xf32>
      %parallel_loop3A_320 = arith.addf %get3A_89, %parallel_loop3A_319 : vector<16xf32>
      %parallel_loop3A_321 = arith.constant 16 : i32
      %parallel_loop3A_322 = arith.muli %parallel_loop3A_236, %parallel_loop3A_321 : i32
      %parallel_loop3A_323 = arith.constant 3 : i32
      %parallel_loop3A_324 = arith.index_cast %parallel_loop3A_323 : i32 to index
      %parallel_loop3A_325 = arith.index_cast %parallel_loop3A_322 : i32 to index
      %parallel_loop3A_326 = tpu.vector_load %arg5[%parallel_loop3A_324, %parallel_loop3A_325] {strides = array<i32>} : memref<8x1024xf32, #tpu.memory_space<vmem>>, vector<1x16xf32>,
      %parallel_loop3A_327 = vector.shape_cast %parallel_loop3A_326 : vector<1x16xf32> to vector<16xf32>
      %parallel_loop3A_328 = vector.shape_cast %parallel_loop3A_320 : vector<16xf32> to vector<1x16xf32>
      tpu.vector_store %arg5[%parallel_loop3A_324, %parallel_loop3A_325], %parallel_loop3A_328 {strides = array<i32>} : memref<8x1024xf32, #tpu.memory_space<vmem>>, vector<1x16xf32>,
      %parallel_loop3A_329 = arith.constant 16 : i32
      %parallel_loop3A_330 = arith.muli %parallel_loop3A_236, %parallel_loop3A_329 : i32
      %parallel_loop3A_331 = arith.constant 4 : i32
      %parallel_loop3A_332 = arith.index_cast %parallel_loop3A_331 : i32 to index
      %parallel_loop3A_333 = arith.index_cast %parallel_loop3A_330 : i32 to index
      %parallel_loop3A_334 = tpu.vector_load %arg5[%parallel_loop3A_332, %parallel_loop3A_333] {strides = array<i32>} : memref<8x1024xf32, #tpu.memory_space<vmem>>, vector<1x16xf32>,
      %parallel_loop3A_335 = vector.shape_cast %parallel_loop3A_334 : vector<1x16xf32> to vector<16xf32>
      %parallel_loop3A_336 = arith.mulf %parallel_loop3A_335, %get3A_95 : vector<16xf32>
      %parallel_loop3A_337 = arith.addf %parallel_loop3A_336, %get3A_86 : vector<16xf32>
      %parallel_loop3A_338 = arith.maximumf %parallel_loop3A_337, %broadcast_in_dim3A_99 : vector<16xf32>
      %parallel_loop3A_339 = arith.minimumf %parallel_loop3A_338, %broadcast_in_dim3A_97 : vector<16xf32>
      %parallel_loop3A_340 = arith.addf %parallel_loop3A_339, %broadcast_in_dim3A_101 : vector<16xf32>
      %parallel_loop3A_341 = arith.subf %parallel_loop3A_340, %broadcast_in_dim3A_101 : vector<16xf32>
      %parallel_loop3A_342 = arith.mulf %parallel_loop3A_341, %get3A_92 : vector<16xf32>
      %parallel_loop3A_343 = arith.addf %get3A_89, %parallel_loop3A_342 : vector<16xf32>
      %parallel_loop3A_344 = arith.constant 16 : i32
      %parallel_loop3A_345 = arith.muli %parallel_loop3A_236, %parallel_loop3A_344 : i32
      %parallel_loop3A_346 = arith.constant 4 : i32
      %parallel_loop3A_347 = arith.index_cast %parallel_loop3A_346 : i32 to index
      %parallel_loop3A_348 = arith.index_cast %parallel_loop3A_345 : i32 to index
      %parallel_loop3A_349 = tpu.vector_load %arg5[%parallel_loop3A_347, %parallel_loop3A_348] {strides = array<i32>} : memref<8x1024xf32, #tpu.memory_space<vmem>>, vector<1x16xf32>,
      %parallel_loop3A_350 = vector.shape_cast %parallel_loop3A_349 : vector<1x16xf32> to vector<16xf32>
      %parallel_loop3A_351 = vector.shape_cast %parallel_loop3A_343 : vector<16xf32> to vector<1x16xf32>
      tpu.vector_store %arg5[%parallel_loop3A_347, %parallel_loop3A_348], %parallel_loop3A_351 {strides = array<i32>} : memref<8x1024xf32, #tpu.memory_space<vmem>>, vector<1x16xf32>,
      %parallel_loop3A_352 = arith.constant 16 : i32
      %parallel_loop3A_353 = arith.muli %parallel_loop3A_236, %parallel_loop3A_352 : i32
      %parallel_loop3A_354 = arith.constant 5 : i32
      %parallel_loop3A_355 = arith.index_cast %parallel_loop3A_354 : i32 to index
      %parallel_loop3A_356 = arith.index_cast %parallel_loop3A_353 : i32 to index
      %parallel_loop3A_357 = tpu.vector_load %arg5[%parallel_loop3A_355, %parallel_loop3A_356] {strides = array<i32>} : memref<8x1024xf32, #tpu.memory_space<vmem>>, vector<1x16xf32>,
      %parallel_loop3A_358 = vector.shape_cast %parallel_loop3A_357 : vector<1x16xf32> to vector<16xf32>
      %parallel_loop3A_359 = arith.mulf %parallel_loop3A_358, %get3A_95 : vector<16xf32>
      %parallel_loop3A_360 = arith.addf %parallel_loop3A_359, %get3A_86 : vector<16xf32>
      %parallel_loop3A_361 = arith.maximumf %parallel_loop3A_360, %broadcast_in_dim3A_99 : vector<16xf32>
      %parallel_loop3A_362 = arith.minimumf %parallel_loop3A_361, %broadcast_in_dim3A_97 : vector<16xf32>
      %parallel_loop3A_363 = arith.addf %parallel_loop3A_362, %broadcast_in_dim3A_101 : vector<16xf32>
      %parallel_loop3A_364 = arith.subf %parallel_loop3A_363, %broadcast_in_dim3A_101 : vector<16xf32>
      %parallel_loop3A_365 = arith.mulf %parallel_loop3A_364, %get3A_92 : vector<16xf32>
      %parallel_loop3A_366 = arith.addf %get3A_89, %parallel_loop3A_365 : vector<16xf32>
      %parallel_loop3A_367 = arith.constant 16 : i32
      %parallel_loop3A_368 = arith.muli %parallel_loop3A_236, %parallel_loop3A_367 : i32
      %parallel_loop3A_369 = arith.constant 5 : i32
      %parallel_loop3A_370 = arith.index_cast %parallel_loop3A_369 : i32 to index
      %parallel_loop3A_371 = arith.index_cast %parallel_loop3A_368 : i32 to index
      %parallel_loop3A_372 = tpu.vector_load %arg5[%parallel_loop3A_370, %parallel_loop3A_371] {strides = array<i32>} : memref<8x1024xf32, #tpu.memory_space<vmem>>, vector<1x16xf32>,
      %parallel_loop3A_373 = vector.shape_cast %parallel_loop3A_372 : vector<1x16xf32> to vector<16xf32>
      %parallel_loop3A_374 = vector.shape_cast %parallel_loop3A_366 : vector<16xf32> to vector<1x16xf32>
      tpu.vector_store %arg5[%parallel_loop3A_370, %parallel_loop3A_371], %parallel_loop3A_374 {strides = array<i32>} : memref<8x1024xf32, #tpu.memory_space<vmem>>, vector<1x16xf32>,
      %parallel_loop3A_375 = arith.constant 16 : i32
      %parallel_loop3A_376 = arith.muli %parallel_loop3A_236, %parallel_loop3A_375 : i32
      %parallel_loop3A_377 = arith.constant 6 : i32
      %parallel_loop3A_378 = arith.index_cast %parallel_loop3A_377 : i32 to index
      %parallel_loop3A_379 = arith.index_cast %parallel_loop3A_376 : i32 to index
      %parallel_loop3A_380 = tpu.vector_load %arg5[%parallel_loop3A_378, %parallel_loop3A_379] {strides = array<i32>} : memref<8x1024xf32, #tpu.memory_space<vmem>>, vector<1x16xf32>,
      %parallel_loop3A_381 = vector.shape_cast %parallel_loop3A_380 : vector<1x16xf32> to vector<16xf32>
      %parallel_loop3A_382 = arith.mulf %parallel_loop3A_381, %get3A_95 : vector<16xf32>
      %parallel_loop3A_383 = arith.addf %parallel_loop3A_382, %get3A_86 : vector<16xf32>
      %parallel_loop3A_384 = arith.maximumf %parallel_loop3A_383, %broadcast_in_dim3A_99 : vector<16xf32>
      %parallel_loop3A_385 = arith.minimumf %parallel_loop3A_384, %broadcast_in_dim3A_97 : vector<16xf32>
      %parallel_loop3A_386 = arith.addf %parallel_loop3A_385, %broadcast_in_dim3A_101 : vector<16xf32>
      %parallel_loop3A_387 = arith.subf %parallel_loop3A_386, %broadcast_in_dim3A_101 : vector<16xf32>
      %parallel_loop3A_388 = arith.mulf %parallel_loop3A_387, %get3A_92 : vector<16xf32>
      %parallel_loop3A_389 = arith.addf %get3A_89, %parallel_loop3A_388 : vector<16xf32>
      %parallel_loop3A_390 = arith.constant 16 : i32
      %parallel_loop3A_391 = arith.muli %parallel_loop3A_236, %parallel_loop3A_390 : i32
      %parallel_loop3A_392 = arith.constant 6 : i32
      %parallel_loop3A_393 = arith.index_cast %parallel_loop3A_392 : i32 to index
      %parallel_loop3A_394 = arith.index_cast %parallel_loop3A_391 : i32 to index
      %parallel_loop3A_395 = tpu.vector_load %arg5[%parallel_loop3A_393, %parallel_loop3A_394] {strides = array<i32>} : memref<8x1024xf32, #tpu.memory_space<vmem>>, vector<1x16xf32>,
      %parallel_loop3A_396 = vector.shape_cast %parallel_loop3A_395 : vector<1x16xf32> to vector<16xf32>
      %parallel_loop3A_397 = vector.shape_cast %parallel_loop3A_389 : vector<16xf32> to vector<1x16xf32>
      tpu.vector_store %arg5[%parallel_loop3A_393, %parallel_loop3A_394], %parallel_loop3A_397 {strides = array<i32>} : memref<8x1024xf32, #tpu.memory_space<vmem>>, vector<1x16xf32>,
      %parallel_loop3A_398 = arith.constant 16 : i32
      %parallel_loop3A_399 = arith.muli %parallel_loop3A_236, %parallel_loop3A_398 : i32
      %parallel_loop3A_400 = arith.constant 7 : i32
      %parallel_loop3A_401 = arith.index_cast %parallel_loop3A_400 : i32 to index
      %parallel_loop3A_402 = arith.index_cast %parallel_loop3A_399 : i32 to index
      %parallel_loop3A_403 = tpu.vector_load %arg5[%parallel_loop3A_401, %parallel_loop3A_402] {strides = array<i32>} : memref<8x1024xf32, #tpu.memory_space<vmem>>, vector<1x16xf32>,
      %parallel_loop3A_404 = vector.shape_cast %parallel_loop3A_403 : vector<1x16xf32> to vector<16xf32>
      %parallel_loop3A_405 = arith.mulf %parallel_loop3A_404, %get3A_95 : vector<16xf32>
      %parallel_loop3A_406 = arith.addf %parallel_loop3A_405, %get3A_86 : vector<16xf32>
      %parallel_loop3A_407 = arith.maximumf %parallel_loop3A_406, %broadcast_in_dim3A_99 : vector<16xf32>
      %parallel_loop3A_408 = arith.minimumf %parallel_loop3A_407, %broadcast_in_dim3A_97 : vector<16xf32>
      %parallel_loop3A_409 = arith.addf %parallel_loop3A_408, %broadcast_in_dim3A_101 : vector<16xf32>
      %parallel_loop3A_410 = arith.subf %parallel_loop3A_409, %broadcast_in_dim3A_101 : vector<16xf32>
      %parallel_loop3A_411 = arith.mulf %parallel_loop3A_410, %get3A_92 : vector<16xf32>
      %parallel_loop3A_412 = arith.addf %get3A_89, %parallel_loop3A_411 : vector<16xf32>
      %parallel_loop3A_413 = arith.constant 16 : i32
      %parallel_loop3A_414 = arith.muli %parallel_loop3A_236, %parallel_loop3A_413 : i32
      %parallel_loop3A_415 = arith.constant 7 : i32
      %parallel_loop3A_416 = arith.index_cast %parallel_loop3A_415 : i32 to index
      %parallel_loop3A_417 = arith.index_cast %parallel_loop3A_414 : i32 to index
      %parallel_loop3A_418 = tpu.vector_load %arg5[%parallel_loop3A_416, %parallel_loop3A_417] {strides = array<i32>} : memref<8x1024xf32, #tpu.memory_space<vmem>>, vector<1x16xf32>,
      %parallel_loop3A_419 = vector.shape_cast %parallel_loop3A_418 : vector<1x16xf32> to vector<16xf32>
      %parallel_loop3A_420 = vector.shape_cast %parallel_loop3A_412 : vector<16xf32> to vector<1x16xf32>
      tpu.vector_store %arg5[%parallel_loop3A_416, %parallel_loop3A_417], %parallel_loop3A_420 {strides = array<i32>} : memref<8x1024xf32, #tpu.memory_space<vmem>>, vector<1x16xf32>,
    } {sc.loop_unroll_factor = 1 : i64, sc.parallel_access}
    %add3A_107 = arith.constant 0 : i32
    %add3A_108 = arith.addi %mul3A_2, %add3A_107 : i32
    %dma_start3A_109 = arith.constant 0 : i32
    %dma_start3A_110 = tpu.memref_slice %arg4[%add3A_108, %dma_start3A_109] : memref<2048x1024xf32, #tpu.memory_space<hbm>> -> memref<8x1024xf32, #tpu.memory_space<hbm>>
    %dma_start3A_111 = arith.constant 0 : i32
    %dma_start3A_112 = tpu.memref_slice %arg4[%add3A_108, %dma_start3A_111] : memref<2048x1024xf32, #tpu.memory_space<hbm>> -> memref<8x1024xf32, #tpu.memory_space<hbm>>
    tpu.enqueue_dma source(%arg5 : memref<8x1024xf32, #tpu.memory_space<vmem>>) target(%dma_start3A_112 : memref<8x1024xf32, #tpu.memory_space<hbm>>) target_semaphore(%arg23 : memref<!tpu.dma_semaphore, #tpu.memory_space<semaphore_mem>>)
    %dma_wait3A_113 = arith.constant 0 : i32
    %dma_wait3A_114 = tpu.memref_slice %arg2[%add3A_9, %dma_wait3A_113] : memref<2048x1024xf32, #tpu.memory_space<hbm>> -> memref<8x1024xf32, #tpu.memory_space<hbm>>
    %dma_wait3A_115 = arith.constant 0 : i32
    %dma_wait3A_116 = tpu.memref_slice %arg2[%add3A_9, %dma_wait3A_115] : memref<2048x1024xf32, #tpu.memory_space<hbm>> -> memref<8x1024xf32, #tpu.memory_space<hbm>>
    tpu.wait_dma2 semaphore(%arg16 : memref<!tpu.dma_semaphore, #tpu.memory_space<semaphore_mem>>) src(%dma_wait3A_116 : memref<8x1024xf32, #tpu.memory_space<hbm>>) dst(%arg6 : memref<8x1024xf32, #tpu.memory_space<vmem>>)
    %parallel_loop3A_117 = arith.constant 0 : i32
    %parallel_loop3A_118 = arith.constant 64 : i32
    %parallel_loop3A_119 = arith.constant 1 : i32
    scf.for %parallel_loop3A_236 = %parallel_loop3A_117 to %parallel_loop3A_118 step %parallel_loop3A_119  : i32 {
      %parallel_loop3A_237 = arith.constant 16 : i32
      %parallel_loop3A_238 = arith.muli %parallel_loop3A_236, %parallel_loop3A_237 : i32
      %parallel_loop3A_239 = arith.constant 0 : i32
      %parallel_loop3A_240 = arith.index_cast %parallel_loop3A_239 : i32 to index
      %parallel_loop3A_241 = arith.index_cast %parallel_loop3A_238 : i32 to index
      %parallel_loop3A_242 = tpu.vector_load %arg6[%parallel_loop3A_240, %parallel_loop3A_241] {strides = array<i32>} : memref<8x1024xf32, #tpu.memory_space<vmem>>, vector<1x16xf32>,
      %parallel_loop3A_243 = vector.shape_cast %parallel_loop3A_242 : vector<1x16xf32> to vector<16xf32>
      %parallel_loop3A_244 = arith.mulf %parallel_loop3A_243, %get3A_95 : vector<16xf32>
      %parallel_loop3A_245 = arith.addf %parallel_loop3A_244, %get3A_86 : vector<16xf32>
      %parallel_loop3A_246 = arith.maximumf %parallel_loop3A_245, %broadcast_in_dim3A_99 : vector<16xf32>
      %parallel_loop3A_247 = arith.minimumf %parallel_loop3A_246, %broadcast_in_dim3A_97 : vector<16xf32>
      %parallel_loop3A_248 = arith.addf %parallel_loop3A_247, %broadcast_in_dim3A_101 : vector<16xf32>
      %parallel_loop3A_249 = arith.subf %parallel_loop3A_248, %broadcast_in_dim3A_101 : vector<16xf32>
      %parallel_loop3A_250 = arith.mulf %parallel_loop3A_249, %get3A_92 : vector<16xf32>
      %parallel_loop3A_251 = arith.addf %get3A_89, %parallel_loop3A_250 : vector<16xf32>
      %parallel_loop3A_252 = arith.constant 16 : i32
      %parallel_loop3A_253 = arith.muli %parallel_loop3A_236, %parallel_loop3A_252 : i32
      %parallel_loop3A_254 = arith.constant 0 : i32
      %parallel_loop3A_255 = arith.index_cast %parallel_loop3A_254 : i32 to index
      %parallel_loop3A_256 = arith.index_cast %parallel_loop3A_253 : i32 to index
      %parallel_loop3A_257 = tpu.vector_load %arg6[%parallel_loop3A_255, %parallel_loop3A_256] {strides = array<i32>} : memref<8x1024xf32, #tpu.memory_space<vmem>>, vector<1x16xf32>,
      %parallel_loop3A_258 = vector.shape_cast %parallel_loop3A_257 : vector<1x16xf32> to vector<16xf32>
      %parallel_loop3A_259 = vector.shape_cast %parallel_loop3A_251 : vector<16xf32> to vector<1x16xf32>
      tpu.vector_store %arg6[%parallel_loop3A_255, %parallel_loop3A_256], %parallel_loop3A_259 {strides = array<i32>} : memref<8x1024xf32, #tpu.memory_space<vmem>>, vector<1x16xf32>,
      %parallel_loop3A_260 = arith.constant 16 : i32
      %parallel_loop3A_261 = arith.muli %parallel_loop3A_236, %parallel_loop3A_260 : i32
      %parallel_loop3A_262 = arith.constant 1 : i32
      %parallel_loop3A_263 = arith.index_cast %parallel_loop3A_262 : i32 to index
      %parallel_loop3A_264 = arith.index_cast %parallel_loop3A_261 : i32 to index
      %parallel_loop3A_265 = tpu.vector_load %arg6[%parallel_loop3A_263, %parallel_loop3A_264] {strides = array<i32>} : memref<8x1024xf32, #tpu.memory_space<vmem>>, vector<1x16xf32>,
      %parallel_loop3A_266 = vector.shape_cast %parallel_loop3A_265 : vector<1x16xf32> to vector<16xf32>
      %parallel_loop3A_267 = arith.mulf %parallel_loop3A_266, %get3A_95 : vector<16xf32>
      %parallel_loop3A_268 = arith.addf %parallel_loop3A_267, %get3A_86 : vector<16xf32>
      %parallel_loop3A_269 = arith.maximumf %parallel_loop3A_268, %broadcast_in_dim3A_99 : vector<16xf32>
      %parallel_loop3A_270 = arith.minimumf %parallel_loop3A_269, %broadcast_in_dim3A_97 : vector<16xf32>
      %parallel_loop3A_271 = arith.addf %parallel_loop3A_270, %broadcast_in_dim3A_101 : vector<16xf32>
      %parallel_loop3A_272 = arith.subf %parallel_loop3A_271, %broadcast_in_dim3A_101 : vector<16xf32>
      %parallel_loop3A_273 = arith.mulf %parallel_loop3A_272, %get3A_92 : vector<16xf32>
      %parallel_loop3A_274 = arith.addf %get3A_89, %parallel_loop3A_273 : vector<16xf32>
      %parallel_loop3A_275 = arith.constant 16 : i32
      %parallel_loop3A_276 = arith.muli %parallel_loop3A_236, %parallel_loop3A_275 : i32
      %parallel_loop3A_277 = arith.constant 1 : i32
      %parallel_loop3A_278 = arith.index_cast %parallel_loop3A_277 : i32 to index
      %parallel_loop3A_279 = arith.index_cast %parallel_loop3A_276 : i32 to index
      %parallel_loop3A_280 = tpu.vector_load %arg6[%parallel_loop3A_278, %parallel_loop3A_279] {strides = array<i32>} : memref<8x1024xf32, #tpu.memory_space<vmem>>, vector<1x16xf32>,
      %parallel_loop3A_281 = vector.shape_cast %parallel_loop3A_280 : vector<1x16xf32> to vector<16xf32>
      %parallel_loop3A_282 = vector.shape_cast %parallel_loop3A_274 : vector<16xf32> to vector<1x16xf32>
      tpu.vector_store %arg6[%parallel_loop3A_278, %parallel_loop3A_279], %parallel_loop3A_282 {strides = array<i32>} : memref<8x1024xf32, #tpu.memory_space<vmem>>, vector<1x16xf32>,
      %parallel_loop3A_283 = arith.constant 16 : i32
      %parallel_loop3A_284 = arith.muli %parallel_loop3A_236, %parallel_loop3A_283 : i32
      %parallel_loop3A_285 = arith.constant 2 : i32
      %parallel_loop3A_286 = arith.index_cast %parallel_loop3A_285 : i32 to index
      %parallel_loop3A_287 = arith.index_cast %parallel_loop3A_284 : i32 to index
      %parallel_loop3A_288 = tpu.vector_load %arg6[%parallel_loop3A_286, %parallel_loop3A_287] {strides = array<i32>} : memref<8x1024xf32, #tpu.memory_space<vmem>>, vector<1x16xf32>,
      %parallel_loop3A_289 = vector.shape_cast %parallel_loop3A_288 : vector<1x16xf32> to vector<16xf32>
      %parallel_loop3A_290 = arith.mulf %parallel_loop3A_289, %get3A_95 : vector<16xf32>
      %parallel_loop3A_291 = arith.addf %parallel_loop3A_290, %get3A_86 : vector<16xf32>
      %parallel_loop3A_292 = arith.maximumf %parallel_loop3A_291, %broadcast_in_dim3A_99 : vector<16xf32>
      %parallel_loop3A_293 = arith.minimumf %parallel_loop3A_292, %broadcast_in_dim3A_97 : vector<16xf32>
      %parallel_loop3A_294 = arith.addf %parallel_loop3A_293, %broadcast_in_dim3A_101 : vector<16xf32>
      %parallel_loop3A_295 = arith.subf %parallel_loop3A_294, %broadcast_in_dim3A_101 : vector<16xf32>
      %parallel_loop3A_296 = arith.mulf %parallel_loop3A_295, %get3A_92 : vector<16xf32>
      %parallel_loop3A_297 = arith.addf %get3A_89, %parallel_loop3A_296 : vector<16xf32>
      %parallel_loop3A_298 = arith.constant 16 : i32
      %parallel_loop3A_299 = arith.muli %parallel_loop3A_236, %parallel_loop3A_298 : i32
      %parallel_loop3A_300 = arith.constant 2 : i32
      %parallel_loop3A_301 = arith.index_cast %parallel_loop3A_300 : i32 to index
      %parallel_loop3A_302 = arith.index_cast %parallel_loop3A_299 : i32 to index
      %parallel_loop3A_303 = tpu.vector_load %arg6[%parallel_loop3A_301, %parallel_loop3A_302] {strides = array<i32>} : memref<8x1024xf32, #tpu.memory_space<vmem>>, vector<1x16xf32>,
      %parallel_loop3A_304 = vector.shape_cast %parallel_loop3A_303 : vector<1x16xf32> to vector<16xf32>
      %parallel_loop3A_305 = vector.shape_cast %parallel_loop3A_297 : vector<16xf32> to vector<1x16xf32>
      tpu.vector_store %arg6[%parallel_loop3A_301, %parallel_loop3A_302], %parallel_loop3A_305 {strides = array<i32>} : memref<8x1024xf32, #tpu.memory_space<vmem>>, vector<1x16xf32>,
      %parallel_loop3A_306 = arith.constant 16 : i32
      %parallel_loop3A_307 = arith.muli %parallel_loop3A_236, %parallel_loop3A_306 : i32
      %parallel_loop3A_308 = arith.constant 3 : i32
      %parallel_loop3A_309 = arith.index_cast %parallel_loop3A_308 : i32 to index
      %parallel_loop3A_310 = arith.index_cast %parallel_loop3A_307 : i32 to index
      %parallel_loop3A_311 = tpu.vector_load %arg6[%parallel_loop3A_309, %parallel_loop3A_310] {strides = array<i32>} : memref<8x1024xf32, #tpu.memory_space<vmem>>, vector<1x16xf32>,
      %parallel_loop3A_312 = vector.shape_cast %parallel_loop3A_311 : vector<1x16xf32> to vector<16xf32>
      %parallel_loop3A_313 = arith.mulf %parallel_loop3A_312, %get3A_95 : vector<16xf32>
      %parallel_loop3A_314 = arith.addf %parallel_loop3A_313, %get3A_86 : vector<16xf32>
      %parallel_loop3A_315 = arith.maximumf %parallel_loop3A_314, %broadcast_in_dim3A_99 : vector<16xf32>
      %parallel_loop3A_316 = arith.minimumf %parallel_loop3A_315, %broadcast_in_dim3A_97 : vector<16xf32>
      %parallel_loop3A_317 = arith.addf %parallel_loop3A_316, %broadcast_in_dim3A_101 : vector<16xf32>
      %parallel_loop3A_318 = arith.subf %parallel_loop3A_317, %broadcast_in_dim3A_101 : vector<16xf32>
      %parallel_loop3A_319 = arith.mulf %parallel_loop3A_318, %get3A_92 : vector<16xf32>
      %parallel_loop3A_320 = arith.addf %get3A_89, %parallel_loop3A_319 : vector<16xf32>
      %parallel_loop3A_321 = arith.constant 16 : i32
      %parallel_loop3A_322 = arith.muli %parallel_loop3A_236, %parallel_loop3A_321 : i32
      %parallel_loop3A_323 = arith.constant 3 : i32
      %parallel_loop3A_324 = arith.index_cast %parallel_loop3A_323 : i32 to index
      %parallel_loop3A_325 = arith.index_cast %parallel_loop3A_322 : i32 to index
      %parallel_loop3A_326 = tpu.vector_load %arg6[%parallel_loop3A_324, %parallel_loop3A_325] {strides = array<i32>} : memref<8x1024xf32, #tpu.memory_space<vmem>>, vector<1x16xf32>,
      %parallel_loop3A_327 = vector.shape_cast %parallel_loop3A_326 : vector<1x16xf32> to vector<16xf32>
      %parallel_loop3A_328 = vector.shape_cast %parallel_loop3A_320 : vector<16xf32> to vector<1x16xf32>
      tpu.vector_store %arg6[%parallel_loop3A_324, %parallel_loop3A_325], %parallel_loop3A_328 {strides = array<i32>} : memref<8x1024xf32, #tpu.memory_space<vmem>>, vector<1x16xf32>,
      %parallel_loop3A_329 = arith.constant 16 : i32
      %parallel_loop3A_330 = arith.muli %parallel_loop3A_236, %parallel_loop3A_329 : i32
      %parallel_loop3A_331 = arith.constant 4 : i32
      %parallel_loop3A_332 = arith.index_cast %parallel_loop3A_331 : i32 to index
      %parallel_loop3A_333 = arith.index_cast %parallel_loop3A_330 : i32 to index
      %parallel_loop3A_334 = tpu.vector_load %arg6[%parallel_loop3A_332, %parallel_loop3A_333] {strides = array<i32>} : memref<8x1024xf32, #tpu.memory_space<vmem>>, vector<1x16xf32>,
      %parallel_loop3A_335 = vector.shape_cast %parallel_loop3A_334 : vector<1x16xf32> to vector<16xf32>
      %parallel_loop3A_336 = arith.mulf %parallel_loop3A_335, %get3A_95 : vector<16xf32>
      %parallel_loop3A_337 = arith.addf %parallel_loop3A_336, %get3A_86 : vector<16xf32>
      %parallel_loop3A_338 = arith.maximumf %parallel_loop3A_337, %broadcast_in_dim3A_99 : vector<16xf32>
      %parallel_loop3A_339 = arith.minimumf %parallel_loop3A_338, %broadcast_in_dim3A_97 : vector<16xf32>
      %parallel_loop3A_340 = arith.addf %parallel_loop3A_339, %broadcast_in_dim3A_101 : vector<16xf32>
      %parallel_loop3A_341 = arith.subf %parallel_loop3A_340, %broadcast_in_dim3A_101 : vector<16xf32>
      %parallel_loop3A_342 = arith.mulf %parallel_loop3A_341, %get3A_92 : vector<16xf32>
      %parallel_loop3A_343 = arith.addf %get3A_89, %parallel_loop3A_342 : vector<16xf32>
      %parallel_loop3A_344 = arith.constant 16 : i32
      %parallel_loop3A_345 = arith.muli %parallel_loop3A_236, %parallel_loop3A_344 : i32
      %parallel_loop3A_346 = arith.constant 4 : i32
      %parallel_loop3A_347 = arith.index_cast %parallel_loop3A_346 : i32 to index
      %parallel_loop3A_348 = arith.index_cast %parallel_loop3A_345 : i32 to index
      %parallel_loop3A_349 = tpu.vector_load %arg6[%parallel_loop3A_347, %parallel_loop3A_348] {strides = array<i32>} : memref<8x1024xf32, #tpu.memory_space<vmem>>, vector<1x16xf32>,
      %parallel_loop3A_350 = vector.shape_cast %parallel_loop3A_349 : vector<1x16xf32> to vector<16xf32>
      %parallel_loop3A_351 = vector.shape_cast %parallel_loop3A_343 : vector<16xf32> to vector<1x16xf32>
      tpu.vector_store %arg6[%parallel_loop3A_347, %parallel_loop3A_348], %parallel_loop3A_351 {strides = array<i32>} : memref<8x1024xf32, #tpu.memory_space<vmem>>, vector<1x16xf32>,
      %parallel_loop3A_352 = arith.constant 16 : i32
      %parallel_loop3A_353 = arith.muli %parallel_loop3A_236, %parallel_loop3A_352 : i32
      %parallel_loop3A_354 = arith.constant 5 : i32
      %parallel_loop3A_355 = arith.index_cast %parallel_loop3A_354 : i32 to index
      %parallel_loop3A_356 = arith.index_cast %parallel_loop3A_353 : i32 to index
      %parallel_loop3A_357 = tpu.vector_load %arg6[%parallel_loop3A_355, %parallel_loop3A_356] {strides = array<i32>} : memref<8x1024xf32, #tpu.memory_space<vmem>>, vector<1x16xf32>,
      %parallel_loop3A_358 = vector.shape_cast %parallel_loop3A_357 : vector<1x16xf32> to vector<16xf32>
      %parallel_loop3A_359 = arith.mulf %parallel_loop3A_358, %get3A_95 : vector<16xf32>
      %parallel_loop3A_360 = arith.addf %parallel_loop3A_359, %get3A_86 : vector<16xf32>
      %parallel_loop3A_361 = arith.maximumf %parallel_loop3A_360, %broadcast_in_dim3A_99 : vector<16xf32>
      %parallel_loop3A_362 = arith.minimumf %parallel_loop3A_361, %broadcast_in_dim3A_97 : vector<16xf32>
      %parallel_loop3A_363 = arith.addf %parallel_loop3A_362, %broadcast_in_dim3A_101 : vector<16xf32>
      %parallel_loop3A_364 = arith.subf %parallel_loop3A_363, %broadcast_in_dim3A_101 : vector<16xf32>
      %parallel_loop3A_365 = arith.mulf %parallel_loop3A_364, %get3A_92 : vector<16xf32>
      %parallel_loop3A_366 = arith.addf %get3A_89, %parallel_loop3A_365 : vector<16xf32>
      %parallel_loop3A_367 = arith.constant 16 : i32
      %parallel_loop3A_368 = arith.muli %parallel_loop3A_236, %parallel_loop3A_367 : i32
      %parallel_loop3A_369 = arith.constant 5 : i32
      %parallel_loop3A_370 = arith.index_cast %parallel_loop3A_369 : i32 to index
      %parallel_loop3A_371 = arith.index_cast %parallel_loop3A_368 : i32 to index
      %parallel_loop3A_372 = tpu.vector_load %arg6[%parallel_loop3A_370, %parallel_loop3A_371] {strides = array<i32>} : memref<8x1024xf32, #tpu.memory_space<vmem>>, vector<1x16xf32>,
      %parallel_loop3A_373 = vector.shape_cast %parallel_loop3A_372 : vector<1x16xf32> to vector<16xf32>
      %parallel_loop3A_374 = vector.shape_cast %parallel_loop3A_366 : vector<16xf32> to vector<1x16xf32>
      tpu.vector_store %arg6[%parallel_loop3A_370, %parallel_loop3A_371], %parallel_loop3A_374 {strides = array<i32>} : memref<8x1024xf32, #tpu.memory_space<vmem>>, vector<1x16xf32>,
      %parallel_loop3A_375 = arith.constant 16 : i32
      %parallel_loop3A_376 = arith.muli %parallel_loop3A_236, %parallel_loop3A_375 : i32
      %parallel_loop3A_377 = arith.constant 6 : i32
      %parallel_loop3A_378 = arith.index_cast %parallel_loop3A_377 : i32 to index
      %parallel_loop3A_379 = arith.index_cast %parallel_loop3A_376 : i32 to index
      %parallel_loop3A_380 = tpu.vector_load %arg6[%parallel_loop3A_378, %parallel_loop3A_379] {strides = array<i32>} : memref<8x1024xf32, #tpu.memory_space<vmem>>, vector<1x16xf32>,
      %parallel_loop3A_381 = vector.shape_cast %parallel_loop3A_380 : vector<1x16xf32> to vector<16xf32>
      %parallel_loop3A_382 = arith.mulf %parallel_loop3A_381, %get3A_95 : vector<16xf32>
      %parallel_loop3A_383 = arith.addf %parallel_loop3A_382, %get3A_86 : vector<16xf32>
      %parallel_loop3A_384 = arith.maximumf %parallel_loop3A_383, %broadcast_in_dim3A_99 : vector<16xf32>
      %parallel_loop3A_385 = arith.minimumf %parallel_loop3A_384, %broadcast_in_dim3A_97 : vector<16xf32>
      %parallel_loop3A_386 = arith.addf %parallel_loop3A_385, %broadcast_in_dim3A_101 : vector<16xf32>
      %parallel_loop3A_387 = arith.subf %parallel_loop3A_386, %broadcast_in_dim3A_101 : vector<16xf32>
      %parallel_loop3A_388 = arith.mulf %parallel_loop3A_387, %get3A_92 : vector<16xf32>
      %parallel_loop3A_389 = arith.addf %get3A_89, %parallel_loop3A_388 : vector<16xf32>
      %parallel_loop3A_390 = arith.constant 16 : i32
      %parallel_loop3A_391 = arith.muli %parallel_loop3A_236, %parallel_loop3A_390 : i32
      %parallel_loop3A_392 = arith.constant 6 : i32
      %parallel_loop3A_393 = arith.index_cast %parallel_loop3A_392 : i32 to index
      %parallel_loop3A_394 = arith.index_cast %parallel_loop3A_391 : i32 to index
      %parallel_loop3A_395 = tpu.vector_load %arg6[%parallel_loop3A_393, %parallel_loop3A_394] {strides = array<i32>} : memref<8x1024xf32, #tpu.memory_space<vmem>>, vector<1x16xf32>,
      %parallel_loop3A_396 = vector.shape_cast %parallel_loop3A_395 : vector<1x16xf32> to vector<16xf32>
      %parallel_loop3A_397 = vector.shape_cast %parallel_loop3A_389 : vector<16xf32> to vector<1x16xf32>
      tpu.vector_store %arg6[%parallel_loop3A_393, %parallel_loop3A_394], %parallel_loop3A_397 {strides = array<i32>} : memref<8x1024xf32, #tpu.memory_space<vmem>>, vector<1x16xf32>,
      %parallel_loop3A_398 = arith.constant 16 : i32
      %parallel_loop3A_399 = arith.muli %parallel_loop3A_236, %parallel_loop3A_398 : i32
      %parallel_loop3A_400 = arith.constant 7 : i32
      %parallel_loop3A_401 = arith.index_cast %parallel_loop3A_400 : i32 to index
      %parallel_loop3A_402 = arith.index_cast %parallel_loop3A_399 : i32 to index
      %parallel_loop3A_403 = tpu.vector_load %arg6[%parallel_loop3A_401, %parallel_loop3A_402] {strides = array<i32>} : memref<8x1024xf32, #tpu.memory_space<vmem>>, vector<1x16xf32>,
      %parallel_loop3A_404 = vector.shape_cast %parallel_loop3A_403 : vector<1x16xf32> to vector<16xf32>
      %parallel_loop3A_405 = arith.mulf %parallel_loop3A_404, %get3A_95 : vector<16xf32>
      %parallel_loop3A_406 = arith.addf %parallel_loop3A_405, %get3A_86 : vector<16xf32>
      %parallel_loop3A_407 = arith.maximumf %parallel_loop3A_406, %broadcast_in_dim3A_99 : vector<16xf32>
      %parallel_loop3A_408 = arith.minimumf %parallel_loop3A_407, %broadcast_in_dim3A_97 : vector<16xf32>
      %parallel_loop3A_409 = arith.addf %parallel_loop3A_408, %broadcast_in_dim3A_101 : vector<16xf32>
      %parallel_loop3A_410 = arith.subf %parallel_loop3A_409, %broadcast_in_dim3A_101 : vector<16xf32>
      %parallel_loop3A_411 = arith.mulf %parallel_loop3A_410, %get3A_92 : vector<16xf32>
      %parallel_loop3A_412 = arith.addf %get3A_89, %parallel_loop3A_411 : vector<16xf32>
      %parallel_loop3A_413 = arith.constant 16 : i32
      %parallel_loop3A_414 = arith.muli %parallel_loop3A_236, %parallel_loop3A_413 : i32
      %parallel_loop3A_415 = arith.constant 7 : i32
      %parallel_loop3A_416 = arith.index_cast %parallel_loop3A_415 : i32 to index
      %parallel_loop3A_417 = arith.index_cast %parallel_loop3A_414 : i32 to index
      %parallel_loop3A_418 = tpu.vector_load %arg6[%parallel_loop3A_416, %parallel_loop3A_417] {strides = array<i32>} : memref<8x1024xf32, #tpu.memory_space<vmem>>, vector<1x16xf32>,
      %parallel_loop3A_419 = vector.shape_cast %parallel_loop3A_418 : vector<1x16xf32> to vector<16xf32>
      %parallel_loop3A_420 = vector.shape_cast %parallel_loop3A_412 : vector<16xf32> to vector<1x16xf32>
      tpu.vector_store %arg6[%parallel_loop3A_416, %parallel_loop3A_417], %parallel_loop3A_420 {strides = array<i32>} : memref<8x1024xf32, #tpu.memory_space<vmem>>, vector<1x16xf32>,
    } {sc.loop_unroll_factor = 1 : i64, sc.parallel_access}
    %add3A_120 = arith.constant 8 : i32
    %add3A_121 = arith.addi %mul3A_2, %add3A_120 : i32
    %dma_start3A_122 = arith.constant 0 : i32
    %dma_start3A_123 = tpu.memref_slice %arg4[%add3A_121, %dma_start3A_122] : memref<2048x1024xf32, #tpu.memory_space<hbm>> -> memref<8x1024xf32, #tpu.memory_space<hbm>>
    %dma_start3A_124 = arith.constant 0 : i32
    %dma_start3A_125 = tpu.memref_slice %arg4[%add3A_121, %dma_start3A_124] : memref<2048x1024xf32, #tpu.memory_space<hbm>> -> memref<8x1024xf32, #tpu.memory_space<hbm>>
    tpu.enqueue_dma source(%arg6 : memref<8x1024xf32, #tpu.memory_space<vmem>>) target(%dma_start3A_125 : memref<8x1024xf32, #tpu.memory_space<hbm>>) target_semaphore(%arg24 : memref<!tpu.dma_semaphore, #tpu.memory_space<semaphore_mem>>)
    %dma_wait3A_126 = arith.constant 0 : i32
    %dma_wait3A_127 = tpu.memref_slice %arg2[%add3A_15, %dma_wait3A_126] : memref<2048x1024xf32, #tpu.memory_space<hbm>> -> memref<8x1024xf32, #tpu.memory_space<hbm>>
    %dma_wait3A_128 = arith.constant 0 : i32
    %dma_wait3A_129 = tpu.memref_slice %arg2[%add3A_15, %dma_wait3A_128] : memref<2048x1024xf32, #tpu.memory_space<hbm>> -> memref<8x1024xf32, #tpu.memory_space<hbm>>
    tpu.wait_dma2 semaphore(%arg17 : memref<!tpu.dma_semaphore, #tpu.memory_space<semaphore_mem>>) src(%dma_wait3A_129 : memref<8x1024xf32, #tpu.memory_space<hbm>>) dst(%arg7 : memref<8x1024xf32, #tpu.memory_space<vmem>>)
    %parallel_loop3A_130 = arith.constant 0 : i32
    %parallel_loop3A_131 = arith.constant 64 : i32
    %parallel_loop3A_132 = arith.constant 1 : i32
    scf.for %parallel_loop3A_236 = %parallel_loop3A_130 to %parallel_loop3A_131 step %parallel_loop3A_132  : i32 {
      %parallel_loop3A_237 = arith.constant 16 : i32
      %parallel_loop3A_238 = arith.muli %parallel_loop3A_236, %parallel_loop3A_237 : i32
      %parallel_loop3A_239 = arith.constant 0 : i32
      %parallel_loop3A_240 = arith.index_cast %parallel_loop3A_239 : i32 to index
      %parallel_loop3A_241 = arith.index_cast %parallel_loop3A_238 : i32 to index
      %parallel_loop3A_242 = tpu.vector_load %arg7[%parallel_loop3A_240, %parallel_loop3A_241] {strides = array<i32>} : memref<8x1024xf32, #tpu.memory_space<vmem>>, vector<1x16xf32>,
      %parallel_loop3A_243 = vector.shape_cast %parallel_loop3A_242 : vector<1x16xf32> to vector<16xf32>
      %parallel_loop3A_244 = arith.mulf %parallel_loop3A_243, %get3A_95 : vector<16xf32>
      %parallel_loop3A_245 = arith.addf %parallel_loop3A_244, %get3A_86 : vector<16xf32>
      %parallel_loop3A_246 = arith.maximumf %parallel_loop3A_245, %broadcast_in_dim3A_99 : vector<16xf32>
      %parallel_loop3A_247 = arith.minimumf %parallel_loop3A_246, %broadcast_in_dim3A_97 : vector<16xf32>
      %parallel_loop3A_248 = arith.addf %parallel_loop3A_247, %broadcast_in_dim3A_101 : vector<16xf32>
      %parallel_loop3A_249 = arith.subf %parallel_loop3A_248, %broadcast_in_dim3A_101 : vector<16xf32>
      %parallel_loop3A_250 = arith.mulf %parallel_loop3A_249, %get3A_92 : vector<16xf32>
      %parallel_loop3A_251 = arith.addf %get3A_89, %parallel_loop3A_250 : vector<16xf32>
      %parallel_loop3A_252 = arith.constant 16 : i32
      %parallel_loop3A_253 = arith.muli %parallel_loop3A_236, %parallel_loop3A_252 : i32
      %parallel_loop3A_254 = arith.constant 0 : i32
      %parallel_loop3A_255 = arith.index_cast %parallel_loop3A_254 : i32 to index
      %parallel_loop3A_256 = arith.index_cast %parallel_loop3A_253 : i32 to index
      %parallel_loop3A_257 = tpu.vector_load %arg7[%parallel_loop3A_255, %parallel_loop3A_256] {strides = array<i32>} : memref<8x1024xf32, #tpu.memory_space<vmem>>, vector<1x16xf32>,
      %parallel_loop3A_258 = vector.shape_cast %parallel_loop3A_257 : vector<1x16xf32> to vector<16xf32>
      %parallel_loop3A_259 = vector.shape_cast %parallel_loop3A_251 : vector<16xf32> to vector<1x16xf32>
      tpu.vector_store %arg7[%parallel_loop3A_255, %parallel_loop3A_256], %parallel_loop3A_259 {strides = array<i32>} : memref<8x1024xf32, #tpu.memory_space<vmem>>, vector<1x16xf32>,
      %parallel_loop3A_260 = arith.constant 16 : i32
      %parallel_loop3A_261 = arith.muli %parallel_loop3A_236, %parallel_loop3A_260 : i32
      %parallel_loop3A_262 = arith.constant 1 : i32
      %parallel_loop3A_263 = arith.index_cast %parallel_loop3A_262 : i32 to index
      %parallel_loop3A_264 = arith.index_cast %parallel_loop3A_261 : i32 to index
      %parallel_loop3A_265 = tpu.vector_load %arg7[%parallel_loop3A_263, %parallel_loop3A_264] {strides = array<i32>} : memref<8x1024xf32, #tpu.memory_space<vmem>>, vector<1x16xf32>,
      %parallel_loop3A_266 = vector.shape_cast %parallel_loop3A_265 : vector<1x16xf32> to vector<16xf32>
      %parallel_loop3A_267 = arith.mulf %parallel_loop3A_266, %get3A_95 : vector<16xf32>
      %parallel_loop3A_268 = arith.addf %parallel_loop3A_267, %get3A_86 : vector<16xf32>
      %parallel_loop3A_269 = arith.maximumf %parallel_loop3A_268, %broadcast_in_dim3A_99 : vector<16xf32>
      %parallel_loop3A_270 = arith.minimumf %parallel_loop3A_269, %broadcast_in_dim3A_97 : vector<16xf32>
      %parallel_loop3A_271 = arith.addf %parallel_loop3A_270, %broadcast_in_dim3A_101 : vector<16xf32>
      %parallel_loop3A_272 = arith.subf %parallel_loop3A_271, %broadcast_in_dim3A_101 : vector<16xf32>
      %parallel_loop3A_273 = arith.mulf %parallel_loop3A_272, %get3A_92 : vector<16xf32>
      %parallel_loop3A_274 = arith.addf %get3A_89, %parallel_loop3A_273 : vector<16xf32>
      %parallel_loop3A_275 = arith.constant 16 : i32
      %parallel_loop3A_276 = arith.muli %parallel_loop3A_236, %parallel_loop3A_275 : i32
      %parallel_loop3A_277 = arith.constant 1 : i32
      %parallel_loop3A_278 = arith.index_cast %parallel_loop3A_277 : i32 to index
      %parallel_loop3A_279 = arith.index_cast %parallel_loop3A_276 : i32 to index
      %parallel_loop3A_280 = tpu.vector_load %arg7[%parallel_loop3A_278, %parallel_loop3A_279] {strides = array<i32>} : memref<8x1024xf32, #tpu.memory_space<vmem>>, vector<1x16xf32>,
      %parallel_loop3A_281 = vector.shape_cast %parallel_loop3A_280 : vector<1x16xf32> to vector<16xf32>
      %parallel_loop3A_282 = vector.shape_cast %parallel_loop3A_274 : vector<16xf32> to vector<1x16xf32>
      tpu.vector_store %arg7[%parallel_loop3A_278, %parallel_loop3A_279], %parallel_loop3A_282 {strides = array<i32>} : memref<8x1024xf32, #tpu.memory_space<vmem>>, vector<1x16xf32>,
      %parallel_loop3A_283 = arith.constant 16 : i32
      %parallel_loop3A_284 = arith.muli %parallel_loop3A_236, %parallel_loop3A_283 : i32
      %parallel_loop3A_285 = arith.constant 2 : i32
      %parallel_loop3A_286 = arith.index_cast %parallel_loop3A_285 : i32 to index
      %parallel_loop3A_287 = arith.index_cast %parallel_loop3A_284 : i32 to index
      %parallel_loop3A_288 = tpu.vector_load %arg7[%parallel_loop3A_286, %parallel_loop3A_287] {strides = array<i32>} : memref<8x1024xf32, #tpu.memory_space<vmem>>, vector<1x16xf32>,
      %parallel_loop3A_289 = vector.shape_cast %parallel_loop3A_288 : vector<1x16xf32> to vector<16xf32>
      %parallel_loop3A_290 = arith.mulf %parallel_loop3A_289, %get3A_95 : vector<16xf32>
      %parallel_loop3A_291 = arith.addf %parallel_loop3A_290, %get3A_86 : vector<16xf32>
      %parallel_loop3A_292 = arith.maximumf %parallel_loop3A_291, %broadcast_in_dim3A_99 : vector<16xf32>
      %parallel_loop3A_293 = arith.minimumf %parallel_loop3A_292, %broadcast_in_dim3A_97 : vector<16xf32>
      %parallel_loop3A_294 = arith.addf %parallel_loop3A_293, %broadcast_in_dim3A_101 : vector<16xf32>
      %parallel_loop3A_295 = arith.subf %parallel_loop3A_294, %broadcast_in_dim3A_101 : vector<16xf32>
      %parallel_loop3A_296 = arith.mulf %parallel_loop3A_295, %get3A_92 : vector<16xf32>
      %parallel_loop3A_297 = arith.addf %get3A_89, %parallel_loop3A_296 : vector<16xf32>
      %parallel_loop3A_298 = arith.constant 16 : i32
      %parallel_loop3A_299 = arith.muli %parallel_loop3A_236, %parallel_loop3A_298 : i32
      %parallel_loop3A_300 = arith.constant 2 : i32
      %parallel_loop3A_301 = arith.index_cast %parallel_loop3A_300 : i32 to index
      %parallel_loop3A_302 = arith.index_cast %parallel_loop3A_299 : i32 to index
      %parallel_loop3A_303 = tpu.vector_load %arg7[%parallel_loop3A_301, %parallel_loop3A_302] {strides = array<i32>} : memref<8x1024xf32, #tpu.memory_space<vmem>>, vector<1x16xf32>,
      %parallel_loop3A_304 = vector.shape_cast %parallel_loop3A_303 : vector<1x16xf32> to vector<16xf32>
      %parallel_loop3A_305 = vector.shape_cast %parallel_loop3A_297 : vector<16xf32> to vector<1x16xf32>
      tpu.vector_store %arg7[%parallel_loop3A_301, %parallel_loop3A_302], %parallel_loop3A_305 {strides = array<i32>} : memref<8x1024xf32, #tpu.memory_space<vmem>>, vector<1x16xf32>,
      %parallel_loop3A_306 = arith.constant 16 : i32
      %parallel_loop3A_307 = arith.muli %parallel_loop3A_236, %parallel_loop3A_306 : i32
      %parallel_loop3A_308 = arith.constant 3 : i32
      %parallel_loop3A_309 = arith.index_cast %parallel_loop3A_308 : i32 to index
      %parallel_loop3A_310 = arith.index_cast %parallel_loop3A_307 : i32 to index
      %parallel_loop3A_311 = tpu.vector_load %arg7[%parallel_loop3A_309, %parallel_loop3A_310] {strides = array<i32>} : memref<8x1024xf32, #tpu.memory_space<vmem>>, vector<1x16xf32>,
      %parallel_loop3A_312 = vector.shape_cast %parallel_loop3A_311 : vector<1x16xf32> to vector<16xf32>
      %parallel_loop3A_313 = arith.mulf %parallel_loop3A_312, %get3A_95 : vector<16xf32>
      %parallel_loop3A_314 = arith.addf %parallel_loop3A_313, %get3A_86 : vector<16xf32>
      %parallel_loop3A_315 = arith.maximumf %parallel_loop3A_314, %broadcast_in_dim3A_99 : vector<16xf32>
      %parallel_loop3A_316 = arith.minimumf %parallel_loop3A_315, %broadcast_in_dim3A_97 : vector<16xf32>
      %parallel_loop3A_317 = arith.addf %parallel_loop3A_316, %broadcast_in_dim3A_101 : vector<16xf32>
      %parallel_loop3A_318 = arith.subf %parallel_loop3A_317, %broadcast_in_dim3A_101 : vector<16xf32>
      %parallel_loop3A_319 = arith.mulf %parallel_loop3A_318, %get3A_92 : vector<16xf32>
      %parallel_loop3A_320 = arith.addf %get3A_89, %parallel_loop3A_319 : vector<16xf32>
      %parallel_loop3A_321 = arith.constant 16 : i32
      %parallel_loop3A_322 = arith.muli %parallel_loop3A_236, %parallel_loop3A_321 : i32
      %parallel_loop3A_323 = arith.constant 3 : i32
      %parallel_loop3A_324 = arith.index_cast %parallel_loop3A_323 : i32 to index
      %parallel_loop3A_325 = arith.index_cast %parallel_loop3A_322 : i32 to index
      %parallel_loop3A_326 = tpu.vector_load %arg7[%parallel_loop3A_324, %parallel_loop3A_325] {strides = array<i32>} : memref<8x1024xf32, #tpu.memory_space<vmem>>, vector<1x16xf32>,
      %parallel_loop3A_327 = vector.shape_cast %parallel_loop3A_326 : vector<1x16xf32> to vector<16xf32>
      %parallel_loop3A_328 = vector.shape_cast %parallel_loop3A_320 : vector<16xf32> to vector<1x16xf32>
      tpu.vector_store %arg7[%parallel_loop3A_324, %parallel_loop3A_325], %parallel_loop3A_328 {strides = array<i32>} : memref<8x1024xf32, #tpu.memory_space<vmem>>, vector<1x16xf32>,
      %parallel_loop3A_329 = arith.constant 16 : i32
      %parallel_loop3A_330 = arith.muli %parallel_loop3A_236, %parallel_loop3A_329 : i32
      %parallel_loop3A_331 = arith.constant 4 : i32
      %parallel_loop3A_332 = arith.index_cast %parallel_loop3A_331 : i32 to index
      %parallel_loop3A_333 = arith.index_cast %parallel_loop3A_330 : i32 to index
      %parallel_loop3A_334 = tpu.vector_load %arg7[%parallel_loop3A_332, %parallel_loop3A_333] {strides = array<i32>} : memref<8x1024xf32, #tpu.memory_space<vmem>>, vector<1x16xf32>,
      %parallel_loop3A_335 = vector.shape_cast %parallel_loop3A_334 : vector<1x16xf32> to vector<16xf32>
      %parallel_loop3A_336 = arith.mulf %parallel_loop3A_335, %get3A_95 : vector<16xf32>
      %parallel_loop3A_337 = arith.addf %parallel_loop3A_336, %get3A_86 : vector<16xf32>
      %parallel_loop3A_338 = arith.maximumf %parallel_loop3A_337, %broadcast_in_dim3A_99 : vector<16xf32>
      %parallel_loop3A_339 = arith.minimumf %parallel_loop3A_338, %broadcast_in_dim3A_97 : vector<16xf32>
      %parallel_loop3A_340 = arith.addf %parallel_loop3A_339, %broadcast_in_dim3A_101 : vector<16xf32>
      %parallel_loop3A_341 = arith.subf %parallel_loop3A_340, %broadcast_in_dim3A_101 : vector<16xf32>
      %parallel_loop3A_342 = arith.mulf %parallel_loop3A_341, %get3A_92 : vector<16xf32>
      %parallel_loop3A_343 = arith.addf %get3A_89, %parallel_loop3A_342 : vector<16xf32>
      %parallel_loop3A_344 = arith.constant 16 : i32
      %parallel_loop3A_345 = arith.muli %parallel_loop3A_236, %parallel_loop3A_344 : i32
      %parallel_loop3A_346 = arith.constant 4 : i32
      %parallel_loop3A_347 = arith.index_cast %parallel_loop3A_346 : i32 to index
      %parallel_loop3A_348 = arith.index_cast %parallel_loop3A_345 : i32 to index
      %parallel_loop3A_349 = tpu.vector_load %arg7[%parallel_loop3A_347, %parallel_loop3A_348] {strides = array<i32>} : memref<8x1024xf32, #tpu.memory_space<vmem>>, vector<1x16xf32>,
      %parallel_loop3A_350 = vector.shape_cast %parallel_loop3A_349 : vector<1x16xf32> to vector<16xf32>
      %parallel_loop3A_351 = vector.shape_cast %parallel_loop3A_343 : vector<16xf32> to vector<1x16xf32>
      tpu.vector_store %arg7[%parallel_loop3A_347, %parallel_loop3A_348], %parallel_loop3A_351 {strides = array<i32>} : memref<8x1024xf32, #tpu.memory_space<vmem>>, vector<1x16xf32>,
      %parallel_loop3A_352 = arith.constant 16 : i32
      %parallel_loop3A_353 = arith.muli %parallel_loop3A_236, %parallel_loop3A_352 : i32
      %parallel_loop3A_354 = arith.constant 5 : i32
      %parallel_loop3A_355 = arith.index_cast %parallel_loop3A_354 : i32 to index
      %parallel_loop3A_356 = arith.index_cast %parallel_loop3A_353 : i32 to index
      %parallel_loop3A_357 = tpu.vector_load %arg7[%parallel_loop3A_355, %parallel_loop3A_356] {strides = array<i32>} : memref<8x1024xf32, #tpu.memory_space<vmem>>, vector<1x16xf32>,
      %parallel_loop3A_358 = vector.shape_cast %parallel_loop3A_357 : vector<1x16xf32> to vector<16xf32>
      %parallel_loop3A_359 = arith.mulf %parallel_loop3A_358, %get3A_95 : vector<16xf32>
      %parallel_loop3A_360 = arith.addf %parallel_loop3A_359, %get3A_86 : vector<16xf32>
      %parallel_loop3A_361 = arith.maximumf %parallel_loop3A_360, %broadcast_in_dim3A_99 : vector<16xf32>
      %parallel_loop3A_362 = arith.minimumf %parallel_loop3A_361, %broadcast_in_dim3A_97 : vector<16xf32>
      %parallel_loop3A_363 = arith.addf %parallel_loop3A_362, %broadcast_in_dim3A_101 : vector<16xf32>
      %parallel_loop3A_364 = arith.subf %parallel_loop3A_363, %broadcast_in_dim3A_101 : vector<16xf32>
      %parallel_loop3A_365 = arith.mulf %parallel_loop3A_364, %get3A_92 : vector<16xf32>
      %parallel_loop3A_366 = arith.addf %get3A_89, %parallel_loop3A_365 : vector<16xf32>
      %parallel_loop3A_367 = arith.constant 16 : i32
      %parallel_loop3A_368 = arith.muli %parallel_loop3A_236, %parallel_loop3A_367 : i32
      %parallel_loop3A_369 = arith.constant 5 : i32
      %parallel_loop3A_370 = arith.index_cast %parallel_loop3A_369 : i32 to index
      %parallel_loop3A_371 = arith.index_cast %parallel_loop3A_368 : i32 to index
      %parallel_loop3A_372 = tpu.vector_load %arg7[%parallel_loop3A_370, %parallel_loop3A_371] {strides = array<i32>} : memref<8x1024xf32, #tpu.memory_space<vmem>>, vector<1x16xf32>,
      %parallel_loop3A_373 = vector.shape_cast %parallel_loop3A_372 : vector<1x16xf32> to vector<16xf32>
      %parallel_loop3A_374 = vector.shape_cast %parallel_loop3A_366 : vector<16xf32> to vector<1x16xf32>
      tpu.vector_store %arg7[%parallel_loop3A_370, %parallel_loop3A_371], %parallel_loop3A_374 {strides = array<i32>} : memref<8x1024xf32, #tpu.memory_space<vmem>>, vector<1x16xf32>,
      %parallel_loop3A_375 = arith.constant 16 : i32
      %parallel_loop3A_376 = arith.muli %parallel_loop3A_236, %parallel_loop3A_375 : i32
      %parallel_loop3A_377 = arith.constant 6 : i32
      %parallel_loop3A_378 = arith.index_cast %parallel_loop3A_377 : i32 to index
      %parallel_loop3A_379 = arith.index_cast %parallel_loop3A_376 : i32 to index
      %parallel_loop3A_380 = tpu.vector_load %arg7[%parallel_loop3A_378, %parallel_loop3A_379] {strides = array<i32>} : memref<8x1024xf32, #tpu.memory_space<vmem>>, vector<1x16xf32>,
      %parallel_loop3A_381 = vector.shape_cast %parallel_loop3A_380 : vector<1x16xf32> to vector<16xf32>
      %parallel_loop3A_382 = arith.mulf %parallel_loop3A_381, %get3A_95 : vector<16xf32>
      %parallel_loop3A_383 = arith.addf %parallel_loop3A_382, %get3A_86 : vector<16xf32>
      %parallel_loop3A_384 = arith.maximumf %parallel_loop3A_383, %broadcast_in_dim3A_99 : vector<16xf32>
      %parallel_loop3A_385 = arith.minimumf %parallel_loop3A_384, %broadcast_in_dim3A_97 : vector<16xf32>
      %parallel_loop3A_386 = arith.addf %parallel_loop3A_385, %broadcast_in_dim3A_101 : vector<16xf32>
      %parallel_loop3A_387 = arith.subf %parallel_loop3A_386, %broadcast_in_dim3A_101 : vector<16xf32>
      %parallel_loop3A_388 = arith.mulf %parallel_loop3A_387, %get3A_92 : vector<16xf32>
      %parallel_loop3A_389 = arith.addf %get3A_89, %parallel_loop3A_388 : vector<16xf32>
      %parallel_loop3A_390 = arith.constant 16 : i32
      %parallel_loop3A_391 = arith.muli %parallel_loop3A_236, %parallel_loop3A_390 : i32
      %parallel_loop3A_392 = arith.constant 6 : i32
      %parallel_loop3A_393 = arith.index_cast %parallel_loop3A_392 : i32 to index
      %parallel_loop3A_394 = arith.index_cast %parallel_loop3A_391 : i32 to index
      %parallel_loop3A_395 = tpu.vector_load %arg7[%parallel_loop3A_393, %parallel_loop3A_394] {strides = array<i32>} : memref<8x1024xf32, #tpu.memory_space<vmem>>, vector<1x16xf32>,
      %parallel_loop3A_396 = vector.shape_cast %parallel_loop3A_395 : vector<1x16xf32> to vector<16xf32>
      %parallel_loop3A_397 = vector.shape_cast %parallel_loop3A_389 : vector<16xf32> to vector<1x16xf32>
      tpu.vector_store %arg7[%parallel_loop3A_393, %parallel_loop3A_394], %parallel_loop3A_397 {strides = array<i32>} : memref<8x1024xf32, #tpu.memory_space<vmem>>, vector<1x16xf32>,
      %parallel_loop3A_398 = arith.constant 16 : i32
      %parallel_loop3A_399 = arith.muli %parallel_loop3A_236, %parallel_loop3A_398 : i32
      %parallel_loop3A_400 = arith.constant 7 : i32
      %parallel_loop3A_401 = arith.index_cast %parallel_loop3A_400 : i32 to index
      %parallel_loop3A_402 = arith.index_cast %parallel_loop3A_399 : i32 to index
      %parallel_loop3A_403 = tpu.vector_load %arg7[%parallel_loop3A_401, %parallel_loop3A_402] {strides = array<i32>} : memref<8x1024xf32, #tpu.memory_space<vmem>>, vector<1x16xf32>,
      %parallel_loop3A_404 = vector.shape_cast %parallel_loop3A_403 : vector<1x16xf32> to vector<16xf32>
      %parallel_loop3A_405 = arith.mulf %parallel_loop3A_404, %get3A_95 : vector<16xf32>
      %parallel_loop3A_406 = arith.addf %parallel_loop3A_405, %get3A_86 : vector<16xf32>
      %parallel_loop3A_407 = arith.maximumf %parallel_loop3A_406, %broadcast_in_dim3A_99 : vector<16xf32>
      %parallel_loop3A_408 = arith.minimumf %parallel_loop3A_407, %broadcast_in_dim3A_97 : vector<16xf32>
      %parallel_loop3A_409 = arith.addf %parallel_loop3A_408, %broadcast_in_dim3A_101 : vector<16xf32>
      %parallel_loop3A_410 = arith.subf %parallel_loop3A_409, %broadcast_in_dim3A_101 : vector<16xf32>
      %parallel_loop3A_411 = arith.mulf %parallel_loop3A_410, %get3A_92 : vector<16xf32>
      %parallel_loop3A_412 = arith.addf %get3A_89, %parallel_loop3A_411 : vector<16xf32>
      %parallel_loop3A_413 = arith.constant 16 : i32
      %parallel_loop3A_414 = arith.muli %parallel_loop3A_236, %parallel_loop3A_413 : i32
      %parallel_loop3A_415 = arith.constant 7 : i32
      %parallel_loop3A_416 = arith.index_cast %parallel_loop3A_415 : i32 to index
      %parallel_loop3A_417 = arith.index_cast %parallel_loop3A_414 : i32 to index
      %parallel_loop3A_418 = tpu.vector_load %arg7[%parallel_loop3A_416, %parallel_loop3A_417] {strides = array<i32>} : memref<8x1024xf32, #tpu.memory_space<vmem>>, vector<1x16xf32>,
      %parallel_loop3A_419 = vector.shape_cast %parallel_loop3A_418 : vector<1x16xf32> to vector<16xf32>
      %parallel_loop3A_420 = vector.shape_cast %parallel_loop3A_412 : vector<16xf32> to vector<1x16xf32>
      tpu.vector_store %arg7[%parallel_loop3A_416, %parallel_loop3A_417], %parallel_loop3A_420 {strides = array<i32>} : memref<8x1024xf32, #tpu.memory_space<vmem>>, vector<1x16xf32>,
    } {sc.loop_unroll_factor = 1 : i64, sc.parallel_access}
    %add3A_133 = arith.constant 16 : i32
    %add3A_134 = arith.addi %mul3A_2, %add3A_133 : i32
    %dma_start3A_135 = arith.constant 0 : i32
    %dma_start3A_136 = tpu.memref_slice %arg4[%add3A_134, %dma_start3A_135] : memref<2048x1024xf32, #tpu.memory_space<hbm>> -> memref<8x1024xf32, #tpu.memory_space<hbm>>
    %dma_start3A_137 = arith.constant 0 : i32
    %dma_start3A_138 = tpu.memref_slice %arg4[%add3A_134, %dma_start3A_137] : memref<2048x1024xf32, #tpu.memory_space<hbm>> -> memref<8x1024xf32, #tpu.memory_space<hbm>>
    tpu.enqueue_dma source(%arg7 : memref<8x1024xf32, #tpu.memory_space<vmem>>) target(%dma_start3A_138 : memref<8x1024xf32, #tpu.memory_space<hbm>>) target_semaphore(%arg25 : memref<!tpu.dma_semaphore, #tpu.memory_space<semaphore_mem>>)
    %dma_wait3A_139 = arith.constant 0 : i32
    %dma_wait3A_140 = tpu.memref_slice %arg2[%add3A_21, %dma_wait3A_139] : memref<2048x1024xf32, #tpu.memory_space<hbm>> -> memref<8x1024xf32, #tpu.memory_space<hbm>>
    %dma_wait3A_141 = arith.constant 0 : i32
    %dma_wait3A_142 = tpu.memref_slice %arg2[%add3A_21, %dma_wait3A_141] : memref<2048x1024xf32, #tpu.memory_space<hbm>> -> memref<8x1024xf32, #tpu.memory_space<hbm>>
    tpu.wait_dma2 semaphore(%arg18 : memref<!tpu.dma_semaphore, #tpu.memory_space<semaphore_mem>>) src(%dma_wait3A_142 : memref<8x1024xf32, #tpu.memory_space<hbm>>) dst(%arg8 : memref<8x1024xf32, #tpu.memory_space<vmem>>)
    %parallel_loop3A_143 = arith.constant 0 : i32
    %parallel_loop3A_144 = arith.constant 64 : i32
    %parallel_loop3A_145 = arith.constant 1 : i32
    scf.for %parallel_loop3A_236 = %parallel_loop3A_143 to %parallel_loop3A_144 step %parallel_loop3A_145  : i32 {
      %parallel_loop3A_237 = arith.constant 16 : i32
      %parallel_loop3A_238 = arith.muli %parallel_loop3A_236, %parallel_loop3A_237 : i32
      %parallel_loop3A_239 = arith.constant 0 : i32
      %parallel_loop3A_240 = arith.index_cast %parallel_loop3A_239 : i32 to index
      %parallel_loop3A_241 = arith.index_cast %parallel_loop3A_238 : i32 to index
      %parallel_loop3A_242 = tpu.vector_load %arg8[%parallel_loop3A_240, %parallel_loop3A_241] {strides = array<i32>} : memref<8x1024xf32, #tpu.memory_space<vmem>>, vector<1x16xf32>,
      %parallel_loop3A_243 = vector.shape_cast %parallel_loop3A_242 : vector<1x16xf32> to vector<16xf32>
      %parallel_loop3A_244 = arith.mulf %parallel_loop3A_243, %get3A_95 : vector<16xf32>
      %parallel_loop3A_245 = arith.addf %parallel_loop3A_244, %get3A_86 : vector<16xf32>
      %parallel_loop3A_246 = arith.maximumf %parallel_loop3A_245, %broadcast_in_dim3A_99 : vector<16xf32>
      %parallel_loop3A_247 = arith.minimumf %parallel_loop3A_246, %broadcast_in_dim3A_97 : vector<16xf32>
      %parallel_loop3A_248 = arith.addf %parallel_loop3A_247, %broadcast_in_dim3A_101 : vector<16xf32>
      %parallel_loop3A_249 = arith.subf %parallel_loop3A_248, %broadcast_in_dim3A_101 : vector<16xf32>
      %parallel_loop3A_250 = arith.mulf %parallel_loop3A_249, %get3A_92 : vector<16xf32>
      %parallel_loop3A_251 = arith.addf %get3A_89, %parallel_loop3A_250 : vector<16xf32>
      %parallel_loop3A_252 = arith.constant 16 : i32
      %parallel_loop3A_253 = arith.muli %parallel_loop3A_236, %parallel_loop3A_252 : i32
      %parallel_loop3A_254 = arith.constant 0 : i32
      %parallel_loop3A_255 = arith.index_cast %parallel_loop3A_254 : i32 to index
      %parallel_loop3A_256 = arith.index_cast %parallel_loop3A_253 : i32 to index
      %parallel_loop3A_257 = tpu.vector_load %arg8[%parallel_loop3A_255, %parallel_loop3A_256] {strides = array<i32>} : memref<8x1024xf32, #tpu.memory_space<vmem>>, vector<1x16xf32>,
      %parallel_loop3A_258 = vector.shape_cast %parallel_loop3A_257 : vector<1x16xf32> to vector<16xf32>
      %parallel_loop3A_259 = vector.shape_cast %parallel_loop3A_251 : vector<16xf32> to vector<1x16xf32>
      tpu.vector_store %arg8[%parallel_loop3A_255, %parallel_loop3A_256], %parallel_loop3A_259 {strides = array<i32>} : memref<8x1024xf32, #tpu.memory_space<vmem>>, vector<1x16xf32>,
      %parallel_loop3A_260 = arith.constant 16 : i32
      %parallel_loop3A_261 = arith.muli %parallel_loop3A_236, %parallel_loop3A_260 : i32
      %parallel_loop3A_262 = arith.constant 1 : i32
      %parallel_loop3A_263 = arith.index_cast %parallel_loop3A_262 : i32 to index
      %parallel_loop3A_264 = arith.index_cast %parallel_loop3A_261 : i32 to index
      %parallel_loop3A_265 = tpu.vector_load %arg8[%parallel_loop3A_263, %parallel_loop3A_264] {strides = array<i32>} : memref<8x1024xf32, #tpu.memory_space<vmem>>, vector<1x16xf32>,
      %parallel_loop3A_266 = vector.shape_cast %parallel_loop3A_265 : vector<1x16xf32> to vector<16xf32>
      %parallel_loop3A_267 = arith.mulf %parallel_loop3A_266, %get3A_95 : vector<16xf32>
      %parallel_loop3A_268 = arith.addf %parallel_loop3A_267, %get3A_86 : vector<16xf32>
      %parallel_loop3A_269 = arith.maximumf %parallel_loop3A_268, %broadcast_in_dim3A_99 : vector<16xf32>
      %parallel_loop3A_270 = arith.minimumf %parallel_loop3A_269, %broadcast_in_dim3A_97 : vector<16xf32>
      %parallel_loop3A_271 = arith.addf %parallel_loop3A_270, %broadcast_in_dim3A_101 : vector<16xf32>
      %parallel_loop3A_272 = arith.subf %parallel_loop3A_271, %broadcast_in_dim3A_101 : vector<16xf32>
      %parallel_loop3A_273 = arith.mulf %parallel_loop3A_272, %get3A_92 : vector<16xf32>
      %parallel_loop3A_274 = arith.addf %get3A_89, %parallel_loop3A_273 : vector<16xf32>
      %parallel_loop3A_275 = arith.constant 16 : i32
      %parallel_loop3A_276 = arith.muli %parallel_loop3A_236, %parallel_loop3A_275 : i32
      %parallel_loop3A_277 = arith.constant 1 : i32
      %parallel_loop3A_278 = arith.index_cast %parallel_loop3A_277 : i32 to index
      %parallel_loop3A_279 = arith.index_cast %parallel_loop3A_276 : i32 to index
      %parallel_loop3A_280 = tpu.vector_load %arg8[%parallel_loop3A_278, %parallel_loop3A_279] {strides = array<i32>} : memref<8x1024xf32, #tpu.memory_space<vmem>>, vector<1x16xf32>,
      %parallel_loop3A_281 = vector.shape_cast %parallel_loop3A_280 : vector<1x16xf32> to vector<16xf32>
      %parallel_loop3A_282 = vector.shape_cast %parallel_loop3A_274 : vector<16xf32> to vector<1x16xf32>
      tpu.vector_store %arg8[%parallel_loop3A_278, %parallel_loop3A_279], %parallel_loop3A_282 {strides = array<i32>} : memref<8x1024xf32, #tpu.memory_space<vmem>>, vector<1x16xf32>,
      %parallel_loop3A_283 = arith.constant 16 : i32
      %parallel_loop3A_284 = arith.muli %parallel_loop3A_236, %parallel_loop3A_283 : i32
      %parallel_loop3A_285 = arith.constant 2 : i32
      %parallel_loop3A_286 = arith.index_cast %parallel_loop3A_285 : i32 to index
      %parallel_loop3A_287 = arith.index_cast %parallel_loop3A_284 : i32 to index
      %parallel_loop3A_288 = tpu.vector_load %arg8[%parallel_loop3A_286, %parallel_loop3A_287] {strides = array<i32>} : memref<8x1024xf32, #tpu.memory_space<vmem>>, vector<1x16xf32>,
      %parallel_loop3A_289 = vector.shape_cast %parallel_loop3A_288 : vector<1x16xf32> to vector<16xf32>
      %parallel_loop3A_290 = arith.mulf %parallel_loop3A_289, %get3A_95 : vector<16xf32>
      %parallel_loop3A_291 = arith.addf %parallel_loop3A_290, %get3A_86 : vector<16xf32>
      %parallel_loop3A_292 = arith.maximumf %parallel_loop3A_291, %broadcast_in_dim3A_99 : vector<16xf32>
      %parallel_loop3A_293 = arith.minimumf %parallel_loop3A_292, %broadcast_in_dim3A_97 : vector<16xf32>
      %parallel_loop3A_294 = arith.addf %parallel_loop3A_293, %broadcast_in_dim3A_101 : vector<16xf32>
      %parallel_loop3A_295 = arith.subf %parallel_loop3A_294, %broadcast_in_dim3A_101 : vector<16xf32>
      %parallel_loop3A_296 = arith.mulf %parallel_loop3A_295, %get3A_92 : vector<16xf32>
      %parallel_loop3A_297 = arith.addf %get3A_89, %parallel_loop3A_296 : vector<16xf32>
      %parallel_loop3A_298 = arith.constant 16 : i32
      %parallel_loop3A_299 = arith.muli %parallel_loop3A_236, %parallel_loop3A_298 : i32
      %parallel_loop3A_300 = arith.constant 2 : i32
      %parallel_loop3A_301 = arith.index_cast %parallel_loop3A_300 : i32 to index
      %parallel_loop3A_302 = arith.index_cast %parallel_loop3A_299 : i32 to index
      %parallel_loop3A_303 = tpu.vector_load %arg8[%parallel_loop3A_301, %parallel_loop3A_302] {strides = array<i32>} : memref<8x1024xf32, #tpu.memory_space<vmem>>, vector<1x16xf32>,
      %parallel_loop3A_304 = vector.shape_cast %parallel_loop3A_303 : vector<1x16xf32> to vector<16xf32>
      %parallel_loop3A_305 = vector.shape_cast %parallel_loop3A_297 : vector<16xf32> to vector<1x16xf32>
      tpu.vector_store %arg8[%parallel_loop3A_301, %parallel_loop3A_302], %parallel_loop3A_305 {strides = array<i32>} : memref<8x1024xf32, #tpu.memory_space<vmem>>, vector<1x16xf32>,
      %parallel_loop3A_306 = arith.constant 16 : i32
      %parallel_loop3A_307 = arith.muli %parallel_loop3A_236, %parallel_loop3A_306 : i32
      %parallel_loop3A_308 = arith.constant 3 : i32
      %parallel_loop3A_309 = arith.index_cast %parallel_loop3A_308 : i32 to index
      %parallel_loop3A_310 = arith.index_cast %parallel_loop3A_307 : i32 to index
      %parallel_loop3A_311 = tpu.vector_load %arg8[%parallel_loop3A_309, %parallel_loop3A_310] {strides = array<i32>} : memref<8x1024xf32, #tpu.memory_space<vmem>>, vector<1x16xf32>,
      %parallel_loop3A_312 = vector.shape_cast %parallel_loop3A_311 : vector<1x16xf32> to vector<16xf32>
      %parallel_loop3A_313 = arith.mulf %parallel_loop3A_312, %get3A_95 : vector<16xf32>
      %parallel_loop3A_314 = arith.addf %parallel_loop3A_313, %get3A_86 : vector<16xf32>
      %parallel_loop3A_315 = arith.maximumf %parallel_loop3A_314, %broadcast_in_dim3A_99 : vector<16xf32>
      %parallel_loop3A_316 = arith.minimumf %parallel_loop3A_315, %broadcast_in_dim3A_97 : vector<16xf32>
      %parallel_loop3A_317 = arith.addf %parallel_loop3A_316, %broadcast_in_dim3A_101 : vector<16xf32>
      %parallel_loop3A_318 = arith.subf %parallel_loop3A_317, %broadcast_in_dim3A_101 : vector<16xf32>
      %parallel_loop3A_319 = arith.mulf %parallel_loop3A_318, %get3A_92 : vector<16xf32>
      %parallel_loop3A_320 = arith.addf %get3A_89, %parallel_loop3A_319 : vector<16xf32>
      %parallel_loop3A_321 = arith.constant 16 : i32
      %parallel_loop3A_322 = arith.muli %parallel_loop3A_236, %parallel_loop3A_321 : i32
      %parallel_loop3A_323 = arith.constant 3 : i32
      %parallel_loop3A_324 = arith.index_cast %parallel_loop3A_323 : i32 to index
      %parallel_loop3A_325 = arith.index_cast %parallel_loop3A_322 : i32 to index
      %parallel_loop3A_326 = tpu.vector_load %arg8[%parallel_loop3A_324, %parallel_loop3A_325] {strides = array<i32>} : memref<8x1024xf32, #tpu.memory_space<vmem>>, vector<1x16xf32>,
      %parallel_loop3A_327 = vector.shape_cast %parallel_loop3A_326 : vector<1x16xf32> to vector<16xf32>
      %parallel_loop3A_328 = vector.shape_cast %parallel_loop3A_320 : vector<16xf32> to vector<1x16xf32>
      tpu.vector_store %arg8[%parallel_loop3A_324, %parallel_loop3A_325], %parallel_loop3A_328 {strides = array<i32>} : memref<8x1024xf32, #tpu.memory_space<vmem>>, vector<1x16xf32>,
      %parallel_loop3A_329 = arith.constant 16 : i32
      %parallel_loop3A_330 = arith.muli %parallel_loop3A_236, %parallel_loop3A_329 : i32
      %parallel_loop3A_331 = arith.constant 4 : i32
      %parallel_loop3A_332 = arith.index_cast %parallel_loop3A_331 : i32 to index
      %parallel_loop3A_333 = arith.index_cast %parallel_loop3A_330 : i32 to index
      %parallel_loop3A_334 = tpu.vector_load %arg8[%parallel_loop3A_332, %parallel_loop3A_333] {strides = array<i32>} : memref<8x1024xf32, #tpu.memory_space<vmem>>, vector<1x16xf32>,
      %parallel_loop3A_335 = vector.shape_cast %parallel_loop3A_334 : vector<1x16xf32> to vector<16xf32>
      %parallel_loop3A_336 = arith.mulf %parallel_loop3A_335, %get3A_95 : vector<16xf32>
      %parallel_loop3A_337 = arith.addf %parallel_loop3A_336, %get3A_86 : vector<16xf32>
      %parallel_loop3A_338 = arith.maximumf %parallel_loop3A_337, %broadcast_in_dim3A_99 : vector<16xf32>
      %parallel_loop3A_339 = arith.minimumf %parallel_loop3A_338, %broadcast_in_dim3A_97 : vector<16xf32>
      %parallel_loop3A_340 = arith.addf %parallel_loop3A_339, %broadcast_in_dim3A_101 : vector<16xf32>
      %parallel_loop3A_341 = arith.subf %parallel_loop3A_340, %broadcast_in_dim3A_101 : vector<16xf32>
      %parallel_loop3A_342 = arith.mulf %parallel_loop3A_341, %get3A_92 : vector<16xf32>
      %parallel_loop3A_343 = arith.addf %get3A_89, %parallel_loop3A_342 : vector<16xf32>
      %parallel_loop3A_344 = arith.constant 16 : i32
      %parallel_loop3A_345 = arith.muli %parallel_loop3A_236, %parallel_loop3A_344 : i32
      %parallel_loop3A_346 = arith.constant 4 : i32
      %parallel_loop3A_347 = arith.index_cast %parallel_loop3A_346 : i32 to index
      %parallel_loop3A_348 = arith.index_cast %parallel_loop3A_345 : i32 to index
      %parallel_loop3A_349 = tpu.vector_load %arg8[%parallel_loop3A_347, %parallel_loop3A_348] {strides = array<i32>} : memref<8x1024xf32, #tpu.memory_space<vmem>>, vector<1x16xf32>,
      %parallel_loop3A_350 = vector.shape_cast %parallel_loop3A_349 : vector<1x16xf32> to vector<16xf32>
      %parallel_loop3A_351 = vector.shape_cast %parallel_loop3A_343 : vector<16xf32> to vector<1x16xf32>
      tpu.vector_store %arg8[%parallel_loop3A_347, %parallel_loop3A_348], %parallel_loop3A_351 {strides = array<i32>} : memref<8x1024xf32, #tpu.memory_space<vmem>>, vector<1x16xf32>,
      %parallel_loop3A_352 = arith.constant 16 : i32
      %parallel_loop3A_353 = arith.muli %parallel_loop3A_236, %parallel_loop3A_352 : i32
      %parallel_loop3A_354 = arith.constant 5 : i32
      %parallel_loop3A_355 = arith.index_cast %parallel_loop3A_354 : i32 to index
      %parallel_loop3A_356 = arith.index_cast %parallel_loop3A_353 : i32 to index
      %parallel_loop3A_357 = tpu.vector_load %arg8[%parallel_loop3A_355, %parallel_loop3A_356] {strides = array<i32>} : memref<8x1024xf32, #tpu.memory_space<vmem>>, vector<1x16xf32>,
      %parallel_loop3A_358 = vector.shape_cast %parallel_loop3A_357 : vector<1x16xf32> to vector<16xf32>
      %parallel_loop3A_359 = arith.mulf %parallel_loop3A_358, %get3A_95 : vector<16xf32>
      %parallel_loop3A_360 = arith.addf %parallel_loop3A_359, %get3A_86 : vector<16xf32>
      %parallel_loop3A_361 = arith.maximumf %parallel_loop3A_360, %broadcast_in_dim3A_99 : vector<16xf32>
      %parallel_loop3A_362 = arith.minimumf %parallel_loop3A_361, %broadcast_in_dim3A_97 : vector<16xf32>
      %parallel_loop3A_363 = arith.addf %parallel_loop3A_362, %broadcast_in_dim3A_101 : vector<16xf32>
      %parallel_loop3A_364 = arith.subf %parallel_loop3A_363, %broadcast_in_dim3A_101 : vector<16xf32>
      %parallel_loop3A_365 = arith.mulf %parallel_loop3A_364, %get3A_92 : vector<16xf32>
      %parallel_loop3A_366 = arith.addf %get3A_89, %parallel_loop3A_365 : vector<16xf32>
      %parallel_loop3A_367 = arith.constant 16 : i32
      %parallel_loop3A_368 = arith.muli %parallel_loop3A_236, %parallel_loop3A_367 : i32
      %parallel_loop3A_369 = arith.constant 5 : i32
      %parallel_loop3A_370 = arith.index_cast %parallel_loop3A_369 : i32 to index
      %parallel_loop3A_371 = arith.index_cast %parallel_loop3A_368 : i32 to index
      %parallel_loop3A_372 = tpu.vector_load %arg8[%parallel_loop3A_370, %parallel_loop3A_371] {strides = array<i32>} : memref<8x1024xf32, #tpu.memory_space<vmem>>, vector<1x16xf32>,
      %parallel_loop3A_373 = vector.shape_cast %parallel_loop3A_372 : vector<1x16xf32> to vector<16xf32>
      %parallel_loop3A_374 = vector.shape_cast %parallel_loop3A_366 : vector<16xf32> to vector<1x16xf32>
      tpu.vector_store %arg8[%parallel_loop3A_370, %parallel_loop3A_371], %parallel_loop3A_374 {strides = array<i32>} : memref<8x1024xf32, #tpu.memory_space<vmem>>, vector<1x16xf32>,
      %parallel_loop3A_375 = arith.constant 16 : i32
      %parallel_loop3A_376 = arith.muli %parallel_loop3A_236, %parallel_loop3A_375 : i32
      %parallel_loop3A_377 = arith.constant 6 : i32
      %parallel_loop3A_378 = arith.index_cast %parallel_loop3A_377 : i32 to index
      %parallel_loop3A_379 = arith.index_cast %parallel_loop3A_376 : i32 to index
      %parallel_loop3A_380 = tpu.vector_load %arg8[%parallel_loop3A_378, %parallel_loop3A_379] {strides = array<i32>} : memref<8x1024xf32, #tpu.memory_space<vmem>>, vector<1x16xf32>,
      %parallel_loop3A_381 = vector.shape_cast %parallel_loop3A_380 : vector<1x16xf32> to vector<16xf32>
      %parallel_loop3A_382 = arith.mulf %parallel_loop3A_381, %get3A_95 : vector<16xf32>
      %parallel_loop3A_383 = arith.addf %parallel_loop3A_382, %get3A_86 : vector<16xf32>
      %parallel_loop3A_384 = arith.maximumf %parallel_loop3A_383, %broadcast_in_dim3A_99 : vector<16xf32>
      %parallel_loop3A_385 = arith.minimumf %parallel_loop3A_384, %broadcast_in_dim3A_97 : vector<16xf32>
      %parallel_loop3A_386 = arith.addf %parallel_loop3A_385, %broadcast_in_dim3A_101 : vector<16xf32>
      %parallel_loop3A_387 = arith.subf %parallel_loop3A_386, %broadcast_in_dim3A_101 : vector<16xf32>
      %parallel_loop3A_388 = arith.mulf %parallel_loop3A_387, %get3A_92 : vector<16xf32>
      %parallel_loop3A_389 = arith.addf %get3A_89, %parallel_loop3A_388 : vector<16xf32>
      %parallel_loop3A_390 = arith.constant 16 : i32
      %parallel_loop3A_391 = arith.muli %parallel_loop3A_236, %parallel_loop3A_390 : i32
      %parallel_loop3A_392 = arith.constant 6 : i32
      %parallel_loop3A_393 = arith.index_cast %parallel_loop3A_392 : i32 to index
      %parallel_loop3A_394 = arith.index_cast %parallel_loop3A_391 : i32 to index
      %parallel_loop3A_395 = tpu.vector_load %arg8[%parallel_loop3A_393, %parallel_loop3A_394] {strides = array<i32>} : memref<8x1024xf32, #tpu.memory_space<vmem>>, vector<1x16xf32>,
      %parallel_loop3A_396 = vector.shape_cast %parallel_loop3A_395 : vector<1x16xf32> to vector<16xf32>
      %parallel_loop3A_397 = vector.shape_cast %parallel_loop3A_389 : vector<16xf32> to vector<1x16xf32>
      tpu.vector_store %arg8[%parallel_loop3A_393, %parallel_loop3A_394], %parallel_loop3A_397 {strides = array<i32>} : memref<8x1024xf32, #tpu.memory_space<vmem>>, vector<1x16xf32>,
      %parallel_loop3A_398 = arith.constant 16 : i32
      %parallel_loop3A_399 = arith.muli %parallel_loop3A_236, %parallel_loop3A_398 : i32
      %parallel_loop3A_400 = arith.constant 7 : i32
      %parallel_loop3A_401 = arith.index_cast %parallel_loop3A_400 : i32 to index
      %parallel_loop3A_402 = arith.index_cast %parallel_loop3A_399 : i32 to index
      %parallel_loop3A_403 = tpu.vector_load %arg8[%parallel_loop3A_401, %parallel_loop3A_402] {strides = array<i32>} : memref<8x1024xf32, #tpu.memory_space<vmem>>, vector<1x16xf32>,
      %parallel_loop3A_404 = vector.shape_cast %parallel_loop3A_403 : vector<1x16xf32> to vector<16xf32>
      %parallel_loop3A_405 = arith.mulf %parallel_loop3A_404, %get3A_95 : vector<16xf32>
      %parallel_loop3A_406 = arith.addf %parallel_loop3A_405, %get3A_86 : vector<16xf32>
      %parallel_loop3A_407 = arith.maximumf %parallel_loop3A_406, %broadcast_in_dim3A_99 : vector<16xf32>
      %parallel_loop3A_408 = arith.minimumf %parallel_loop3A_407, %broadcast_in_dim3A_97 : vector<16xf32>
      %parallel_loop3A_409 = arith.addf %parallel_loop3A_408, %broadcast_in_dim3A_101 : vector<16xf32>
      %parallel_loop3A_410 = arith.subf %parallel_loop3A_409, %broadcast_in_dim3A_101 : vector<16xf32>
      %parallel_loop3A_411 = arith.mulf %parallel_loop3A_410, %get3A_92 : vector<16xf32>
      %parallel_loop3A_412 = arith.addf %get3A_89, %parallel_loop3A_411 : vector<16xf32>
      %parallel_loop3A_413 = arith.constant 16 : i32
      %parallel_loop3A_414 = arith.muli %parallel_loop3A_236, %parallel_loop3A_413 : i32
      %parallel_loop3A_415 = arith.constant 7 : i32
      %parallel_loop3A_416 = arith.index_cast %parallel_loop3A_415 : i32 to index
      %parallel_loop3A_417 = arith.index_cast %parallel_loop3A_414 : i32 to index
      %parallel_loop3A_418 = tpu.vector_load %arg8[%parallel_loop3A_416, %parallel_loop3A_417] {strides = array<i32>} : memref<8x1024xf32, #tpu.memory_space<vmem>>, vector<1x16xf32>,
      %parallel_loop3A_419 = vector.shape_cast %parallel_loop3A_418 : vector<1x16xf32> to vector<16xf32>
      %parallel_loop3A_420 = vector.shape_cast %parallel_loop3A_412 : vector<16xf32> to vector<1x16xf32>
      tpu.vector_store %arg8[%parallel_loop3A_416, %parallel_loop3A_417], %parallel_loop3A_420 {strides = array<i32>} : memref<8x1024xf32, #tpu.memory_space<vmem>>, vector<1x16xf32>,
    } {sc.loop_unroll_factor = 1 : i64, sc.parallel_access}
    %add3A_146 = arith.constant 24 : i32
    %add3A_147 = arith.addi %mul3A_2, %add3A_146 : i32
    %dma_start3A_148 = arith.constant 0 : i32
    %dma_start3A_149 = tpu.memref_slice %arg4[%add3A_147, %dma_start3A_148] : memref<2048x1024xf32, #tpu.memory_space<hbm>> -> memref<8x1024xf32, #tpu.memory_space<hbm>>
    %dma_start3A_150 = arith.constant 0 : i32
    %dma_start3A_151 = tpu.memref_slice %arg4[%add3A_147, %dma_start3A_150] : memref<2048x1024xf32, #tpu.memory_space<hbm>> -> memref<8x1024xf32, #tpu.memory_space<hbm>>
    tpu.enqueue_dma source(%arg8 : memref<8x1024xf32, #tpu.memory_space<vmem>>) target(%dma_start3A_151 : memref<8x1024xf32, #tpu.memory_space<hbm>>) target_semaphore(%arg26 : memref<!tpu.dma_semaphore, #tpu.memory_space<semaphore_mem>>)
    %dma_wait3A_152 = arith.constant 0 : i32
    %dma_wait3A_153 = tpu.memref_slice %arg2[%add3A_27, %dma_wait3A_152] : memref<2048x1024xf32, #tpu.memory_space<hbm>> -> memref<8x1024xf32, #tpu.memory_space<hbm>>
    %dma_wait3A_154 = arith.constant 0 : i32
    %dma_wait3A_155 = tpu.memref_slice %arg2[%add3A_27, %dma_wait3A_154] : memref<2048x1024xf32, #tpu.memory_space<hbm>> -> memref<8x1024xf32, #tpu.memory_space<hbm>>
    tpu.wait_dma2 semaphore(%arg19 : memref<!tpu.dma_semaphore, #tpu.memory_space<semaphore_mem>>) src(%dma_wait3A_155 : memref<8x1024xf32, #tpu.memory_space<hbm>>) dst(%arg9 : memref<8x1024xf32, #tpu.memory_space<vmem>>)
    %parallel_loop3A_156 = arith.constant 0 : i32
    %parallel_loop3A_157 = arith.constant 64 : i32
    %parallel_loop3A_158 = arith.constant 1 : i32
    scf.for %parallel_loop3A_236 = %parallel_loop3A_156 to %parallel_loop3A_157 step %parallel_loop3A_158  : i32 {
      %parallel_loop3A_237 = arith.constant 16 : i32
      %parallel_loop3A_238 = arith.muli %parallel_loop3A_236, %parallel_loop3A_237 : i32
      %parallel_loop3A_239 = arith.constant 0 : i32
      %parallel_loop3A_240 = arith.index_cast %parallel_loop3A_239 : i32 to index
      %parallel_loop3A_241 = arith.index_cast %parallel_loop3A_238 : i32 to index
      %parallel_loop3A_242 = tpu.vector_load %arg9[%parallel_loop3A_240, %parallel_loop3A_241] {strides = array<i32>} : memref<8x1024xf32, #tpu.memory_space<vmem>>, vector<1x16xf32>,
      %parallel_loop3A_243 = vector.shape_cast %parallel_loop3A_242 : vector<1x16xf32> to vector<16xf32>
      %parallel_loop3A_244 = arith.mulf %parallel_loop3A_243, %get3A_95 : vector<16xf32>
      %parallel_loop3A_245 = arith.addf %parallel_loop3A_244, %get3A_86 : vector<16xf32>
      %parallel_loop3A_246 = arith.maximumf %parallel_loop3A_245, %broadcast_in_dim3A_99 : vector<16xf32>
      %parallel_loop3A_247 = arith.minimumf %parallel_loop3A_246, %broadcast_in_dim3A_97 : vector<16xf32>
      %parallel_loop3A_248 = arith.addf %parallel_loop3A_247, %broadcast_in_dim3A_101 : vector<16xf32>
      %parallel_loop3A_249 = arith.subf %parallel_loop3A_248, %broadcast_in_dim3A_101 : vector<16xf32>
      %parallel_loop3A_250 = arith.mulf %parallel_loop3A_249, %get3A_92 : vector<16xf32>
      %parallel_loop3A_251 = arith.addf %get3A_89, %parallel_loop3A_250 : vector<16xf32>
      %parallel_loop3A_252 = arith.constant 16 : i32
      %parallel_loop3A_253 = arith.muli %parallel_loop3A_236, %parallel_loop3A_252 : i32
      %parallel_loop3A_254 = arith.constant 0 : i32
      %parallel_loop3A_255 = arith.index_cast %parallel_loop3A_254 : i32 to index
      %parallel_loop3A_256 = arith.index_cast %parallel_loop3A_253 : i32 to index
      %parallel_loop3A_257 = tpu.vector_load %arg9[%parallel_loop3A_255, %parallel_loop3A_256] {strides = array<i32>} : memref<8x1024xf32, #tpu.memory_space<vmem>>, vector<1x16xf32>,
      %parallel_loop3A_258 = vector.shape_cast %parallel_loop3A_257 : vector<1x16xf32> to vector<16xf32>
      %parallel_loop3A_259 = vector.shape_cast %parallel_loop3A_251 : vector<16xf32> to vector<1x16xf32>
      tpu.vector_store %arg9[%parallel_loop3A_255, %parallel_loop3A_256], %parallel_loop3A_259 {strides = array<i32>} : memref<8x1024xf32, #tpu.memory_space<vmem>>, vector<1x16xf32>,
      %parallel_loop3A_260 = arith.constant 16 : i32
      %parallel_loop3A_261 = arith.muli %parallel_loop3A_236, %parallel_loop3A_260 : i32
      %parallel_loop3A_262 = arith.constant 1 : i32
      %parallel_loop3A_263 = arith.index_cast %parallel_loop3A_262 : i32 to index
      %parallel_loop3A_264 = arith.index_cast %parallel_loop3A_261 : i32 to index
      %parallel_loop3A_265 = tpu.vector_load %arg9[%parallel_loop3A_263, %parallel_loop3A_264] {strides = array<i32>} : memref<8x1024xf32, #tpu.memory_space<vmem>>, vector<1x16xf32>,
      %parallel_loop3A_266 = vector.shape_cast %parallel_loop3A_265 : vector<1x16xf32> to vector<16xf32>
      %parallel_loop3A_267 = arith.mulf %parallel_loop3A_266, %get3A_95 : vector<16xf32>
      %parallel_loop3A_268 = arith.addf %parallel_loop3A_267, %get3A_86 : vector<16xf32>
      %parallel_loop3A_269 = arith.maximumf %parallel_loop3A_268, %broadcast_in_dim3A_99 : vector<16xf32>
      %parallel_loop3A_270 = arith.minimumf %parallel_loop3A_269, %broadcast_in_dim3A_97 : vector<16xf32>
      %parallel_loop3A_271 = arith.addf %parallel_loop3A_270, %broadcast_in_dim3A_101 : vector<16xf32>
      %parallel_loop3A_272 = arith.subf %parallel_loop3A_271, %broadcast_in_dim3A_101 : vector<16xf32>
      %parallel_loop3A_273 = arith.mulf %parallel_loop3A_272, %get3A_92 : vector<16xf32>
      %parallel_loop3A_274 = arith.addf %get3A_89, %parallel_loop3A_273 : vector<16xf32>
      %parallel_loop3A_275 = arith.constant 16 : i32
      %parallel_loop3A_276 = arith.muli %parallel_loop3A_236, %parallel_loop3A_275 : i32
      %parallel_loop3A_277 = arith.constant 1 : i32
      %parallel_loop3A_278 = arith.index_cast %parallel_loop3A_277 : i32 to index
      %parallel_loop3A_279 = arith.index_cast %parallel_loop3A_276 : i32 to index
      %parallel_loop3A_280 = tpu.vector_load %arg9[%parallel_loop3A_278, %parallel_loop3A_279] {strides = array<i32>} : memref<8x1024xf32, #tpu.memory_space<vmem>>, vector<1x16xf32>,
      %parallel_loop3A_281 = vector.shape_cast %parallel_loop3A_280 : vector<1x16xf32> to vector<16xf32>
      %parallel_loop3A_282 = vector.shape_cast %parallel_loop3A_274 : vector<16xf32> to vector<1x16xf32>
      tpu.vector_store %arg9[%parallel_loop3A_278, %parallel_loop3A_279], %parallel_loop3A_282 {strides = array<i32>} : memref<8x1024xf32, #tpu.memory_space<vmem>>, vector<1x16xf32>,
      %parallel_loop3A_283 = arith.constant 16 : i32
      %parallel_loop3A_284 = arith.muli %parallel_loop3A_236, %parallel_loop3A_283 : i32
      %parallel_loop3A_285 = arith.constant 2 : i32
      %parallel_loop3A_286 = arith.index_cast %parallel_loop3A_285 : i32 to index
      %parallel_loop3A_287 = arith.index_cast %parallel_loop3A_284 : i32 to index
      %parallel_loop3A_288 = tpu.vector_load %arg9[%parallel_loop3A_286, %parallel_loop3A_287] {strides = array<i32>} : memref<8x1024xf32, #tpu.memory_space<vmem>>, vector<1x16xf32>,
      %parallel_loop3A_289 = vector.shape_cast %parallel_loop3A_288 : vector<1x16xf32> to vector<16xf32>
      %parallel_loop3A_290 = arith.mulf %parallel_loop3A_289, %get3A_95 : vector<16xf32>
      %parallel_loop3A_291 = arith.addf %parallel_loop3A_290, %get3A_86 : vector<16xf32>
      %parallel_loop3A_292 = arith.maximumf %parallel_loop3A_291, %broadcast_in_dim3A_99 : vector<16xf32>
      %parallel_loop3A_293 = arith.minimumf %parallel_loop3A_292, %broadcast_in_dim3A_97 : vector<16xf32>
      %parallel_loop3A_294 = arith.addf %parallel_loop3A_293, %broadcast_in_dim3A_101 : vector<16xf32>
      %parallel_loop3A_295 = arith.subf %parallel_loop3A_294, %broadcast_in_dim3A_101 : vector<16xf32>
      %parallel_loop3A_296 = arith.mulf %parallel_loop3A_295, %get3A_92 : vector<16xf32>
      %parallel_loop3A_297 = arith.addf %get3A_89, %parallel_loop3A_296 : vector<16xf32>
      %parallel_loop3A_298 = arith.constant 16 : i32
      %parallel_loop3A_299 = arith.muli %parallel_loop3A_236, %parallel_loop3A_298 : i32
      %parallel_loop3A_300 = arith.constant 2 : i32
      %parallel_loop3A_301 = arith.index_cast %parallel_loop3A_300 : i32 to index
      %parallel_loop3A_302 = arith.index_cast %parallel_loop3A_299 : i32 to index
      %parallel_loop3A_303 = tpu.vector_load %arg9[%parallel_loop3A_301, %parallel_loop3A_302] {strides = array<i32>} : memref<8x1024xf32, #tpu.memory_space<vmem>>, vector<1x16xf32>,
      %parallel_loop3A_304 = vector.shape_cast %parallel_loop3A_303 : vector<1x16xf32> to vector<16xf32>
      %parallel_loop3A_305 = vector.shape_cast %parallel_loop3A_297 : vector<16xf32> to vector<1x16xf32>
      tpu.vector_store %arg9[%parallel_loop3A_301, %parallel_loop3A_302], %parallel_loop3A_305 {strides = array<i32>} : memref<8x1024xf32, #tpu.memory_space<vmem>>, vector<1x16xf32>,
      %parallel_loop3A_306 = arith.constant 16 : i32
      %parallel_loop3A_307 = arith.muli %parallel_loop3A_236, %parallel_loop3A_306 : i32
      %parallel_loop3A_308 = arith.constant 3 : i32
      %parallel_loop3A_309 = arith.index_cast %parallel_loop3A_308 : i32 to index
      %parallel_loop3A_310 = arith.index_cast %parallel_loop3A_307 : i32 to index
      %parallel_loop3A_311 = tpu.vector_load %arg9[%parallel_loop3A_309, %parallel_loop3A_310] {strides = array<i32>} : memref<8x1024xf32, #tpu.memory_space<vmem>>, vector<1x16xf32>,
      %parallel_loop3A_312 = vector.shape_cast %parallel_loop3A_311 : vector<1x16xf32> to vector<16xf32>
      %parallel_loop3A_313 = arith.mulf %parallel_loop3A_312, %get3A_95 : vector<16xf32>
      %parallel_loop3A_314 = arith.addf %parallel_loop3A_313, %get3A_86 : vector<16xf32>
      %parallel_loop3A_315 = arith.maximumf %parallel_loop3A_314, %broadcast_in_dim3A_99 : vector<16xf32>
      %parallel_loop3A_316 = arith.minimumf %parallel_loop3A_315, %broadcast_in_dim3A_97 : vector<16xf32>
      %parallel_loop3A_317 = arith.addf %parallel_loop3A_316, %broadcast_in_dim3A_101 : vector<16xf32>
      %parallel_loop3A_318 = arith.subf %parallel_loop3A_317, %broadcast_in_dim3A_101 : vector<16xf32>
      %parallel_loop3A_319 = arith.mulf %parallel_loop3A_318, %get3A_92 : vector<16xf32>
      %parallel_loop3A_320 = arith.addf %get3A_89, %parallel_loop3A_319 : vector<16xf32>
      %parallel_loop3A_321 = arith.constant 16 : i32
      %parallel_loop3A_322 = arith.muli %parallel_loop3A_236, %parallel_loop3A_321 : i32
      %parallel_loop3A_323 = arith.constant 3 : i32
      %parallel_loop3A_324 = arith.index_cast %parallel_loop3A_323 : i32 to index
      %parallel_loop3A_325 = arith.index_cast %parallel_loop3A_322 : i32 to index
      %parallel_loop3A_326 = tpu.vector_load %arg9[%parallel_loop3A_324, %parallel_loop3A_325] {strides = array<i32>} : memref<8x1024xf32, #tpu.memory_space<vmem>>, vector<1x16xf32>,
      %parallel_loop3A_327 = vector.shape_cast %parallel_loop3A_326 : vector<1x16xf32> to vector<16xf32>
      %parallel_loop3A_328 = vector.shape_cast %parallel_loop3A_320 : vector<16xf32> to vector<1x16xf32>
      tpu.vector_store %arg9[%parallel_loop3A_324, %parallel_loop3A_325], %parallel_loop3A_328 {strides = array<i32>} : memref<8x1024xf32, #tpu.memory_space<vmem>>, vector<1x16xf32>,
      %parallel_loop3A_329 = arith.constant 16 : i32
      %parallel_loop3A_330 = arith.muli %parallel_loop3A_236, %parallel_loop3A_329 : i32
      %parallel_loop3A_331 = arith.constant 4 : i32
      %parallel_loop3A_332 = arith.index_cast %parallel_loop3A_331 : i32 to index
      %parallel_loop3A_333 = arith.index_cast %parallel_loop3A_330 : i32 to index
      %parallel_loop3A_334 = tpu.vector_load %arg9[%parallel_loop3A_332, %parallel_loop3A_333] {strides = array<i32>} : memref<8x1024xf32, #tpu.memory_space<vmem>>, vector<1x16xf32>,
      %parallel_loop3A_335 = vector.shape_cast %parallel_loop3A_334 : vector<1x16xf32> to vector<16xf32>
      %parallel_loop3A_336 = arith.mulf %parallel_loop3A_335, %get3A_95 : vector<16xf32>
      %parallel_loop3A_337 = arith.addf %parallel_loop3A_336, %get3A_86 : vector<16xf32>
      %parallel_loop3A_338 = arith.maximumf %parallel_loop3A_337, %broadcast_in_dim3A_99 : vector<16xf32>
      %parallel_loop3A_339 = arith.minimumf %parallel_loop3A_338, %broadcast_in_dim3A_97 : vector<16xf32>
      %parallel_loop3A_340 = arith.addf %parallel_loop3A_339, %broadcast_in_dim3A_101 : vector<16xf32>
      %parallel_loop3A_341 = arith.subf %parallel_loop3A_340, %broadcast_in_dim3A_101 : vector<16xf32>
      %parallel_loop3A_342 = arith.mulf %parallel_loop3A_341, %get3A_92 : vector<16xf32>
      %parallel_loop3A_343 = arith.addf %get3A_89, %parallel_loop3A_342 : vector<16xf32>
      %parallel_loop3A_344 = arith.constant 16 : i32
      %parallel_loop3A_345 = arith.muli %parallel_loop3A_236, %parallel_loop3A_344 : i32
      %parallel_loop3A_346 = arith.constant 4 : i32
      %parallel_loop3A_347 = arith.index_cast %parallel_loop3A_346 : i32 to index
      %parallel_loop3A_348 = arith.index_cast %parallel_loop3A_345 : i32 to index
      %parallel_loop3A_349 = tpu.vector_load %arg9[%parallel_loop3A_347, %parallel_loop3A_348] {strides = array<i32>} : memref<8x1024xf32, #tpu.memory_space<vmem>>, vector<1x16xf32>,
      %parallel_loop3A_350 = vector.shape_cast %parallel_loop3A_349 : vector<1x16xf32> to vector<16xf32>
      %parallel_loop3A_351 = vector.shape_cast %parallel_loop3A_343 : vector<16xf32> to vector<1x16xf32>
      tpu.vector_store %arg9[%parallel_loop3A_347, %parallel_loop3A_348], %parallel_loop3A_351 {strides = array<i32>} : memref<8x1024xf32, #tpu.memory_space<vmem>>, vector<1x16xf32>,
      %parallel_loop3A_352 = arith.constant 16 : i32
      %parallel_loop3A_353 = arith.muli %parallel_loop3A_236, %parallel_loop3A_352 : i32
      %parallel_loop3A_354 = arith.constant 5 : i32
      %parallel_loop3A_355 = arith.index_cast %parallel_loop3A_354 : i32 to index
      %parallel_loop3A_356 = arith.index_cast %parallel_loop3A_353 : i32 to index
      %parallel_loop3A_357 = tpu.vector_load %arg9[%parallel_loop3A_355, %parallel_loop3A_356] {strides = array<i32>} : memref<8x1024xf32, #tpu.memory_space<vmem>>, vector<1x16xf32>,
      %parallel_loop3A_358 = vector.shape_cast %parallel_loop3A_357 : vector<1x16xf32> to vector<16xf32>
      %parallel_loop3A_359 = arith.mulf %parallel_loop3A_358, %get3A_95 : vector<16xf32>
      %parallel_loop3A_360 = arith.addf %parallel_loop3A_359, %get3A_86 : vector<16xf32>
      %parallel_loop3A_361 = arith.maximumf %parallel_loop3A_360, %broadcast_in_dim3A_99 : vector<16xf32>
      %parallel_loop3A_362 = arith.minimumf %parallel_loop3A_361, %broadcast_in_dim3A_97 : vector<16xf32>
      %parallel_loop3A_363 = arith.addf %parallel_loop3A_362, %broadcast_in_dim3A_101 : vector<16xf32>
      %parallel_loop3A_364 = arith.subf %parallel_loop3A_363, %broadcast_in_dim3A_101 : vector<16xf32>
      %parallel_loop3A_365 = arith.mulf %parallel_loop3A_364, %get3A_92 : vector<16xf32>
      %parallel_loop3A_366 = arith.addf %get3A_89, %parallel_loop3A_365 : vector<16xf32>
      %parallel_loop3A_367 = arith.constant 16 : i32
      %parallel_loop3A_368 = arith.muli %parallel_loop3A_236, %parallel_loop3A_367 : i32
      %parallel_loop3A_369 = arith.constant 5 : i32
      %parallel_loop3A_370 = arith.index_cast %parallel_loop3A_369 : i32 to index
      %parallel_loop3A_371 = arith.index_cast %parallel_loop3A_368 : i32 to index
      %parallel_loop3A_372 = tpu.vector_load %arg9[%parallel_loop3A_370, %parallel_loop3A_371] {strides = array<i32>} : memref<8x1024xf32, #tpu.memory_space<vmem>>, vector<1x16xf32>,
      %parallel_loop3A_373 = vector.shape_cast %parallel_loop3A_372 : vector<1x16xf32> to vector<16xf32>
      %parallel_loop3A_374 = vector.shape_cast %parallel_loop3A_366 : vector<16xf32> to vector<1x16xf32>
      tpu.vector_store %arg9[%parallel_loop3A_370, %parallel_loop3A_371], %parallel_loop3A_374 {strides = array<i32>} : memref<8x1024xf32, #tpu.memory_space<vmem>>, vector<1x16xf32>,
      %parallel_loop3A_375 = arith.constant 16 : i32
      %parallel_loop3A_376 = arith.muli %parallel_loop3A_236, %parallel_loop3A_375 : i32
      %parallel_loop3A_377 = arith.constant 6 : i32
      %parallel_loop3A_378 = arith.index_cast %parallel_loop3A_377 : i32 to index
      %parallel_loop3A_379 = arith.index_cast %parallel_loop3A_376 : i32 to index
      %parallel_loop3A_380 = tpu.vector_load %arg9[%parallel_loop3A_378, %parallel_loop3A_379] {strides = array<i32>} : memref<8x1024xf32, #tpu.memory_space<vmem>>, vector<1x16xf32>,
      %parallel_loop3A_381 = vector.shape_cast %parallel_loop3A_380 : vector<1x16xf32> to vector<16xf32>
      %parallel_loop3A_382 = arith.mulf %parallel_loop3A_381, %get3A_95 : vector<16xf32>
      %parallel_loop3A_383 = arith.addf %parallel_loop3A_382, %get3A_86 : vector<16xf32>
      %parallel_loop3A_384 = arith.maximumf %parallel_loop3A_383, %broadcast_in_dim3A_99 : vector<16xf32>
      %parallel_loop3A_385 = arith.minimumf %parallel_loop3A_384, %broadcast_in_dim3A_97 : vector<16xf32>
      %parallel_loop3A_386 = arith.addf %parallel_loop3A_385, %broadcast_in_dim3A_101 : vector<16xf32>
      %parallel_loop3A_387 = arith.subf %parallel_loop3A_386, %broadcast_in_dim3A_101 : vector<16xf32>
      %parallel_loop3A_388 = arith.mulf %parallel_loop3A_387, %get3A_92 : vector<16xf32>
      %parallel_loop3A_389 = arith.addf %get3A_89, %parallel_loop3A_388 : vector<16xf32>
      %parallel_loop3A_390 = arith.constant 16 : i32
      %parallel_loop3A_391 = arith.muli %parallel_loop3A_236, %parallel_loop3A_390 : i32
      %parallel_loop3A_392 = arith.constant 6 : i32
      %parallel_loop3A_393 = arith.index_cast %parallel_loop3A_392 : i32 to index
      %parallel_loop3A_394 = arith.index_cast %parallel_loop3A_391 : i32 to index
      %parallel_loop3A_395 = tpu.vector_load %arg9[%parallel_loop3A_393, %parallel_loop3A_394] {strides = array<i32>} : memref<8x1024xf32, #tpu.memory_space<vmem>>, vector<1x16xf32>,
      %parallel_loop3A_396 = vector.shape_cast %parallel_loop3A_395 : vector<1x16xf32> to vector<16xf32>
      %parallel_loop3A_397 = vector.shape_cast %parallel_loop3A_389 : vector<16xf32> to vector<1x16xf32>
      tpu.vector_store %arg9[%parallel_loop3A_393, %parallel_loop3A_394], %parallel_loop3A_397 {strides = array<i32>} : memref<8x1024xf32, #tpu.memory_space<vmem>>, vector<1x16xf32>,
      %parallel_loop3A_398 = arith.constant 16 : i32
      %parallel_loop3A_399 = arith.muli %parallel_loop3A_236, %parallel_loop3A_398 : i32
      %parallel_loop3A_400 = arith.constant 7 : i32
      %parallel_loop3A_401 = arith.index_cast %parallel_loop3A_400 : i32 to index
      %parallel_loop3A_402 = arith.index_cast %parallel_loop3A_399 : i32 to index
      %parallel_loop3A_403 = tpu.vector_load %arg9[%parallel_loop3A_401, %parallel_loop3A_402] {strides = array<i32>} : memref<8x1024xf32, #tpu.memory_space<vmem>>, vector<1x16xf32>,
      %parallel_loop3A_404 = vector.shape_cast %parallel_loop3A_403 : vector<1x16xf32> to vector<16xf32>
      %parallel_loop3A_405 = arith.mulf %parallel_loop3A_404, %get3A_95 : vector<16xf32>
      %parallel_loop3A_406 = arith.addf %parallel_loop3A_405, %get3A_86 : vector<16xf32>
      %parallel_loop3A_407 = arith.maximumf %parallel_loop3A_406, %broadcast_in_dim3A_99 : vector<16xf32>
      %parallel_loop3A_408 = arith.minimumf %parallel_loop3A_407, %broadcast_in_dim3A_97 : vector<16xf32>
      %parallel_loop3A_409 = arith.addf %parallel_loop3A_408, %broadcast_in_dim3A_101 : vector<16xf32>
      %parallel_loop3A_410 = arith.subf %parallel_loop3A_409, %broadcast_in_dim3A_101 : vector<16xf32>
      %parallel_loop3A_411 = arith.mulf %parallel_loop3A_410, %get3A_92 : vector<16xf32>
      %parallel_loop3A_412 = arith.addf %get3A_89, %parallel_loop3A_411 : vector<16xf32>
      %parallel_loop3A_413 = arith.constant 16 : i32
      %parallel_loop3A_414 = arith.muli %parallel_loop3A_236, %parallel_loop3A_413 : i32
      %parallel_loop3A_415 = arith.constant 7 : i32
      %parallel_loop3A_416 = arith.index_cast %parallel_loop3A_415 : i32 to index
      %parallel_loop3A_417 = arith.index_cast %parallel_loop3A_414 : i32 to index
      %parallel_loop3A_418 = tpu.vector_load %arg9[%parallel_loop3A_416, %parallel_loop3A_417] {strides = array<i32>} : memref<8x1024xf32, #tpu.memory_space<vmem>>, vector<1x16xf32>,
      %parallel_loop3A_419 = vector.shape_cast %parallel_loop3A_418 : vector<1x16xf32> to vector<16xf32>
      %parallel_loop3A_420 = vector.shape_cast %parallel_loop3A_412 : vector<16xf32> to vector<1x16xf32>
      tpu.vector_store %arg9[%parallel_loop3A_416, %parallel_loop3A_417], %parallel_loop3A_420 {strides = array<i32>} : memref<8x1024xf32, #tpu.memory_space<vmem>>, vector<1x16xf32>,
    } {sc.loop_unroll_factor = 1 : i64, sc.parallel_access}
    %add3A_159 = arith.constant 32 : i32
    %add3A_160 = arith.addi %mul3A_2, %add3A_159 : i32
    %dma_start3A_161 = arith.constant 0 : i32
    %dma_start3A_162 = tpu.memref_slice %arg4[%add3A_160, %dma_start3A_161] : memref<2048x1024xf32, #tpu.memory_space<hbm>> -> memref<8x1024xf32, #tpu.memory_space<hbm>>
    %dma_start3A_163 = arith.constant 0 : i32
    %dma_start3A_164 = tpu.memref_slice %arg4[%add3A_160, %dma_start3A_163] : memref<2048x1024xf32, #tpu.memory_space<hbm>> -> memref<8x1024xf32, #tpu.memory_space<hbm>>
    tpu.enqueue_dma source(%arg9 : memref<8x1024xf32, #tpu.memory_space<vmem>>) target(%dma_start3A_164 : memref<8x1024xf32, #tpu.memory_space<hbm>>) target_semaphore(%arg27 : memref<!tpu.dma_semaphore, #tpu.memory_space<semaphore_mem>>)
    %dma_wait3A_165 = arith.constant 0 : i32
    %dma_wait3A_166 = tpu.memref_slice %arg2[%add3A_33, %dma_wait3A_165] : memref<2048x1024xf32, #tpu.memory_space<hbm>> -> memref<8x1024xf32, #tpu.memory_space<hbm>>
    %dma_wait3A_167 = arith.constant 0 : i32
    %dma_wait3A_168 = tpu.memref_slice %arg2[%add3A_33, %dma_wait3A_167] : memref<2048x1024xf32, #tpu.memory_space<hbm>> -> memref<8x1024xf32, #tpu.memory_space<hbm>>
    tpu.wait_dma2 semaphore(%arg20 : memref<!tpu.dma_semaphore, #tpu.memory_space<semaphore_mem>>) src(%dma_wait3A_168 : memref<8x1024xf32, #tpu.memory_space<hbm>>) dst(%arg10 : memref<8x1024xf32, #tpu.memory_space<vmem>>)
    %parallel_loop3A_169 = arith.constant 0 : i32
    %parallel_loop3A_170 = arith.constant 64 : i32
    %parallel_loop3A_171 = arith.constant 1 : i32
    scf.for %parallel_loop3A_236 = %parallel_loop3A_169 to %parallel_loop3A_170 step %parallel_loop3A_171  : i32 {
      %parallel_loop3A_237 = arith.constant 16 : i32
      %parallel_loop3A_238 = arith.muli %parallel_loop3A_236, %parallel_loop3A_237 : i32
      %parallel_loop3A_239 = arith.constant 0 : i32
      %parallel_loop3A_240 = arith.index_cast %parallel_loop3A_239 : i32 to index
      %parallel_loop3A_241 = arith.index_cast %parallel_loop3A_238 : i32 to index
      %parallel_loop3A_242 = tpu.vector_load %arg10[%parallel_loop3A_240, %parallel_loop3A_241] {strides = array<i32>} : memref<8x1024xf32, #tpu.memory_space<vmem>>, vector<1x16xf32>,
      %parallel_loop3A_243 = vector.shape_cast %parallel_loop3A_242 : vector<1x16xf32> to vector<16xf32>
      %parallel_loop3A_244 = arith.mulf %parallel_loop3A_243, %get3A_95 : vector<16xf32>
      %parallel_loop3A_245 = arith.addf %parallel_loop3A_244, %get3A_86 : vector<16xf32>
      %parallel_loop3A_246 = arith.maximumf %parallel_loop3A_245, %broadcast_in_dim3A_99 : vector<16xf32>
      %parallel_loop3A_247 = arith.minimumf %parallel_loop3A_246, %broadcast_in_dim3A_97 : vector<16xf32>
      %parallel_loop3A_248 = arith.addf %parallel_loop3A_247, %broadcast_in_dim3A_101 : vector<16xf32>
      %parallel_loop3A_249 = arith.subf %parallel_loop3A_248, %broadcast_in_dim3A_101 : vector<16xf32>
      %parallel_loop3A_250 = arith.mulf %parallel_loop3A_249, %get3A_92 : vector<16xf32>
      %parallel_loop3A_251 = arith.addf %get3A_89, %parallel_loop3A_250 : vector<16xf32>
      %parallel_loop3A_252 = arith.constant 16 : i32
      %parallel_loop3A_253 = arith.muli %parallel_loop3A_236, %parallel_loop3A_252 : i32
      %parallel_loop3A_254 = arith.constant 0 : i32
      %parallel_loop3A_255 = arith.index_cast %parallel_loop3A_254 : i32 to index
      %parallel_loop3A_256 = arith.index_cast %parallel_loop3A_253 : i32 to index
      %parallel_loop3A_257 = tpu.vector_load %arg10[%parallel_loop3A_255, %parallel_loop3A_256] {strides = array<i32>} : memref<8x1024xf32, #tpu.memory_space<vmem>>, vector<1x16xf32>,
      %parallel_loop3A_258 = vector.shape_cast %parallel_loop3A_257 : vector<1x16xf32> to vector<16xf32>
      %parallel_loop3A_259 = vector.shape_cast %parallel_loop3A_251 : vector<16xf32> to vector<1x16xf32>
      tpu.vector_store %arg10[%parallel_loop3A_255, %parallel_loop3A_256], %parallel_loop3A_259 {strides = array<i32>} : memref<8x1024xf32, #tpu.memory_space<vmem>>, vector<1x16xf32>,
      %parallel_loop3A_260 = arith.constant 16 : i32
      %parallel_loop3A_261 = arith.muli %parallel_loop3A_236, %parallel_loop3A_260 : i32
      %parallel_loop3A_262 = arith.constant 1 : i32
      %parallel_loop3A_263 = arith.index_cast %parallel_loop3A_262 : i32 to index
      %parallel_loop3A_264 = arith.index_cast %parallel_loop3A_261 : i32 to index
      %parallel_loop3A_265 = tpu.vector_load %arg10[%parallel_loop3A_263, %parallel_loop3A_264] {strides = array<i32>} : memref<8x1024xf32, #tpu.memory_space<vmem>>, vector<1x16xf32>,
      %parallel_loop3A_266 = vector.shape_cast %parallel_loop3A_265 : vector<1x16xf32> to vector<16xf32>
      %parallel_loop3A_267 = arith.mulf %parallel_loop3A_266, %get3A_95 : vector<16xf32>
      %parallel_loop3A_268 = arith.addf %parallel_loop3A_267, %get3A_86 : vector<16xf32>
      %parallel_loop3A_269 = arith.maximumf %parallel_loop3A_268, %broadcast_in_dim3A_99 : vector<16xf32>
      %parallel_loop3A_270 = arith.minimumf %parallel_loop3A_269, %broadcast_in_dim3A_97 : vector<16xf32>
      %parallel_loop3A_271 = arith.addf %parallel_loop3A_270, %broadcast_in_dim3A_101 : vector<16xf32>
      %parallel_loop3A_272 = arith.subf %parallel_loop3A_271, %broadcast_in_dim3A_101 : vector<16xf32>
      %parallel_loop3A_273 = arith.mulf %parallel_loop3A_272, %get3A_92 : vector<16xf32>
      %parallel_loop3A_274 = arith.addf %get3A_89, %parallel_loop3A_273 : vector<16xf32>
      %parallel_loop3A_275 = arith.constant 16 : i32
      %parallel_loop3A_276 = arith.muli %parallel_loop3A_236, %parallel_loop3A_275 : i32
      %parallel_loop3A_277 = arith.constant 1 : i32
      %parallel_loop3A_278 = arith.index_cast %parallel_loop3A_277 : i32 to index
      %parallel_loop3A_279 = arith.index_cast %parallel_loop3A_276 : i32 to index
      %parallel_loop3A_280 = tpu.vector_load %arg10[%parallel_loop3A_278, %parallel_loop3A_279] {strides = array<i32>} : memref<8x1024xf32, #tpu.memory_space<vmem>>, vector<1x16xf32>,
      %parallel_loop3A_281 = vector.shape_cast %parallel_loop3A_280 : vector<1x16xf32> to vector<16xf32>
      %parallel_loop3A_282 = vector.shape_cast %parallel_loop3A_274 : vector<16xf32> to vector<1x16xf32>
      tpu.vector_store %arg10[%parallel_loop3A_278, %parallel_loop3A_279], %parallel_loop3A_282 {strides = array<i32>} : memref<8x1024xf32, #tpu.memory_space<vmem>>, vector<1x16xf32>,
      %parallel_loop3A_283 = arith.constant 16 : i32
      %parallel_loop3A_284 = arith.muli %parallel_loop3A_236, %parallel_loop3A_283 : i32
      %parallel_loop3A_285 = arith.constant 2 : i32
      %parallel_loop3A_286 = arith.index_cast %parallel_loop3A_285 : i32 to index
      %parallel_loop3A_287 = arith.index_cast %parallel_loop3A_284 : i32 to index
      %parallel_loop3A_288 = tpu.vector_load %arg10[%parallel_loop3A_286, %parallel_loop3A_287] {strides = array<i32>} : memref<8x1024xf32, #tpu.memory_space<vmem>>, vector<1x16xf32>,
      %parallel_loop3A_289 = vector.shape_cast %parallel_loop3A_288 : vector<1x16xf32> to vector<16xf32>
      %parallel_loop3A_290 = arith.mulf %parallel_loop3A_289, %get3A_95 : vector<16xf32>
      %parallel_loop3A_291 = arith.addf %parallel_loop3A_290, %get3A_86 : vector<16xf32>
      %parallel_loop3A_292 = arith.maximumf %parallel_loop3A_291, %broadcast_in_dim3A_99 : vector<16xf32>
      %parallel_loop3A_293 = arith.minimumf %parallel_loop3A_292, %broadcast_in_dim3A_97 : vector<16xf32>
      %parallel_loop3A_294 = arith.addf %parallel_loop3A_293, %broadcast_in_dim3A_101 : vector<16xf32>
      %parallel_loop3A_295 = arith.subf %parallel_loop3A_294, %broadcast_in_dim3A_101 : vector<16xf32>
      %parallel_loop3A_296 = arith.mulf %parallel_loop3A_295, %get3A_92 : vector<16xf32>
      %parallel_loop3A_297 = arith.addf %get3A_89, %parallel_loop3A_296 : vector<16xf32>
      %parallel_loop3A_298 = arith.constant 16 : i32
      %parallel_loop3A_299 = arith.muli %parallel_loop3A_236, %parallel_loop3A_298 : i32
      %parallel_loop3A_300 = arith.constant 2 : i32
      %parallel_loop3A_301 = arith.index_cast %parallel_loop3A_300 : i32 to index
      %parallel_loop3A_302 = arith.index_cast %parallel_loop3A_299 : i32 to index
      %parallel_loop3A_303 = tpu.vector_load %arg10[%parallel_loop3A_301, %parallel_loop3A_302] {strides = array<i32>} : memref<8x1024xf32, #tpu.memory_space<vmem>>, vector<1x16xf32>,
      %parallel_loop3A_304 = vector.shape_cast %parallel_loop3A_303 : vector<1x16xf32> to vector<16xf32>
      %parallel_loop3A_305 = vector.shape_cast %parallel_loop3A_297 : vector<16xf32> to vector<1x16xf32>
      tpu.vector_store %arg10[%parallel_loop3A_301, %parallel_loop3A_302], %parallel_loop3A_305 {strides = array<i32>} : memref<8x1024xf32, #tpu.memory_space<vmem>>, vector<1x16xf32>,
      %parallel_loop3A_306 = arith.constant 16 : i32
      %parallel_loop3A_307 = arith.muli %parallel_loop3A_236, %parallel_loop3A_306 : i32
      %parallel_loop3A_308 = arith.constant 3 : i32
      %parallel_loop3A_309 = arith.index_cast %parallel_loop3A_308 : i32 to index
      %parallel_loop3A_310 = arith.index_cast %parallel_loop3A_307 : i32 to index
      %parallel_loop3A_311 = tpu.vector_load %arg10[%parallel_loop3A_309, %parallel_loop3A_310] {strides = array<i32>} : memref<8x1024xf32, #tpu.memory_space<vmem>>, vector<1x16xf32>,
      %parallel_loop3A_312 = vector.shape_cast %parallel_loop3A_311 : vector<1x16xf32> to vector<16xf32>
      %parallel_loop3A_313 = arith.mulf %parallel_loop3A_312, %get3A_95 : vector<16xf32>
      %parallel_loop3A_314 = arith.addf %parallel_loop3A_313, %get3A_86 : vector<16xf32>
      %parallel_loop3A_315 = arith.maximumf %parallel_loop3A_314, %broadcast_in_dim3A_99 : vector<16xf32>
      %parallel_loop3A_316 = arith.minimumf %parallel_loop3A_315, %broadcast_in_dim3A_97 : vector<16xf32>
      %parallel_loop3A_317 = arith.addf %parallel_loop3A_316, %broadcast_in_dim3A_101 : vector<16xf32>
      %parallel_loop3A_318 = arith.subf %parallel_loop3A_317, %broadcast_in_dim3A_101 : vector<16xf32>
      %parallel_loop3A_319 = arith.mulf %parallel_loop3A_318, %get3A_92 : vector<16xf32>
      %parallel_loop3A_320 = arith.addf %get3A_89, %parallel_loop3A_319 : vector<16xf32>
      %parallel_loop3A_321 = arith.constant 16 : i32
      %parallel_loop3A_322 = arith.muli %parallel_loop3A_236, %parallel_loop3A_321 : i32
      %parallel_loop3A_323 = arith.constant 3 : i32
      %parallel_loop3A_324 = arith.index_cast %parallel_loop3A_323 : i32 to index
      %parallel_loop3A_325 = arith.index_cast %parallel_loop3A_322 : i32 to index
      %parallel_loop3A_326 = tpu.vector_load %arg10[%parallel_loop3A_324, %parallel_loop3A_325] {strides = array<i32>} : memref<8x1024xf32, #tpu.memory_space<vmem>>, vector<1x16xf32>,
      %parallel_loop3A_327 = vector.shape_cast %parallel_loop3A_326 : vector<1x16xf32> to vector<16xf32>
      %parallel_loop3A_328 = vector.shape_cast %parallel_loop3A_320 : vector<16xf32> to vector<1x16xf32>
      tpu.vector_store %arg10[%parallel_loop3A_324, %parallel_loop3A_325], %parallel_loop3A_328 {strides = array<i32>} : memref<8x1024xf32, #tpu.memory_space<vmem>>, vector<1x16xf32>,
      %parallel_loop3A_329 = arith.constant 16 : i32
      %parallel_loop3A_330 = arith.muli %parallel_loop3A_236, %parallel_loop3A_329 : i32
      %parallel_loop3A_331 = arith.constant 4 : i32
      %parallel_loop3A_332 = arith.index_cast %parallel_loop3A_331 : i32 to index
      %parallel_loop3A_333 = arith.index_cast %parallel_loop3A_330 : i32 to index
      %parallel_loop3A_334 = tpu.vector_load %arg10[%parallel_loop3A_332, %parallel_loop3A_333] {strides = array<i32>} : memref<8x1024xf32, #tpu.memory_space<vmem>>, vector<1x16xf32>,
      %parallel_loop3A_335 = vector.shape_cast %parallel_loop3A_334 : vector<1x16xf32> to vector<16xf32>
      %parallel_loop3A_336 = arith.mulf %parallel_loop3A_335, %get3A_95 : vector<16xf32>
      %parallel_loop3A_337 = arith.addf %parallel_loop3A_336, %get3A_86 : vector<16xf32>
      %parallel_loop3A_338 = arith.maximumf %parallel_loop3A_337, %broadcast_in_dim3A_99 : vector<16xf32>
      %parallel_loop3A_339 = arith.minimumf %parallel_loop3A_338, %broadcast_in_dim3A_97 : vector<16xf32>
      %parallel_loop3A_340 = arith.addf %parallel_loop3A_339, %broadcast_in_dim3A_101 : vector<16xf32>
      %parallel_loop3A_341 = arith.subf %parallel_loop3A_340, %broadcast_in_dim3A_101 : vector<16xf32>
      %parallel_loop3A_342 = arith.mulf %parallel_loop3A_341, %get3A_92 : vector<16xf32>
      %parallel_loop3A_343 = arith.addf %get3A_89, %parallel_loop3A_342 : vector<16xf32>
      %parallel_loop3A_344 = arith.constant 16 : i32
      %parallel_loop3A_345 = arith.muli %parallel_loop3A_236, %parallel_loop3A_344 : i32
      %parallel_loop3A_346 = arith.constant 4 : i32
      %parallel_loop3A_347 = arith.index_cast %parallel_loop3A_346 : i32 to index
      %parallel_loop3A_348 = arith.index_cast %parallel_loop3A_345 : i32 to index
      %parallel_loop3A_349 = tpu.vector_load %arg10[%parallel_loop3A_347, %parallel_loop3A_348] {strides = array<i32>} : memref<8x1024xf32, #tpu.memory_space<vmem>>, vector<1x16xf32>,
      %parallel_loop3A_350 = vector.shape_cast %parallel_loop3A_349 : vector<1x16xf32> to vector<16xf32>
      %parallel_loop3A_351 = vector.shape_cast %parallel_loop3A_343 : vector<16xf32> to vector<1x16xf32>
      tpu.vector_store %arg10[%parallel_loop3A_347, %parallel_loop3A_348], %parallel_loop3A_351 {strides = array<i32>} : memref<8x1024xf32, #tpu.memory_space<vmem>>, vector<1x16xf32>,
      %parallel_loop3A_352 = arith.constant 16 : i32
      %parallel_loop3A_353 = arith.muli %parallel_loop3A_236, %parallel_loop3A_352 : i32
      %parallel_loop3A_354 = arith.constant 5 : i32
      %parallel_loop3A_355 = arith.index_cast %parallel_loop3A_354 : i32 to index
      %parallel_loop3A_356 = arith.index_cast %parallel_loop3A_353 : i32 to index
      %parallel_loop3A_357 = tpu.vector_load %arg10[%parallel_loop3A_355, %parallel_loop3A_356] {strides = array<i32>} : memref<8x1024xf32, #tpu.memory_space<vmem>>, vector<1x16xf32>,
      %parallel_loop3A_358 = vector.shape_cast %parallel_loop3A_357 : vector<1x16xf32> to vector<16xf32>
      %parallel_loop3A_359 = arith.mulf %parallel_loop3A_358, %get3A_95 : vector<16xf32>
      %parallel_loop3A_360 = arith.addf %parallel_loop3A_359, %get3A_86 : vector<16xf32>
      %parallel_loop3A_361 = arith.maximumf %parallel_loop3A_360, %broadcast_in_dim3A_99 : vector<16xf32>
      %parallel_loop3A_362 = arith.minimumf %parallel_loop3A_361, %broadcast_in_dim3A_97 : vector<16xf32>
      %parallel_loop3A_363 = arith.addf %parallel_loop3A_362, %broadcast_in_dim3A_101 : vector<16xf32>
      %parallel_loop3A_364 = arith.subf %parallel_loop3A_363, %broadcast_in_dim3A_101 : vector<16xf32>
      %parallel_loop3A_365 = arith.mulf %parallel_loop3A_364, %get3A_92 : vector<16xf32>
      %parallel_loop3A_366 = arith.addf %get3A_89, %parallel_loop3A_365 : vector<16xf32>
      %parallel_loop3A_367 = arith.constant 16 : i32
      %parallel_loop3A_368 = arith.muli %parallel_loop3A_236, %parallel_loop3A_367 : i32
      %parallel_loop3A_369 = arith.constant 5 : i32
      %parallel_loop3A_370 = arith.index_cast %parallel_loop3A_369 : i32 to index
      %parallel_loop3A_371 = arith.index_cast %parallel_loop3A_368 : i32 to index
      %parallel_loop3A_372 = tpu.vector_load %arg10[%parallel_loop3A_370, %parallel_loop3A_371] {strides = array<i32>} : memref<8x1024xf32, #tpu.memory_space<vmem>>, vector<1x16xf32>,
      %parallel_loop3A_373 = vector.shape_cast %parallel_loop3A_372 : vector<1x16xf32> to vector<16xf32>
      %parallel_loop3A_374 = vector.shape_cast %parallel_loop3A_366 : vector<16xf32> to vector<1x16xf32>
      tpu.vector_store %arg10[%parallel_loop3A_370, %parallel_loop3A_371], %parallel_loop3A_374 {strides = array<i32>} : memref<8x1024xf32, #tpu.memory_space<vmem>>, vector<1x16xf32>,
      %parallel_loop3A_375 = arith.constant 16 : i32
      %parallel_loop3A_376 = arith.muli %parallel_loop3A_236, %parallel_loop3A_375 : i32
      %parallel_loop3A_377 = arith.constant 6 : i32
      %parallel_loop3A_378 = arith.index_cast %parallel_loop3A_377 : i32 to index
      %parallel_loop3A_379 = arith.index_cast %parallel_loop3A_376 : i32 to index
      %parallel_loop3A_380 = tpu.vector_load %arg10[%parallel_loop3A_378, %parallel_loop3A_379] {strides = array<i32>} : memref<8x1024xf32, #tpu.memory_space<vmem>>, vector<1x16xf32>,
      %parallel_loop3A_381 = vector.shape_cast %parallel_loop3A_380 : vector<1x16xf32> to vector<16xf32>
      %parallel_loop3A_382 = arith.mulf %parallel_loop3A_381, %get3A_95 : vector<16xf32>
      %parallel_loop3A_383 = arith.addf %parallel_loop3A_382, %get3A_86 : vector<16xf32>
      %parallel_loop3A_384 = arith.maximumf %parallel_loop3A_383, %broadcast_in_dim3A_99 : vector<16xf32>
      %parallel_loop3A_385 = arith.minimumf %parallel_loop3A_384, %broadcast_in_dim3A_97 : vector<16xf32>
      %parallel_loop3A_386 = arith.addf %parallel_loop3A_385, %broadcast_in_dim3A_101 : vector<16xf32>
      %parallel_loop3A_387 = arith.subf %parallel_loop3A_386, %broadcast_in_dim3A_101 : vector<16xf32>
      %parallel_loop3A_388 = arith.mulf %parallel_loop3A_387, %get3A_92 : vector<16xf32>
      %parallel_loop3A_389 = arith.addf %get3A_89, %parallel_loop3A_388 : vector<16xf32>
      %parallel_loop3A_390 = arith.constant 16 : i32
      %parallel_loop3A_391 = arith.muli %parallel_loop3A_236, %parallel_loop3A_390 : i32
      %parallel_loop3A_392 = arith.constant 6 : i32
      %parallel_loop3A_393 = arith.index_cast %parallel_loop3A_392 : i32 to index
      %parallel_loop3A_394 = arith.index_cast %parallel_loop3A_391 : i32 to index
      %parallel_loop3A_395 = tpu.vector_load %arg10[%parallel_loop3A_393, %parallel_loop3A_394] {strides = array<i32>} : memref<8x1024xf32, #tpu.memory_space<vmem>>, vector<1x16xf32>,
      %parallel_loop3A_396 = vector.shape_cast %parallel_loop3A_395 : vector<1x16xf32> to vector<16xf32>
      %parallel_loop3A_397 = vector.shape_cast %parallel_loop3A_389 : vector<16xf32> to vector<1x16xf32>
      tpu.vector_store %arg10[%parallel_loop3A_393, %parallel_loop3A_394], %parallel_loop3A_397 {strides = array<i32>} : memref<8x1024xf32, #tpu.memory_space<vmem>>, vector<1x16xf32>,
      %parallel_loop3A_398 = arith.constant 16 : i32
      %parallel_loop3A_399 = arith.muli %parallel_loop3A_236, %parallel_loop3A_398 : i32
      %parallel_loop3A_400 = arith.constant 7 : i32
      %parallel_loop3A_401 = arith.index_cast %parallel_loop3A_400 : i32 to index
      %parallel_loop3A_402 = arith.index_cast %parallel_loop3A_399 : i32 to index
      %parallel_loop3A_403 = tpu.vector_load %arg10[%parallel_loop3A_401, %parallel_loop3A_402] {strides = array<i32>} : memref<8x1024xf32, #tpu.memory_space<vmem>>, vector<1x16xf32>,
      %parallel_loop3A_404 = vector.shape_cast %parallel_loop3A_403 : vector<1x16xf32> to vector<16xf32>
      %parallel_loop3A_405 = arith.mulf %parallel_loop3A_404, %get3A_95 : vector<16xf32>
      %parallel_loop3A_406 = arith.addf %parallel_loop3A_405, %get3A_86 : vector<16xf32>
      %parallel_loop3A_407 = arith.maximumf %parallel_loop3A_406, %broadcast_in_dim3A_99 : vector<16xf32>
      %parallel_loop3A_408 = arith.minimumf %parallel_loop3A_407, %broadcast_in_dim3A_97 : vector<16xf32>
      %parallel_loop3A_409 = arith.addf %parallel_loop3A_408, %broadcast_in_dim3A_101 : vector<16xf32>
      %parallel_loop3A_410 = arith.subf %parallel_loop3A_409, %broadcast_in_dim3A_101 : vector<16xf32>
      %parallel_loop3A_411 = arith.mulf %parallel_loop3A_410, %get3A_92 : vector<16xf32>
      %parallel_loop3A_412 = arith.addf %get3A_89, %parallel_loop3A_411 : vector<16xf32>
      %parallel_loop3A_413 = arith.constant 16 : i32
      %parallel_loop3A_414 = arith.muli %parallel_loop3A_236, %parallel_loop3A_413 : i32
      %parallel_loop3A_415 = arith.constant 7 : i32
      %parallel_loop3A_416 = arith.index_cast %parallel_loop3A_415 : i32 to index
      %parallel_loop3A_417 = arith.index_cast %parallel_loop3A_414 : i32 to index
      %parallel_loop3A_418 = tpu.vector_load %arg10[%parallel_loop3A_416, %parallel_loop3A_417] {strides = array<i32>} : memref<8x1024xf32, #tpu.memory_space<vmem>>, vector<1x16xf32>,
      %parallel_loop3A_419 = vector.shape_cast %parallel_loop3A_418 : vector<1x16xf32> to vector<16xf32>
      %parallel_loop3A_420 = vector.shape_cast %parallel_loop3A_412 : vector<16xf32> to vector<1x16xf32>
      tpu.vector_store %arg10[%parallel_loop3A_416, %parallel_loop3A_417], %parallel_loop3A_420 {strides = array<i32>} : memref<8x1024xf32, #tpu.memory_space<vmem>>, vector<1x16xf32>,
    } {sc.loop_unroll_factor = 1 : i64, sc.parallel_access}
    %add3A_172 = arith.constant 40 : i32
    %add3A_173 = arith.addi %mul3A_2, %add3A_172 : i32
    %dma_start3A_174 = arith.constant 0 : i32
    %dma_start3A_175 = tpu.memref_slice %arg4[%add3A_173, %dma_start3A_174] : memref<2048x1024xf32, #tpu.memory_space<hbm>> -> memref<8x1024xf32, #tpu.memory_space<hbm>>
    %dma_start3A_176 = arith.constant 0 : i32
    %dma_start3A_177 = tpu.memref_slice %arg4[%add3A_173, %dma_start3A_176] : memref<2048x1024xf32, #tpu.memory_space<hbm>> -> memref<8x1024xf32, #tpu.memory_space<hbm>>
    tpu.enqueue_dma source(%arg10 : memref<8x1024xf32, #tpu.memory_space<vmem>>) target(%dma_start3A_177 : memref<8x1024xf32, #tpu.memory_space<hbm>>) target_semaphore(%arg28 : memref<!tpu.dma_semaphore, #tpu.memory_space<semaphore_mem>>)
    %dma_wait3A_178 = arith.constant 0 : i32
    %dma_wait3A_179 = tpu.memref_slice %arg2[%add3A_39, %dma_wait3A_178] : memref<2048x1024xf32, #tpu.memory_space<hbm>> -> memref<8x1024xf32, #tpu.memory_space<hbm>>
    %dma_wait3A_180 = arith.constant 0 : i32
    %dma_wait3A_181 = tpu.memref_slice %arg2[%add3A_39, %dma_wait3A_180] : memref<2048x1024xf32, #tpu.memory_space<hbm>> -> memref<8x1024xf32, #tpu.memory_space<hbm>>
    tpu.wait_dma2 semaphore(%arg21 : memref<!tpu.dma_semaphore, #tpu.memory_space<semaphore_mem>>) src(%dma_wait3A_181 : memref<8x1024xf32, #tpu.memory_space<hbm>>) dst(%arg11 : memref<8x1024xf32, #tpu.memory_space<vmem>>)
    %parallel_loop3A_182 = arith.constant 0 : i32
    %parallel_loop3A_183 = arith.constant 64 : i32
    %parallel_loop3A_184 = arith.constant 1 : i32
    scf.for %parallel_loop3A_236 = %parallel_loop3A_182 to %parallel_loop3A_183 step %parallel_loop3A_184  : i32 {
      %parallel_loop3A_237 = arith.constant 16 : i32
      %parallel_loop3A_238 = arith.muli %parallel_loop3A_236, %parallel_loop3A_237 : i32
      %parallel_loop3A_239 = arith.constant 0 : i32
      %parallel_loop3A_240 = arith.index_cast %parallel_loop3A_239 : i32 to index
      %parallel_loop3A_241 = arith.index_cast %parallel_loop3A_238 : i32 to index
      %parallel_loop3A_242 = tpu.vector_load %arg11[%parallel_loop3A_240, %parallel_loop3A_241] {strides = array<i32>} : memref<8x1024xf32, #tpu.memory_space<vmem>>, vector<1x16xf32>,
      %parallel_loop3A_243 = vector.shape_cast %parallel_loop3A_242 : vector<1x16xf32> to vector<16xf32>
      %parallel_loop3A_244 = arith.mulf %parallel_loop3A_243, %get3A_95 : vector<16xf32>
      %parallel_loop3A_245 = arith.addf %parallel_loop3A_244, %get3A_86 : vector<16xf32>
      %parallel_loop3A_246 = arith.maximumf %parallel_loop3A_245, %broadcast_in_dim3A_99 : vector<16xf32>
      %parallel_loop3A_247 = arith.minimumf %parallel_loop3A_246, %broadcast_in_dim3A_97 : vector<16xf32>
      %parallel_loop3A_248 = arith.addf %parallel_loop3A_247, %broadcast_in_dim3A_101 : vector<16xf32>
      %parallel_loop3A_249 = arith.subf %parallel_loop3A_248, %broadcast_in_dim3A_101 : vector<16xf32>
      %parallel_loop3A_250 = arith.mulf %parallel_loop3A_249, %get3A_92 : vector<16xf32>
      %parallel_loop3A_251 = arith.addf %get3A_89, %parallel_loop3A_250 : vector<16xf32>
      %parallel_loop3A_252 = arith.constant 16 : i32
      %parallel_loop3A_253 = arith.muli %parallel_loop3A_236, %parallel_loop3A_252 : i32
      %parallel_loop3A_254 = arith.constant 0 : i32
      %parallel_loop3A_255 = arith.index_cast %parallel_loop3A_254 : i32 to index
      %parallel_loop3A_256 = arith.index_cast %parallel_loop3A_253 : i32 to index
      %parallel_loop3A_257 = tpu.vector_load %arg11[%parallel_loop3A_255, %parallel_loop3A_256] {strides = array<i32>} : memref<8x1024xf32, #tpu.memory_space<vmem>>, vector<1x16xf32>,
      %parallel_loop3A_258 = vector.shape_cast %parallel_loop3A_257 : vector<1x16xf32> to vector<16xf32>
      %parallel_loop3A_259 = vector.shape_cast %parallel_loop3A_251 : vector<16xf32> to vector<1x16xf32>
      tpu.vector_store %arg11[%parallel_loop3A_255, %parallel_loop3A_256], %parallel_loop3A_259 {strides = array<i32>} : memref<8x1024xf32, #tpu.memory_space<vmem>>, vector<1x16xf32>,
      %parallel_loop3A_260 = arith.constant 16 : i32
      %parallel_loop3A_261 = arith.muli %parallel_loop3A_236, %parallel_loop3A_260 : i32
      %parallel_loop3A_262 = arith.constant 1 : i32
      %parallel_loop3A_263 = arith.index_cast %parallel_loop3A_262 : i32 to index
      %parallel_loop3A_264 = arith.index_cast %parallel_loop3A_261 : i32 to index
      %parallel_loop3A_265 = tpu.vector_load %arg11[%parallel_loop3A_263, %parallel_loop3A_264] {strides = array<i32>} : memref<8x1024xf32, #tpu.memory_space<vmem>>, vector<1x16xf32>,
      %parallel_loop3A_266 = vector.shape_cast %parallel_loop3A_265 : vector<1x16xf32> to vector<16xf32>
      %parallel_loop3A_267 = arith.mulf %parallel_loop3A_266, %get3A_95 : vector<16xf32>
      %parallel_loop3A_268 = arith.addf %parallel_loop3A_267, %get3A_86 : vector<16xf32>
      %parallel_loop3A_269 = arith.maximumf %parallel_loop3A_268, %broadcast_in_dim3A_99 : vector<16xf32>
      %parallel_loop3A_270 = arith.minimumf %parallel_loop3A_269, %broadcast_in_dim3A_97 : vector<16xf32>
      %parallel_loop3A_271 = arith.addf %parallel_loop3A_270, %broadcast_in_dim3A_101 : vector<16xf32>
      %parallel_loop3A_272 = arith.subf %parallel_loop3A_271, %broadcast_in_dim3A_101 : vector<16xf32>
      %parallel_loop3A_273 = arith.mulf %parallel_loop3A_272, %get3A_92 : vector<16xf32>
      %parallel_loop3A_274 = arith.addf %get3A_89, %parallel_loop3A_273 : vector<16xf32>
      %parallel_loop3A_275 = arith.constant 16 : i32
      %parallel_loop3A_276 = arith.muli %parallel_loop3A_236, %parallel_loop3A_275 : i32
      %parallel_loop3A_277 = arith.constant 1 : i32
      %parallel_loop3A_278 = arith.index_cast %parallel_loop3A_277 : i32 to index
      %parallel_loop3A_279 = arith.index_cast %parallel_loop3A_276 : i32 to index
      %parallel_loop3A_280 = tpu.vector_load %arg11[%parallel_loop3A_278, %parallel_loop3A_279] {strides = array<i32>} : memref<8x1024xf32, #tpu.memory_space<vmem>>, vector<1x16xf32>,
      %parallel_loop3A_281 = vector.shape_cast %parallel_loop3A_280 : vector<1x16xf32> to vector<16xf32>
      %parallel_loop3A_282 = vector.shape_cast %parallel_loop3A_274 : vector<16xf32> to vector<1x16xf32>
      tpu.vector_store %arg11[%parallel_loop3A_278, %parallel_loop3A_279], %parallel_loop3A_282 {strides = array<i32>} : memref<8x1024xf32, #tpu.memory_space<vmem>>, vector<1x16xf32>,
      %parallel_loop3A_283 = arith.constant 16 : i32
      %parallel_loop3A_284 = arith.muli %parallel_loop3A_236, %parallel_loop3A_283 : i32
      %parallel_loop3A_285 = arith.constant 2 : i32
      %parallel_loop3A_286 = arith.index_cast %parallel_loop3A_285 : i32 to index
      %parallel_loop3A_287 = arith.index_cast %parallel_loop3A_284 : i32 to index
      %parallel_loop3A_288 = tpu.vector_load %arg11[%parallel_loop3A_286, %parallel_loop3A_287] {strides = array<i32>} : memref<8x1024xf32, #tpu.memory_space<vmem>>, vector<1x16xf32>,
      %parallel_loop3A_289 = vector.shape_cast %parallel_loop3A_288 : vector<1x16xf32> to vector<16xf32>
      %parallel_loop3A_290 = arith.mulf %parallel_loop3A_289, %get3A_95 : vector<16xf32>
      %parallel_loop3A_291 = arith.addf %parallel_loop3A_290, %get3A_86 : vector<16xf32>
      %parallel_loop3A_292 = arith.maximumf %parallel_loop3A_291, %broadcast_in_dim3A_99 : vector<16xf32>
      %parallel_loop3A_293 = arith.minimumf %parallel_loop3A_292, %broadcast_in_dim3A_97 : vector<16xf32>
      %parallel_loop3A_294 = arith.addf %parallel_loop3A_293, %broadcast_in_dim3A_101 : vector<16xf32>
      %parallel_loop3A_295 = arith.subf %parallel_loop3A_294, %broadcast_in_dim3A_101 : vector<16xf32>
      %parallel_loop3A_296 = arith.mulf %parallel_loop3A_295, %get3A_92 : vector<16xf32>
      %parallel_loop3A_297 = arith.addf %get3A_89, %parallel_loop3A_296 : vector<16xf32>
      %parallel_loop3A_298 = arith.constant 16 : i32
      %parallel_loop3A_299 = arith.muli %parallel_loop3A_236, %parallel_loop3A_298 : i32
      %parallel_loop3A_300 = arith.constant 2 : i32
      %parallel_loop3A_301 = arith.index_cast %parallel_loop3A_300 : i32 to index
      %parallel_loop3A_302 = arith.index_cast %parallel_loop3A_299 : i32 to index
      %parallel_loop3A_303 = tpu.vector_load %arg11[%parallel_loop3A_301, %parallel_loop3A_302] {strides = array<i32>} : memref<8x1024xf32, #tpu.memory_space<vmem>>, vector<1x16xf32>,
      %parallel_loop3A_304 = vector.shape_cast %parallel_loop3A_303 : vector<1x16xf32> to vector<16xf32>
      %parallel_loop3A_305 = vector.shape_cast %parallel_loop3A_297 : vector<16xf32> to vector<1x16xf32>
      tpu.vector_store %arg11[%parallel_loop3A_301, %parallel_loop3A_302], %parallel_loop3A_305 {strides = array<i32>} : memref<8x1024xf32, #tpu.memory_space<vmem>>, vector<1x16xf32>,
      %parallel_loop3A_306 = arith.constant 16 : i32
      %parallel_loop3A_307 = arith.muli %parallel_loop3A_236, %parallel_loop3A_306 : i32
      %parallel_loop3A_308 = arith.constant 3 : i32
      %parallel_loop3A_309 = arith.index_cast %parallel_loop3A_308 : i32 to index
      %parallel_loop3A_310 = arith.index_cast %parallel_loop3A_307 : i32 to index
      %parallel_loop3A_311 = tpu.vector_load %arg11[%parallel_loop3A_309, %parallel_loop3A_310] {strides = array<i32>} : memref<8x1024xf32, #tpu.memory_space<vmem>>, vector<1x16xf32>,
      %parallel_loop3A_312 = vector.shape_cast %parallel_loop3A_311 : vector<1x16xf32> to vector<16xf32>
      %parallel_loop3A_313 = arith.mulf %parallel_loop3A_312, %get3A_95 : vector<16xf32>
      %parallel_loop3A_314 = arith.addf %parallel_loop3A_313, %get3A_86 : vector<16xf32>
      %parallel_loop3A_315 = arith.maximumf %parallel_loop3A_314, %broadcast_in_dim3A_99 : vector<16xf32>
      %parallel_loop3A_316 = arith.minimumf %parallel_loop3A_315, %broadcast_in_dim3A_97 : vector<16xf32>
      %parallel_loop3A_317 = arith.addf %parallel_loop3A_316, %broadcast_in_dim3A_101 : vector<16xf32>
      %parallel_loop3A_318 = arith.subf %parallel_loop3A_317, %broadcast_in_dim3A_101 : vector<16xf32>
      %parallel_loop3A_319 = arith.mulf %parallel_loop3A_318, %get3A_92 : vector<16xf32>
      %parallel_loop3A_320 = arith.addf %get3A_89, %parallel_loop3A_319 : vector<16xf32>
      %parallel_loop3A_321 = arith.constant 16 : i32
      %parallel_loop3A_322 = arith.muli %parallel_loop3A_236, %parallel_loop3A_321 : i32
      %parallel_loop3A_323 = arith.constant 3 : i32
      %parallel_loop3A_324 = arith.index_cast %parallel_loop3A_323 : i32 to index
      %parallel_loop3A_325 = arith.index_cast %parallel_loop3A_322 : i32 to index
      %parallel_loop3A_326 = tpu.vector_load %arg11[%parallel_loop3A_324, %parallel_loop3A_325] {strides = array<i32>} : memref<8x1024xf32, #tpu.memory_space<vmem>>, vector<1x16xf32>,
      %parallel_loop3A_327 = vector.shape_cast %parallel_loop3A_326 : vector<1x16xf32> to vector<16xf32>
      %parallel_loop3A_328 = vector.shape_cast %parallel_loop3A_320 : vector<16xf32> to vector<1x16xf32>
      tpu.vector_store %arg11[%parallel_loop3A_324, %parallel_loop3A_325], %parallel_loop3A_328 {strides = array<i32>} : memref<8x1024xf32, #tpu.memory_space<vmem>>, vector<1x16xf32>,
      %parallel_loop3A_329 = arith.constant 16 : i32
      %parallel_loop3A_330 = arith.muli %parallel_loop3A_236, %parallel_loop3A_329 : i32
      %parallel_loop3A_331 = arith.constant 4 : i32
      %parallel_loop3A_332 = arith.index_cast %parallel_loop3A_331 : i32 to index
      %parallel_loop3A_333 = arith.index_cast %parallel_loop3A_330 : i32 to index
      %parallel_loop3A_334 = tpu.vector_load %arg11[%parallel_loop3A_332, %parallel_loop3A_333] {strides = array<i32>} : memref<8x1024xf32, #tpu.memory_space<vmem>>, vector<1x16xf32>,
      %parallel_loop3A_335 = vector.shape_cast %parallel_loop3A_334 : vector<1x16xf32> to vector<16xf32>
      %parallel_loop3A_336 = arith.mulf %parallel_loop3A_335, %get3A_95 : vector<16xf32>
      %parallel_loop3A_337 = arith.addf %parallel_loop3A_336, %get3A_86 : vector<16xf32>
      %parallel_loop3A_338 = arith.maximumf %parallel_loop3A_337, %broadcast_in_dim3A_99 : vector<16xf32>
      %parallel_loop3A_339 = arith.minimumf %parallel_loop3A_338, %broadcast_in_dim3A_97 : vector<16xf32>
      %parallel_loop3A_340 = arith.addf %parallel_loop3A_339, %broadcast_in_dim3A_101 : vector<16xf32>
      %parallel_loop3A_341 = arith.subf %parallel_loop3A_340, %broadcast_in_dim3A_101 : vector<16xf32>
      %parallel_loop3A_342 = arith.mulf %parallel_loop3A_341, %get3A_92 : vector<16xf32>
      %parallel_loop3A_343 = arith.addf %get3A_89, %parallel_loop3A_342 : vector<16xf32>
      %parallel_loop3A_344 = arith.constant 16 : i32
      %parallel_loop3A_345 = arith.muli %parallel_loop3A_236, %parallel_loop3A_344 : i32
      %parallel_loop3A_346 = arith.constant 4 : i32
      %parallel_loop3A_347 = arith.index_cast %parallel_loop3A_346 : i32 to index
      %parallel_loop3A_348 = arith.index_cast %parallel_loop3A_345 : i32 to index
      %parallel_loop3A_349 = tpu.vector_load %arg11[%parallel_loop3A_347, %parallel_loop3A_348] {strides = array<i32>} : memref<8x1024xf32, #tpu.memory_space<vmem>>, vector<1x16xf32>,
      %parallel_loop3A_350 = vector.shape_cast %parallel_loop3A_349 : vector<1x16xf32> to vector<16xf32>
      %parallel_loop3A_351 = vector.shape_cast %parallel_loop3A_343 : vector<16xf32> to vector<1x16xf32>
      tpu.vector_store %arg11[%parallel_loop3A_347, %parallel_loop3A_348], %parallel_loop3A_351 {strides = array<i32>} : memref<8x1024xf32, #tpu.memory_space<vmem>>, vector<1x16xf32>,
      %parallel_loop3A_352 = arith.constant 16 : i32
      %parallel_loop3A_353 = arith.muli %parallel_loop3A_236, %parallel_loop3A_352 : i32
      %parallel_loop3A_354 = arith.constant 5 : i32
      %parallel_loop3A_355 = arith.index_cast %parallel_loop3A_354 : i32 to index
      %parallel_loop3A_356 = arith.index_cast %parallel_loop3A_353 : i32 to index
      %parallel_loop3A_357 = tpu.vector_load %arg11[%parallel_loop3A_355, %parallel_loop3A_356] {strides = array<i32>} : memref<8x1024xf32, #tpu.memory_space<vmem>>, vector<1x16xf32>,
      %parallel_loop3A_358 = vector.shape_cast %parallel_loop3A_357 : vector<1x16xf32> to vector<16xf32>
      %parallel_loop3A_359 = arith.mulf %parallel_loop3A_358, %get3A_95 : vector<16xf32>
      %parallel_loop3A_360 = arith.addf %parallel_loop3A_359, %get3A_86 : vector<16xf32>
      %parallel_loop3A_361 = arith.maximumf %parallel_loop3A_360, %broadcast_in_dim3A_99 : vector<16xf32>
      %parallel_loop3A_362 = arith.minimumf %parallel_loop3A_361, %broadcast_in_dim3A_97 : vector<16xf32>
      %parallel_loop3A_363 = arith.addf %parallel_loop3A_362, %broadcast_in_dim3A_101 : vector<16xf32>
      %parallel_loop3A_364 = arith.subf %parallel_loop3A_363, %broadcast_in_dim3A_101 : vector<16xf32>
      %parallel_loop3A_365 = arith.mulf %parallel_loop3A_364, %get3A_92 : vector<16xf32>
      %parallel_loop3A_366 = arith.addf %get3A_89, %parallel_loop3A_365 : vector<16xf32>
      %parallel_loop3A_367 = arith.constant 16 : i32
      %parallel_loop3A_368 = arith.muli %parallel_loop3A_236, %parallel_loop3A_367 : i32
      %parallel_loop3A_369 = arith.constant 5 : i32
      %parallel_loop3A_370 = arith.index_cast %parallel_loop3A_369 : i32 to index
      %parallel_loop3A_371 = arith.index_cast %parallel_loop3A_368 : i32 to index
      %parallel_loop3A_372 = tpu.vector_load %arg11[%parallel_loop3A_370, %parallel_loop3A_371] {strides = array<i32>} : memref<8x1024xf32, #tpu.memory_space<vmem>>, vector<1x16xf32>,
      %parallel_loop3A_373 = vector.shape_cast %parallel_loop3A_372 : vector<1x16xf32> to vector<16xf32>
      %parallel_loop3A_374 = vector.shape_cast %parallel_loop3A_366 : vector<16xf32> to vector<1x16xf32>
      tpu.vector_store %arg11[%parallel_loop3A_370, %parallel_loop3A_371], %parallel_loop3A_374 {strides = array<i32>} : memref<8x1024xf32, #tpu.memory_space<vmem>>, vector<1x16xf32>,
      %parallel_loop3A_375 = arith.constant 16 : i32
      %parallel_loop3A_376 = arith.muli %parallel_loop3A_236, %parallel_loop3A_375 : i32
      %parallel_loop3A_377 = arith.constant 6 : i32
      %parallel_loop3A_378 = arith.index_cast %parallel_loop3A_377 : i32 to index
      %parallel_loop3A_379 = arith.index_cast %parallel_loop3A_376 : i32 to index
      %parallel_loop3A_380 = tpu.vector_load %arg11[%parallel_loop3A_378, %parallel_loop3A_379] {strides = array<i32>} : memref<8x1024xf32, #tpu.memory_space<vmem>>, vector<1x16xf32>,
      %parallel_loop3A_381 = vector.shape_cast %parallel_loop3A_380 : vector<1x16xf32> to vector<16xf32>
      %parallel_loop3A_382 = arith.mulf %parallel_loop3A_381, %get3A_95 : vector<16xf32>
      %parallel_loop3A_383 = arith.addf %parallel_loop3A_382, %get3A_86 : vector<16xf32>
      %parallel_loop3A_384 = arith.maximumf %parallel_loop3A_383, %broadcast_in_dim3A_99 : vector<16xf32>
      %parallel_loop3A_385 = arith.minimumf %parallel_loop3A_384, %broadcast_in_dim3A_97 : vector<16xf32>
      %parallel_loop3A_386 = arith.addf %parallel_loop3A_385, %broadcast_in_dim3A_101 : vector<16xf32>
      %parallel_loop3A_387 = arith.subf %parallel_loop3A_386, %broadcast_in_dim3A_101 : vector<16xf32>
      %parallel_loop3A_388 = arith.mulf %parallel_loop3A_387, %get3A_92 : vector<16xf32>
      %parallel_loop3A_389 = arith.addf %get3A_89, %parallel_loop3A_388 : vector<16xf32>
      %parallel_loop3A_390 = arith.constant 16 : i32
      %parallel_loop3A_391 = arith.muli %parallel_loop3A_236, %parallel_loop3A_390 : i32
      %parallel_loop3A_392 = arith.constant 6 : i32
      %parallel_loop3A_393 = arith.index_cast %parallel_loop3A_392 : i32 to index
      %parallel_loop3A_394 = arith.index_cast %parallel_loop3A_391 : i32 to index
      %parallel_loop3A_395 = tpu.vector_load %arg11[%parallel_loop3A_393, %parallel_loop3A_394] {strides = array<i32>} : memref<8x1024xf32, #tpu.memory_space<vmem>>, vector<1x16xf32>,
      %parallel_loop3A_396 = vector.shape_cast %parallel_loop3A_395 : vector<1x16xf32> to vector<16xf32>
      %parallel_loop3A_397 = vector.shape_cast %parallel_loop3A_389 : vector<16xf32> to vector<1x16xf32>
      tpu.vector_store %arg11[%parallel_loop3A_393, %parallel_loop3A_394], %parallel_loop3A_397 {strides = array<i32>} : memref<8x1024xf32, #tpu.memory_space<vmem>>, vector<1x16xf32>,
      %parallel_loop3A_398 = arith.constant 16 : i32
      %parallel_loop3A_399 = arith.muli %parallel_loop3A_236, %parallel_loop3A_398 : i32
      %parallel_loop3A_400 = arith.constant 7 : i32
      %parallel_loop3A_401 = arith.index_cast %parallel_loop3A_400 : i32 to index
      %parallel_loop3A_402 = arith.index_cast %parallel_loop3A_399 : i32 to index
      %parallel_loop3A_403 = tpu.vector_load %arg11[%parallel_loop3A_401, %parallel_loop3A_402] {strides = array<i32>} : memref<8x1024xf32, #tpu.memory_space<vmem>>, vector<1x16xf32>,
      %parallel_loop3A_404 = vector.shape_cast %parallel_loop3A_403 : vector<1x16xf32> to vector<16xf32>
      %parallel_loop3A_405 = arith.mulf %parallel_loop3A_404, %get3A_95 : vector<16xf32>
      %parallel_loop3A_406 = arith.addf %parallel_loop3A_405, %get3A_86 : vector<16xf32>
      %parallel_loop3A_407 = arith.maximumf %parallel_loop3A_406, %broadcast_in_dim3A_99 : vector<16xf32>
      %parallel_loop3A_408 = arith.minimumf %parallel_loop3A_407, %broadcast_in_dim3A_97 : vector<16xf32>
      %parallel_loop3A_409 = arith.addf %parallel_loop3A_408, %broadcast_in_dim3A_101 : vector<16xf32>
      %parallel_loop3A_410 = arith.subf %parallel_loop3A_409, %broadcast_in_dim3A_101 : vector<16xf32>
      %parallel_loop3A_411 = arith.mulf %parallel_loop3A_410, %get3A_92 : vector<16xf32>
      %parallel_loop3A_412 = arith.addf %get3A_89, %parallel_loop3A_411 : vector<16xf32>
      %parallel_loop3A_413 = arith.constant 16 : i32
      %parallel_loop3A_414 = arith.muli %parallel_loop3A_236, %parallel_loop3A_413 : i32
      %parallel_loop3A_415 = arith.constant 7 : i32
      %parallel_loop3A_416 = arith.index_cast %parallel_loop3A_415 : i32 to index
      %parallel_loop3A_417 = arith.index_cast %parallel_loop3A_414 : i32 to index
      %parallel_loop3A_418 = tpu.vector_load %arg11[%parallel_loop3A_416, %parallel_loop3A_417] {strides = array<i32>} : memref<8x1024xf32, #tpu.memory_space<vmem>>, vector<1x16xf32>,
      %parallel_loop3A_419 = vector.shape_cast %parallel_loop3A_418 : vector<1x16xf32> to vector<16xf32>
      %parallel_loop3A_420 = vector.shape_cast %parallel_loop3A_412 : vector<16xf32> to vector<1x16xf32>
      tpu.vector_store %arg11[%parallel_loop3A_416, %parallel_loop3A_417], %parallel_loop3A_420 {strides = array<i32>} : memref<8x1024xf32, #tpu.memory_space<vmem>>, vector<1x16xf32>,
    } {sc.loop_unroll_factor = 1 : i64, sc.parallel_access}
    %add3A_185 = arith.constant 48 : i32
    %add3A_186 = arith.addi %mul3A_2, %add3A_185 : i32
    %dma_start3A_187 = arith.constant 0 : i32
    %dma_start3A_188 = tpu.memref_slice %arg4[%add3A_186, %dma_start3A_187] : memref<2048x1024xf32, #tpu.memory_space<hbm>> -> memref<8x1024xf32, #tpu.memory_space<hbm>>
    %dma_start3A_189 = arith.constant 0 : i32
    %dma_start3A_190 = tpu.memref_slice %arg4[%add3A_186, %dma_start3A_189] : memref<2048x1024xf32, #tpu.memory_space<hbm>> -> memref<8x1024xf32, #tpu.memory_space<hbm>>
    tpu.enqueue_dma source(%arg11 : memref<8x1024xf32, #tpu.memory_space<vmem>>) target(%dma_start3A_190 : memref<8x1024xf32, #tpu.memory_space<hbm>>) target_semaphore(%arg29 : memref<!tpu.dma_semaphore, #tpu.memory_space<semaphore_mem>>)
    %dma_wait3A_191 = arith.constant 0 : i32
    %dma_wait3A_192 = tpu.memref_slice %arg2[%add3A_45, %dma_wait3A_191] : memref<2048x1024xf32, #tpu.memory_space<hbm>> -> memref<8x1024xf32, #tpu.memory_space<hbm>>
    %dma_wait3A_193 = arith.constant 0 : i32
    %dma_wait3A_194 = tpu.memref_slice %arg2[%add3A_45, %dma_wait3A_193] : memref<2048x1024xf32, #tpu.memory_space<hbm>> -> memref<8x1024xf32, #tpu.memory_space<hbm>>
    tpu.wait_dma2 semaphore(%arg22 : memref<!tpu.dma_semaphore, #tpu.memory_space<semaphore_mem>>) src(%dma_wait3A_194 : memref<8x1024xf32, #tpu.memory_space<hbm>>) dst(%arg12 : memref<8x1024xf32, #tpu.memory_space<vmem>>)
    %parallel_loop3A_195 = arith.constant 0 : i32
    %parallel_loop3A_196 = arith.constant 64 : i32
    %parallel_loop3A_197 = arith.constant 1 : i32
    scf.for %parallel_loop3A_236 = %parallel_loop3A_195 to %parallel_loop3A_196 step %parallel_loop3A_197  : i32 {
      %parallel_loop3A_237 = arith.constant 16 : i32
      %parallel_loop3A_238 = arith.muli %parallel_loop3A_236, %parallel_loop3A_237 : i32
      %parallel_loop3A_239 = arith.constant 0 : i32
      %parallel_loop3A_240 = arith.index_cast %parallel_loop3A_239 : i32 to index
      %parallel_loop3A_241 = arith.index_cast %parallel_loop3A_238 : i32 to index
      %parallel_loop3A_242 = tpu.vector_load %arg12[%parallel_loop3A_240, %parallel_loop3A_241] {strides = array<i32>} : memref<8x1024xf32, #tpu.memory_space<vmem>>, vector<1x16xf32>,
      %parallel_loop3A_243 = vector.shape_cast %parallel_loop3A_242 : vector<1x16xf32> to vector<16xf32>
      %parallel_loop3A_244 = arith.mulf %parallel_loop3A_243, %get3A_95 : vector<16xf32>
      %parallel_loop3A_245 = arith.addf %parallel_loop3A_244, %get3A_86 : vector<16xf32>
      %parallel_loop3A_246 = arith.maximumf %parallel_loop3A_245, %broadcast_in_dim3A_99 : vector<16xf32>
      %parallel_loop3A_247 = arith.minimumf %parallel_loop3A_246, %broadcast_in_dim3A_97 : vector<16xf32>
      %parallel_loop3A_248 = arith.addf %parallel_loop3A_247, %broadcast_in_dim3A_101 : vector<16xf32>
      %parallel_loop3A_249 = arith.subf %parallel_loop3A_248, %broadcast_in_dim3A_101 : vector<16xf32>
      %parallel_loop3A_250 = arith.mulf %parallel_loop3A_249, %get3A_92 : vector<16xf32>
      %parallel_loop3A_251 = arith.addf %get3A_89, %parallel_loop3A_250 : vector<16xf32>
      %parallel_loop3A_252 = arith.constant 16 : i32
      %parallel_loop3A_253 = arith.muli %parallel_loop3A_236, %parallel_loop3A_252 : i32
      %parallel_loop3A_254 = arith.constant 0 : i32
      %parallel_loop3A_255 = arith.index_cast %parallel_loop3A_254 : i32 to index
      %parallel_loop3A_256 = arith.index_cast %parallel_loop3A_253 : i32 to index
      %parallel_loop3A_257 = tpu.vector_load %arg12[%parallel_loop3A_255, %parallel_loop3A_256] {strides = array<i32>} : memref<8x1024xf32, #tpu.memory_space<vmem>>, vector<1x16xf32>,
      %parallel_loop3A_258 = vector.shape_cast %parallel_loop3A_257 : vector<1x16xf32> to vector<16xf32>
      %parallel_loop3A_259 = vector.shape_cast %parallel_loop3A_251 : vector<16xf32> to vector<1x16xf32>
      tpu.vector_store %arg12[%parallel_loop3A_255, %parallel_loop3A_256], %parallel_loop3A_259 {strides = array<i32>} : memref<8x1024xf32, #tpu.memory_space<vmem>>, vector<1x16xf32>,
      %parallel_loop3A_260 = arith.constant 16 : i32
      %parallel_loop3A_261 = arith.muli %parallel_loop3A_236, %parallel_loop3A_260 : i32
      %parallel_loop3A_262 = arith.constant 1 : i32
      %parallel_loop3A_263 = arith.index_cast %parallel_loop3A_262 : i32 to index
      %parallel_loop3A_264 = arith.index_cast %parallel_loop3A_261 : i32 to index
      %parallel_loop3A_265 = tpu.vector_load %arg12[%parallel_loop3A_263, %parallel_loop3A_264] {strides = array<i32>} : memref<8x1024xf32, #tpu.memory_space<vmem>>, vector<1x16xf32>,
      %parallel_loop3A_266 = vector.shape_cast %parallel_loop3A_265 : vector<1x16xf32> to vector<16xf32>
      %parallel_loop3A_267 = arith.mulf %parallel_loop3A_266, %get3A_95 : vector<16xf32>
      %parallel_loop3A_268 = arith.addf %parallel_loop3A_267, %get3A_86 : vector<16xf32>
      %parallel_loop3A_269 = arith.maximumf %parallel_loop3A_268, %broadcast_in_dim3A_99 : vector<16xf32>
      %parallel_loop3A_270 = arith.minimumf %parallel_loop3A_269, %broadcast_in_dim3A_97 : vector<16xf32>
      %parallel_loop3A_271 = arith.addf %parallel_loop3A_270, %broadcast_in_dim3A_101 : vector<16xf32>
      %parallel_loop3A_272 = arith.subf %parallel_loop3A_271, %broadcast_in_dim3A_101 : vector<16xf32>
      %parallel_loop3A_273 = arith.mulf %parallel_loop3A_272, %get3A_92 : vector<16xf32>
      %parallel_loop3A_274 = arith.addf %get3A_89, %parallel_loop3A_273 : vector<16xf32>
      %parallel_loop3A_275 = arith.constant 16 : i32
      %parallel_loop3A_276 = arith.muli %parallel_loop3A_236, %parallel_loop3A_275 : i32
      %parallel_loop3A_277 = arith.constant 1 : i32
      %parallel_loop3A_278 = arith.index_cast %parallel_loop3A_277 : i32 to index
      %parallel_loop3A_279 = arith.index_cast %parallel_loop3A_276 : i32 to index
      %parallel_loop3A_280 = tpu.vector_load %arg12[%parallel_loop3A_278, %parallel_loop3A_279] {strides = array<i32>} : memref<8x1024xf32, #tpu.memory_space<vmem>>, vector<1x16xf32>,
      %parallel_loop3A_281 = vector.shape_cast %parallel_loop3A_280 : vector<1x16xf32> to vector<16xf32>
      %parallel_loop3A_282 = vector.shape_cast %parallel_loop3A_274 : vector<16xf32> to vector<1x16xf32>
      tpu.vector_store %arg12[%parallel_loop3A_278, %parallel_loop3A_279], %parallel_loop3A_282 {strides = array<i32>} : memref<8x1024xf32, #tpu.memory_space<vmem>>, vector<1x16xf32>,
      %parallel_loop3A_283 = arith.constant 16 : i32
      %parallel_loop3A_284 = arith.muli %parallel_loop3A_236, %parallel_loop3A_283 : i32
      %parallel_loop3A_285 = arith.constant 2 : i32
      %parallel_loop3A_286 = arith.index_cast %parallel_loop3A_285 : i32 to index
      %parallel_loop3A_287 = arith.index_cast %parallel_loop3A_284 : i32 to index
      %parallel_loop3A_288 = tpu.vector_load %arg12[%parallel_loop3A_286, %parallel_loop3A_287] {strides = array<i32>} : memref<8x1024xf32, #tpu.memory_space<vmem>>, vector<1x16xf32>,
      %parallel_loop3A_289 = vector.shape_cast %parallel_loop3A_288 : vector<1x16xf32> to vector<16xf32>
      %parallel_loop3A_290 = arith.mulf %parallel_loop3A_289, %get3A_95 : vector<16xf32>
      %parallel_loop3A_291 = arith.addf %parallel_loop3A_290, %get3A_86 : vector<16xf32>
      %parallel_loop3A_292 = arith.maximumf %parallel_loop3A_291, %broadcast_in_dim3A_99 : vector<16xf32>
      %parallel_loop3A_293 = arith.minimumf %parallel_loop3A_292, %broadcast_in_dim3A_97 : vector<16xf32>
      %parallel_loop3A_294 = arith.addf %parallel_loop3A_293, %broadcast_in_dim3A_101 : vector<16xf32>
      %parallel_loop3A_295 = arith.subf %parallel_loop3A_294, %broadcast_in_dim3A_101 : vector<16xf32>
      %parallel_loop3A_296 = arith.mulf %parallel_loop3A_295, %get3A_92 : vector<16xf32>
      %parallel_loop3A_297 = arith.addf %get3A_89, %parallel_loop3A_296 : vector<16xf32>
      %parallel_loop3A_298 = arith.constant 16 : i32
      %parallel_loop3A_299 = arith.muli %parallel_loop3A_236, %parallel_loop3A_298 : i32
      %parallel_loop3A_300 = arith.constant 2 : i32
      %parallel_loop3A_301 = arith.index_cast %parallel_loop3A_300 : i32 to index
      %parallel_loop3A_302 = arith.index_cast %parallel_loop3A_299 : i32 to index
      %parallel_loop3A_303 = tpu.vector_load %arg12[%parallel_loop3A_301, %parallel_loop3A_302] {strides = array<i32>} : memref<8x1024xf32, #tpu.memory_space<vmem>>, vector<1x16xf32>,
      %parallel_loop3A_304 = vector.shape_cast %parallel_loop3A_303 : vector<1x16xf32> to vector<16xf32>
      %parallel_loop3A_305 = vector.shape_cast %parallel_loop3A_297 : vector<16xf32> to vector<1x16xf32>
      tpu.vector_store %arg12[%parallel_loop3A_301, %parallel_loop3A_302], %parallel_loop3A_305 {strides = array<i32>} : memref<8x1024xf32, #tpu.memory_space<vmem>>, vector<1x16xf32>,
      %parallel_loop3A_306 = arith.constant 16 : i32
      %parallel_loop3A_307 = arith.muli %parallel_loop3A_236, %parallel_loop3A_306 : i32
      %parallel_loop3A_308 = arith.constant 3 : i32
      %parallel_loop3A_309 = arith.index_cast %parallel_loop3A_308 : i32 to index
      %parallel_loop3A_310 = arith.index_cast %parallel_loop3A_307 : i32 to index
      %parallel_loop3A_311 = tpu.vector_load %arg12[%parallel_loop3A_309, %parallel_loop3A_310] {strides = array<i32>} : memref<8x1024xf32, #tpu.memory_space<vmem>>, vector<1x16xf32>,
      %parallel_loop3A_312 = vector.shape_cast %parallel_loop3A_311 : vector<1x16xf32> to vector<16xf32>
      %parallel_loop3A_313 = arith.mulf %parallel_loop3A_312, %get3A_95 : vector<16xf32>
      %parallel_loop3A_314 = arith.addf %parallel_loop3A_313, %get3A_86 : vector<16xf32>
      %parallel_loop3A_315 = arith.maximumf %parallel_loop3A_314, %broadcast_in_dim3A_99 : vector<16xf32>
      %parallel_loop3A_316 = arith.minimumf %parallel_loop3A_315, %broadcast_in_dim3A_97 : vector<16xf32>
      %parallel_loop3A_317 = arith.addf %parallel_loop3A_316, %broadcast_in_dim3A_101 : vector<16xf32>
      %parallel_loop3A_318 = arith.subf %parallel_loop3A_317, %broadcast_in_dim3A_101 : vector<16xf32>
      %parallel_loop3A_319 = arith.mulf %parallel_loop3A_318, %get3A_92 : vector<16xf32>
      %parallel_loop3A_320 = arith.addf %get3A_89, %parallel_loop3A_319 : vector<16xf32>
      %parallel_loop3A_321 = arith.constant 16 : i32
      %parallel_loop3A_322 = arith.muli %parallel_loop3A_236, %parallel_loop3A_321 : i32
      %parallel_loop3A_323 = arith.constant 3 : i32
      %parallel_loop3A_324 = arith.index_cast %parallel_loop3A_323 : i32 to index
      %parallel_loop3A_325 = arith.index_cast %parallel_loop3A_322 : i32 to index
      %parallel_loop3A_326 = tpu.vector_load %arg12[%parallel_loop3A_324, %parallel_loop3A_325] {strides = array<i32>} : memref<8x1024xf32, #tpu.memory_space<vmem>>, vector<1x16xf32>,
      %parallel_loop3A_327 = vector.shape_cast %parallel_loop3A_326 : vector<1x16xf32> to vector<16xf32>
      %parallel_loop3A_328 = vector.shape_cast %parallel_loop3A_320 : vector<16xf32> to vector<1x16xf32>
      tpu.vector_store %arg12[%parallel_loop3A_324, %parallel_loop3A_325], %parallel_loop3A_328 {strides = array<i32>} : memref<8x1024xf32, #tpu.memory_space<vmem>>, vector<1x16xf32>,
      %parallel_loop3A_329 = arith.constant 16 : i32
      %parallel_loop3A_330 = arith.muli %parallel_loop3A_236, %parallel_loop3A_329 : i32
      %parallel_loop3A_331 = arith.constant 4 : i32
      %parallel_loop3A_332 = arith.index_cast %parallel_loop3A_331 : i32 to index
      %parallel_loop3A_333 = arith.index_cast %parallel_loop3A_330 : i32 to index
      %parallel_loop3A_334 = tpu.vector_load %arg12[%parallel_loop3A_332, %parallel_loop3A_333] {strides = array<i32>} : memref<8x1024xf32, #tpu.memory_space<vmem>>, vector<1x16xf32>,
      %parallel_loop3A_335 = vector.shape_cast %parallel_loop3A_334 : vector<1x16xf32> to vector<16xf32>
      %parallel_loop3A_336 = arith.mulf %parallel_loop3A_335, %get3A_95 : vector<16xf32>
      %parallel_loop3A_337 = arith.addf %parallel_loop3A_336, %get3A_86 : vector<16xf32>
      %parallel_loop3A_338 = arith.maximumf %parallel_loop3A_337, %broadcast_in_dim3A_99 : vector<16xf32>
      %parallel_loop3A_339 = arith.minimumf %parallel_loop3A_338, %broadcast_in_dim3A_97 : vector<16xf32>
      %parallel_loop3A_340 = arith.addf %parallel_loop3A_339, %broadcast_in_dim3A_101 : vector<16xf32>
      %parallel_loop3A_341 = arith.subf %parallel_loop3A_340, %broadcast_in_dim3A_101 : vector<16xf32>
      %parallel_loop3A_342 = arith.mulf %parallel_loop3A_341, %get3A_92 : vector<16xf32>
      %parallel_loop3A_343 = arith.addf %get3A_89, %parallel_loop3A_342 : vector<16xf32>
      %parallel_loop3A_344 = arith.constant 16 : i32
      %parallel_loop3A_345 = arith.muli %parallel_loop3A_236, %parallel_loop3A_344 : i32
      %parallel_loop3A_346 = arith.constant 4 : i32
      %parallel_loop3A_347 = arith.index_cast %parallel_loop3A_346 : i32 to index
      %parallel_loop3A_348 = arith.index_cast %parallel_loop3A_345 : i32 to index
      %parallel_loop3A_349 = tpu.vector_load %arg12[%parallel_loop3A_347, %parallel_loop3A_348] {strides = array<i32>} : memref<8x1024xf32, #tpu.memory_space<vmem>>, vector<1x16xf32>,
      %parallel_loop3A_350 = vector.shape_cast %parallel_loop3A_349 : vector<1x16xf32> to vector<16xf32>
      %parallel_loop3A_351 = vector.shape_cast %parallel_loop3A_343 : vector<16xf32> to vector<1x16xf32>
      tpu.vector_store %arg12[%parallel_loop3A_347, %parallel_loop3A_348], %parallel_loop3A_351 {strides = array<i32>} : memref<8x1024xf32, #tpu.memory_space<vmem>>, vector<1x16xf32>,
      %parallel_loop3A_352 = arith.constant 16 : i32
      %parallel_loop3A_353 = arith.muli %parallel_loop3A_236, %parallel_loop3A_352 : i32
      %parallel_loop3A_354 = arith.constant 5 : i32
      %parallel_loop3A_355 = arith.index_cast %parallel_loop3A_354 : i32 to index
      %parallel_loop3A_356 = arith.index_cast %parallel_loop3A_353 : i32 to index
      %parallel_loop3A_357 = tpu.vector_load %arg12[%parallel_loop3A_355, %parallel_loop3A_356] {strides = array<i32>} : memref<8x1024xf32, #tpu.memory_space<vmem>>, vector<1x16xf32>,
      %parallel_loop3A_358 = vector.shape_cast %parallel_loop3A_357 : vector<1x16xf32> to vector<16xf32>
      %parallel_loop3A_359 = arith.mulf %parallel_loop3A_358, %get3A_95 : vector<16xf32>
      %parallel_loop3A_360 = arith.addf %parallel_loop3A_359, %get3A_86 : vector<16xf32>
      %parallel_loop3A_361 = arith.maximumf %parallel_loop3A_360, %broadcast_in_dim3A_99 : vector<16xf32>
      %parallel_loop3A_362 = arith.minimumf %parallel_loop3A_361, %broadcast_in_dim3A_97 : vector<16xf32>
      %parallel_loop3A_363 = arith.addf %parallel_loop3A_362, %broadcast_in_dim3A_101 : vector<16xf32>
      %parallel_loop3A_364 = arith.subf %parallel_loop3A_363, %broadcast_in_dim3A_101 : vector<16xf32>
      %parallel_loop3A_365 = arith.mulf %parallel_loop3A_364, %get3A_92 : vector<16xf32>
      %parallel_loop3A_366 = arith.addf %get3A_89, %parallel_loop3A_365 : vector<16xf32>
      %parallel_loop3A_367 = arith.constant 16 : i32
      %parallel_loop3A_368 = arith.muli %parallel_loop3A_236, %parallel_loop3A_367 : i32
      %parallel_loop3A_369 = arith.constant 5 : i32
      %parallel_loop3A_370 = arith.index_cast %parallel_loop3A_369 : i32 to index
      %parallel_loop3A_371 = arith.index_cast %parallel_loop3A_368 : i32 to index
      %parallel_loop3A_372 = tpu.vector_load %arg12[%parallel_loop3A_370, %parallel_loop3A_371] {strides = array<i32>} : memref<8x1024xf32, #tpu.memory_space<vmem>>, vector<1x16xf32>,
      %parallel_loop3A_373 = vector.shape_cast %parallel_loop3A_372 : vector<1x16xf32> to vector<16xf32>
      %parallel_loop3A_374 = vector.shape_cast %parallel_loop3A_366 : vector<16xf32> to vector<1x16xf32>
      tpu.vector_store %arg12[%parallel_loop3A_370, %parallel_loop3A_371], %parallel_loop3A_374 {strides = array<i32>} : memref<8x1024xf32, #tpu.memory_space<vmem>>, vector<1x16xf32>,
      %parallel_loop3A_375 = arith.constant 16 : i32
      %parallel_loop3A_376 = arith.muli %parallel_loop3A_236, %parallel_loop3A_375 : i32
      %parallel_loop3A_377 = arith.constant 6 : i32
      %parallel_loop3A_378 = arith.index_cast %parallel_loop3A_377 : i32 to index
      %parallel_loop3A_379 = arith.index_cast %parallel_loop3A_376 : i32 to index
      %parallel_loop3A_380 = tpu.vector_load %arg12[%parallel_loop3A_378, %parallel_loop3A_379] {strides = array<i32>} : memref<8x1024xf32, #tpu.memory_space<vmem>>, vector<1x16xf32>,
      %parallel_loop3A_381 = vector.shape_cast %parallel_loop3A_380 : vector<1x16xf32> to vector<16xf32>
      %parallel_loop3A_382 = arith.mulf %parallel_loop3A_381, %get3A_95 : vector<16xf32>
      %parallel_loop3A_383 = arith.addf %parallel_loop3A_382, %get3A_86 : vector<16xf32>
      %parallel_loop3A_384 = arith.maximumf %parallel_loop3A_383, %broadcast_in_dim3A_99 : vector<16xf32>
      %parallel_loop3A_385 = arith.minimumf %parallel_loop3A_384, %broadcast_in_dim3A_97 : vector<16xf32>
      %parallel_loop3A_386 = arith.addf %parallel_loop3A_385, %broadcast_in_dim3A_101 : vector<16xf32>
      %parallel_loop3A_387 = arith.subf %parallel_loop3A_386, %broadcast_in_dim3A_101 : vector<16xf32>
      %parallel_loop3A_388 = arith.mulf %parallel_loop3A_387, %get3A_92 : vector<16xf32>
      %parallel_loop3A_389 = arith.addf %get3A_89, %parallel_loop3A_388 : vector<16xf32>
      %parallel_loop3A_390 = arith.constant 16 : i32
      %parallel_loop3A_391 = arith.muli %parallel_loop3A_236, %parallel_loop3A_390 : i32
      %parallel_loop3A_392 = arith.constant 6 : i32
      %parallel_loop3A_393 = arith.index_cast %parallel_loop3A_392 : i32 to index
      %parallel_loop3A_394 = arith.index_cast %parallel_loop3A_391 : i32 to index
      %parallel_loop3A_395 = tpu.vector_load %arg12[%parallel_loop3A_393, %parallel_loop3A_394] {strides = array<i32>} : memref<8x1024xf32, #tpu.memory_space<vmem>>, vector<1x16xf32>,
      %parallel_loop3A_396 = vector.shape_cast %parallel_loop3A_395 : vector<1x16xf32> to vector<16xf32>
      %parallel_loop3A_397 = vector.shape_cast %parallel_loop3A_389 : vector<16xf32> to vector<1x16xf32>
      tpu.vector_store %arg12[%parallel_loop3A_393, %parallel_loop3A_394], %parallel_loop3A_397 {strides = array<i32>} : memref<8x1024xf32, #tpu.memory_space<vmem>>, vector<1x16xf32>,
      %parallel_loop3A_398 = arith.constant 16 : i32
      %parallel_loop3A_399 = arith.muli %parallel_loop3A_236, %parallel_loop3A_398 : i32
      %parallel_loop3A_400 = arith.constant 7 : i32
      %parallel_loop3A_401 = arith.index_cast %parallel_loop3A_400 : i32 to index
      %parallel_loop3A_402 = arith.index_cast %parallel_loop3A_399 : i32 to index
      %parallel_loop3A_403 = tpu.vector_load %arg12[%parallel_loop3A_401, %parallel_loop3A_402] {strides = array<i32>} : memref<8x1024xf32, #tpu.memory_space<vmem>>, vector<1x16xf32>,
      %parallel_loop3A_404 = vector.shape_cast %parallel_loop3A_403 : vector<1x16xf32> to vector<16xf32>
      %parallel_loop3A_405 = arith.mulf %parallel_loop3A_404, %get3A_95 : vector<16xf32>
      %parallel_loop3A_406 = arith.addf %parallel_loop3A_405, %get3A_86 : vector<16xf32>
      %parallel_loop3A_407 = arith.maximumf %parallel_loop3A_406, %broadcast_in_dim3A_99 : vector<16xf32>
      %parallel_loop3A_408 = arith.minimumf %parallel_loop3A_407, %broadcast_in_dim3A_97 : vector<16xf32>
      %parallel_loop3A_409 = arith.addf %parallel_loop3A_408, %broadcast_in_dim3A_101 : vector<16xf32>
      %parallel_loop3A_410 = arith.subf %parallel_loop3A_409, %broadcast_in_dim3A_101 : vector<16xf32>
      %parallel_loop3A_411 = arith.mulf %parallel_loop3A_410, %get3A_92 : vector<16xf32>
      %parallel_loop3A_412 = arith.addf %get3A_89, %parallel_loop3A_411 : vector<16xf32>
      %parallel_loop3A_413 = arith.constant 16 : i32
      %parallel_loop3A_414 = arith.muli %parallel_loop3A_236, %parallel_loop3A_413 : i32
      %parallel_loop3A_415 = arith.constant 7 : i32
      %parallel_loop3A_416 = arith.index_cast %parallel_loop3A_415 : i32 to index
      %parallel_loop3A_417 = arith.index_cast %parallel_loop3A_414 : i32 to index
      %parallel_loop3A_418 = tpu.vector_load %arg12[%parallel_loop3A_416, %parallel_loop3A_417] {strides = array<i32>} : memref<8x1024xf32, #tpu.memory_space<vmem>>, vector<1x16xf32>,
      %parallel_loop3A_419 = vector.shape_cast %parallel_loop3A_418 : vector<1x16xf32> to vector<16xf32>
      %parallel_loop3A_420 = vector.shape_cast %parallel_loop3A_412 : vector<16xf32> to vector<1x16xf32>
      tpu.vector_store %arg12[%parallel_loop3A_416, %parallel_loop3A_417], %parallel_loop3A_420 {strides = array<i32>} : memref<8x1024xf32, #tpu.memory_space<vmem>>, vector<1x16xf32>,
    } {sc.loop_unroll_factor = 1 : i64, sc.parallel_access}
    %add3A_198 = arith.constant 56 : i32
    %add3A_199 = arith.addi %mul3A_2, %add3A_198 : i32
    %dma_start3A_200 = arith.constant 0 : i32
    %dma_start3A_201 = tpu.memref_slice %arg4[%add3A_199, %dma_start3A_200] : memref<2048x1024xf32, #tpu.memory_space<hbm>> -> memref<8x1024xf32, #tpu.memory_space<hbm>>
    %dma_start3A_202 = arith.constant 0 : i32
    %dma_start3A_203 = tpu.memref_slice %arg4[%add3A_199, %dma_start3A_202] : memref<2048x1024xf32, #tpu.memory_space<hbm>> -> memref<8x1024xf32, #tpu.memory_space<hbm>>
    tpu.enqueue_dma source(%arg12 : memref<8x1024xf32, #tpu.memory_space<vmem>>) target(%dma_start3A_203 : memref<8x1024xf32, #tpu.memory_space<hbm>>) target_semaphore(%arg30 : memref<!tpu.dma_semaphore, #tpu.memory_space<semaphore_mem>>)
    %dma_wait3A_204 = arith.constant 0 : i32
    %dma_wait3A_205 = tpu.memref_slice %arg4[%add3A_108, %dma_wait3A_204] : memref<2048x1024xf32, #tpu.memory_space<hbm>> -> memref<8x1024xf32, #tpu.memory_space<hbm>>
    %dma_wait3A_206 = arith.constant 0 : i32
    %dma_wait3A_207 = tpu.memref_slice %arg4[%add3A_108, %dma_wait3A_206] : memref<2048x1024xf32, #tpu.memory_space<hbm>> -> memref<8x1024xf32, #tpu.memory_space<hbm>>
    tpu.wait_dma2 semaphore(%arg23 : memref<!tpu.dma_semaphore, #tpu.memory_space<semaphore_mem>>) src(%arg5 : memref<8x1024xf32, #tpu.memory_space<vmem>>) dst(%dma_wait3A_207 : memref<8x1024xf32, #tpu.memory_space<hbm>>)
    %dma_wait3A_208 = arith.constant 0 : i32
    %dma_wait3A_209 = tpu.memref_slice %arg4[%add3A_121, %dma_wait3A_208] : memref<2048x1024xf32, #tpu.memory_space<hbm>> -> memref<8x1024xf32, #tpu.memory_space<hbm>>
    %dma_wait3A_210 = arith.constant 0 : i32
    %dma_wait3A_211 = tpu.memref_slice %arg4[%add3A_121, %dma_wait3A_210] : memref<2048x1024xf32, #tpu.memory_space<hbm>> -> memref<8x1024xf32, #tpu.memory_space<hbm>>
    tpu.wait_dma2 semaphore(%arg24 : memref<!tpu.dma_semaphore, #tpu.memory_space<semaphore_mem>>) src(%arg6 : memref<8x1024xf32, #tpu.memory_space<vmem>>) dst(%dma_wait3A_211 : memref<8x1024xf32, #tpu.memory_space<hbm>>)
    %dma_wait3A_212 = arith.constant 0 : i32
    %dma_wait3A_213 = tpu.memref_slice %arg4[%add3A_134, %dma_wait3A_212] : memref<2048x1024xf32, #tpu.memory_space<hbm>> -> memref<8x1024xf32, #tpu.memory_space<hbm>>
    %dma_wait3A_214 = arith.constant 0 : i32
    %dma_wait3A_215 = tpu.memref_slice %arg4[%add3A_134, %dma_wait3A_214] : memref<2048x1024xf32, #tpu.memory_space<hbm>> -> memref<8x1024xf32, #tpu.memory_space<hbm>>
    tpu.wait_dma2 semaphore(%arg25 : memref<!tpu.dma_semaphore, #tpu.memory_space<semaphore_mem>>) src(%arg7 : memref<8x1024xf32, #tpu.memory_space<vmem>>) dst(%dma_wait3A_215 : memref<8x1024xf32, #tpu.memory_space<hbm>>)
    %dma_wait3A_216 = arith.constant 0 : i32
    %dma_wait3A_217 = tpu.memref_slice %arg4[%add3A_147, %dma_wait3A_216] : memref<2048x1024xf32, #tpu.memory_space<hbm>> -> memref<8x1024xf32, #tpu.memory_space<hbm>>
    %dma_wait3A_218 = arith.constant 0 : i32
    %dma_wait3A_219 = tpu.memref_slice %arg4[%add3A_147, %dma_wait3A_218] : memref<2048x1024xf32, #tpu.memory_space<hbm>> -> memref<8x1024xf32, #tpu.memory_space<hbm>>
    tpu.wait_dma2 semaphore(%arg26 : memref<!tpu.dma_semaphore, #tpu.memory_space<semaphore_mem>>) src(%arg8 : memref<8x1024xf32, #tpu.memory_space<vmem>>) dst(%dma_wait3A_219 : memref<8x1024xf32, #tpu.memory_space<hbm>>)
    %dma_wait3A_220 = arith.constant 0 : i32
    %dma_wait3A_221 = tpu.memref_slice %arg4[%add3A_160, %dma_wait3A_220] : memref<2048x1024xf32, #tpu.memory_space<hbm>> -> memref<8x1024xf32, #tpu.memory_space<hbm>>
    %dma_wait3A_222 = arith.constant 0 : i32
    %dma_wait3A_223 = tpu.memref_slice %arg4[%add3A_160, %dma_wait3A_222] : memref<2048x1024xf32, #tpu.memory_space<hbm>> -> memref<8x1024xf32, #tpu.memory_space<hbm>>
    tpu.wait_dma2 semaphore(%arg27 : memref<!tpu.dma_semaphore, #tpu.memory_space<semaphore_mem>>) src(%arg9 : memref<8x1024xf32, #tpu.memory_space<vmem>>) dst(%dma_wait3A_223 : memref<8x1024xf32, #tpu.memory_space<hbm>>)
    %dma_wait3A_224 = arith.constant 0 : i32
    %dma_wait3A_225 = tpu.memref_slice %arg4[%add3A_173, %dma_wait3A_224] : memref<2048x1024xf32, #tpu.memory_space<hbm>> -> memref<8x1024xf32, #tpu.memory_space<hbm>>
    %dma_wait3A_226 = arith.constant 0 : i32
    %dma_wait3A_227 = tpu.memref_slice %arg4[%add3A_173, %dma_wait3A_226] : memref<2048x1024xf32, #tpu.memory_space<hbm>> -> memref<8x1024xf32, #tpu.memory_space<hbm>>
    tpu.wait_dma2 semaphore(%arg28 : memref<!tpu.dma_semaphore, #tpu.memory_space<semaphore_mem>>) src(%arg10 : memref<8x1024xf32, #tpu.memory_space<vmem>>) dst(%dma_wait3A_227 : memref<8x1024xf32, #tpu.memory_space<hbm>>)
    %dma_wait3A_228 = arith.constant 0 : i32
    %dma_wait3A_229 = tpu.memref_slice %arg4[%add3A_186, %dma_wait3A_228] : memref<2048x1024xf32, #tpu.memory_space<hbm>> -> memref<8x1024xf32, #tpu.memory_space<hbm>>
    %dma_wait3A_230 = arith.constant 0 : i32
    %dma_wait3A_231 = tpu.memref_slice %arg4[%add3A_186, %dma_wait3A_230] : memref<2048x1024xf32, #tpu.memory_space<hbm>> -> memref<8x1024xf32, #tpu.memory_space<hbm>>
    tpu.wait_dma2 semaphore(%arg29 : memref<!tpu.dma_semaphore, #tpu.memory_space<semaphore_mem>>) src(%arg11 : memref<8x1024xf32, #tpu.memory_space<vmem>>) dst(%dma_wait3A_231 : memref<8x1024xf32, #tpu.memory_space<hbm>>)
    %dma_wait3A_232 = arith.constant 0 : i32
    %dma_wait3A_233 = tpu.memref_slice %arg4[%add3A_199, %dma_wait3A_232] : memref<2048x1024xf32, #tpu.memory_space<hbm>> -> memref<8x1024xf32, #tpu.memory_space<hbm>>
    %dma_wait3A_234 = arith.constant 0 : i32
    %dma_wait3A_235 = tpu.memref_slice %arg4[%add3A_199, %dma_wait3A_234] : memref<2048x1024xf32, #tpu.memory_space<hbm>> -> memref<8x1024xf32, #tpu.memory_space<hbm>>
    tpu.wait_dma2 semaphore(%arg30 : memref<!tpu.dma_semaphore, #tpu.memory_space<semaphore_mem>>) src(%arg12 : memref<8x1024xf32, #tpu.memory_space<vmem>>) dst(%dma_wait3A_235 : memref<8x1024xf32, #tpu.memory_space<hbm>>)
    return
  }
}

</mosaic_0001>

<sc_bundles>
// kernel: kernel.3.cloned.1.call-start
scs
__scs_entry_jumppad:
0x0: {  	(pc) =	sbr.rel $0x88, $3  }
0x1: {  	(tag) =	ssettag $0x0;
	lr =	simm.s32 $0x1  }
0x2: {  	[smem:$0x3F9F] =	sst lr;
	_ =	strace $0xD0000000  }
0x3: {  	_ = 	snop  }
0x4: {  	_ = 	snop  }
0x5: {  	_ = 	snop  }
0x6: {  	_ = 	snop  }
0x7: {  	_ = 	snop  }
__scs_overlays_trampoline_lowered:
0x8: {  	[smem:$0x3FAE] =	sst s0  }
0x9: {  	[smem:$0x3FAF] =	sst s1  }
0xa: {  	[smem:$0x3FB0] =	sst s2  }
0xb: {  	[smem:$0x3FB1] =	sst s3  }
0xc: {  	[smem:$0x3FB2] =	sst s4  }
0xd: {  	[smem:$0x3FB3] =	sst s5  }
0xe: {  	[smem:$0x3FB4] =	sst s6  }
0xf: {  	[smem:$0x3FB5] =	sst s7  }
0x10: {  	[smem:$0x3FB6] =	sst s8  }
0x11: {  	[smem:$0x3FB7] =	sst s9;
	s0 =	simm.s32 @!p0 $0x0  }
0x12: {  	s1 =	sld [smem:$0x3F9D];
	s0 =	simm.s32 @p0 $0x1  }
0x13: {  	[smem:$0x3FB8] =	sst s0;
	s0 =	simm.s32 @!p1 $0x0  }
0x14: {  	s2 =	sld [smem:$0x3F9C];
	s0 =	simm.s32 @p1 $0x1  }
0x15: {  	[smem:$0x3FB9] =	sst s0;
	s0 =	simm.s32 @!p2 $0x0  }
0x16: {  	s3 =	sld [smem:$0x3FDB];
	s0 =	simm.s32 @p2 $0x1  }
0x17: {  	s4 =	simm.s32 $0x1BF5;
	[smem:$0x3FBB] =	sst s0  }
0x18: {  	s0 =	sld [smem:$0x3F9E];
	_ =	swait.ge [sflag:s4], $0x0  }
0x19: {  	s7 =	sld [smem:$0x3F9F]  }
0x1a: {  	s8 =	sadd.s32 $0xFFFFE003, lr  }
0x1b: {  	s9 =	sadd.s32 $0xFFFFFEF7, lr;
	s5 =	simm.s32 $0xFFFFFFFF;
	p2 =	slt.u32 s8, $0xFFFFF086  }
0x1c: {  	p1 =	slt.u32 s9, $0xF7A;
	s5 =	simm.s32 @!p2 $0x0  }
0x1d: {  	s5 =	simm.s32 @p1 $0x1;
	p0 =	seq.s32 s7, s2  }
0x1e: {  	s7 =	smul.u32 @!p0 $0xF7A, s2;
	p2 =	seq.s32 @!p0 s5, $0x0  }
0x1f: {  	s9 =	smul.u32 $0xF7A, s1;
	s8 =	simm.s32 @!p0 $0x1BF5;
	p2 =	por !p2, p0  }
0x20: {  	[sflag:s8] =	ssyncset.s32 @!p0 $0xFFFFF086;
	s6 =	sadd.s32 @!p0 s3, s7;
	s7 =	simm.s32 @!p0 $0x108  }
0x21: {  	s3 =	sadd.s32 s3, s9;
	s6 =	sadd.s32 @!p0 $0x88, s6;
	s7 =	simm.s32 @p2 $0x1082  }
0x22: {  	[simem:s7], [sflag:s8] =	dma.local @!p0 [hbm:s6], $0xF7A  }
0x23: {  	s9 =	sor.u32 $0xD0000000, s2;
	s6 =	simm.s32 $0x108;
	_ =	swait.ge @!p0 [sflag:s8], $0x0  }
0x24: {  	s3 =	sadd.s32 $0x88, s3;
	s6 =	simm.s32 @!p1 $0x1082;
	[sflag:s4] =	ssyncset.s32 $0xFFFFF086  }
0x25: {  	[simem:s6], [sflag:s4] =	dma.local [hbm:s3], $0xF7A  }
0x26: {  	[smem:$0x3F9F] =	sst s1;
	(tag) =	ssettag s2;
	_ =	strace s9  }
0x27: {  	s1 =	sld [smem:$0x3FAF]  }
0x28: {  	s2 =	sld [smem:$0x3FB0]  }
0x29: {  	s4 =	sld [smem:$0x3FB2]  }
0x2a: {  	p0 =	seq.s32 s5, $0x0;
	s5 =	sld [smem:$0x3FB3]  }
0x2b: {  	s6 =	sld [smem:$0x3FB4]  }
0x2c: {  	s7 =	sld [smem:$0x3FB5]  }
0x2d: {  	s3 =	simm.s32 $0x108;
	s8 =	sld [smem:$0x3FB6]  }
0x2e: {  	s3 =	simm.s32 @!p0 $0x1082;
	s9 =	sld [smem:$0x3FB7]  }
0x2f: {  	lr =	sadd.s32 s0, s3;
	s0 =	sld [smem:$0x3FAE]  }
0x30: {  	s3 =	sld [smem:$0x3FB1]  }
0x31: {  	[smem:$0x3FBA] =	sst s10  }
0x32: {  	s10 =	sld [smem:$0x3FB8];
	_ =	sdelay $0x3  }
0x33: {  	p0 =	seq.s32 s10, $0x1;
	s10 =	sld [smem:$0x3FBA];
	_ =	sdelay $0x3  }
0x34: {  	[smem:$0x3FBA] =	sst s10  }
0x35: {  	s10 =	sld [smem:$0x3FB9];
	_ =	sdelay $0x3  }
0x36: {  	p1 =	seq.s32 s10, $0x1;
	s10 =	sld [smem:$0x3FBA];
	_ =	sdelay $0x3  }
0x37: {  	[smem:$0x3FBA] =	sst s10  }
0x38: {  	s10 =	sld [smem:$0x3FBB]  }
0x39: {  	_ = 	snop;
	(pc) =	sbr.ind lr, $3  }
0x3a: {  	_ = 	snop  }
0x3b: {  	_ = 	snop  }
0x3c: {  	p2 =	seq.s32 s10, $0x1;
	s10 =	sld [smem:$0x3FBA]  }
0x3d: {  	_ =	shalt  }
0x3e: {  	_ =	shalt  }
0x3f: {  	_ =	shalt  }
0x40: {  	_ =	shalt  }
0x41: {  	_ =	shalt  }
0x42: {  	_ =	shalt  }
0x43: {  	_ =	shalt  }
0x44: {  	_ =	shalt  }
0x45: {  	_ =	shalt  }
0x46: {  	_ =	shalt  }
0x47: {  	_ =	shalt  }
0x48: {  	_ =	shalt  }
0x49: {  	_ =	shalt  }
0x4a: {  	_ =	shalt  }
0x4b: {  	_ =	shalt  }
0x4c: {  	_ =	shalt  }
0x4d: {  	_ =	shalt  }
0x4e: {  	_ =	shalt  }
0x4f: {  	_ =	shalt  }
0x50: {  	_ =	shalt  }
0x51: {  	_ =	shalt  }
0x52: {  	_ =	shalt  }
0x53: {  	_ =	shalt  }
0x54: {  	_ =	shalt  }
0x55: {  	_ =	shalt  }
0x56: {  	_ =	shalt  }
0x57: {  	_ =	shalt  }
0x58: {  	_ =	shalt  }
0x59: {  	_ =	shalt  }
0x5a: {  	_ =	shalt  }
0x5b: {  	_ =	shalt  }
0x5c: {  	_ =	shalt  }
0x5d: {  	_ =	shalt  }
0x5e: {  	_ =	shalt  }
0x5f: {  	_ =	shalt  }
0x60: {  	_ =	shalt  }
0x61: {  	_ =	shalt  }
0x62: {  	_ =	shalt  }
0x63: {  	_ =	shalt  }
0x64: {  	_ =	shalt  }
0x65: {  	_ =	shalt  }
0x66: {  	_ =	shalt  }
0x67: {  	_ =	shalt  }
0x68: {  	_ =	shalt  }
0x69: {  	_ =	shalt  }
0x6a: {  	_ =	shalt  }
0x6b: {  	_ =	shalt  }
0x6c: {  	_ =	shalt  }
0x6d: {  	_ =	shalt  }
0x6e: {  	_ =	shalt  }
0x6f: {  	_ =	shalt  }
0x70: {  	_ =	shalt  }
0x71: {  	_ =	shalt  }
0x72: {  	_ =	shalt  }
0x73: {  	_ =	shalt  }
0x74: {  	_ =	shalt  }
0x75: {  	_ =	shalt  }
0x76: {  	_ =	shalt  }
0x77: {  	_ =	shalt  }
0x78: {  	_ =	shalt  }
0x79: {  	_ =	shalt  }
0x7a: {  	_ =	shalt  }
0x7b: {  	_ =	shalt  }
0x7c: {  	_ =	shalt  }
0x7d: {  	_ =	shalt  }
0x7e: {  	_ =	shalt  }
0x7f: {  	_ =	shalt  }
0x80: {  	_ =	shalt  }
0x81: {  	_ =	shalt  }
0x82: {  	_ =	shalt  }
0x83: {  	_ =	shalt  }
0x84: {  	_ =	shalt  }
0x85: {  	_ =	shalt  }
0x86: {  	_ =	shalt  }
0x87: {  	_ =	shalt  }
.Lfunc_end0:
.L_simem_size_0:
called_computation_lowered:
.L_overlay_start_0:
0x88: {  	s2 =	sld [smem:$0x3FD9]  }
0x89: {  	s3 =	sld [smem:$0x3FFE];
	_ =	sdelay $0x1  }
0x8a: {  	s1 =	srdreg.scid  }
0x8b: {  	s0 =	sand.u32 $0x1, s1  }
0x8c: {  	s18 =	sshll.u32 s0, $0xA;
	s2 =	sadd.s32 s3, s2  }
0x8d: {  	s2 =	sadd.s32 s2, s18  }
0x8e: {  	[smem:$0x3FC6] =	sst s2  }
0x8f: {  	_ = 	snop  }
0x90: {  	s2 =	sld [smem:$0x3FC9]  }
0x91: {  	s19 =	sld [smem:$0x3FC8]  }
0x92: {  	s4 =	sld [smem:$0x3FD0];
	(tm) =	ssettm $0x1  }
0x93: {  	s5 =	sld [smem:$0x3FFB];
	_ =	sdelay $0x3  }
0x94: {  	_ =	strace s5  }
0x95: {  	s5 =	sld [smem:$0x3FFC];
	_ =	sdelay $0x3  }
0x96: {  	_ =	strace s5  }
0x97: {  	s5 =	sld [smem:$0x3FFD];
	_ =	sdelay $0x3  }
0x98: {  	_ =	strace s5  }
0x99: {  	_ =	strace $0x8FFFFFFF  }
0x9a: {  	s20 =	sld [smem:$0x3FDB];
	_ =	sdelay $0x1  }
0x9b: {  	s6 =	simm.s32 $_scs_section_size  }
0x9c: {  	s7 =	simm.s32 $_size__tile_overlayer_lowered;
	s8 =	simm.s32 $_tile_overlayer_lowered  }
0x9d: {  	s23 =	simm.s32 $0x1BFF;
	s22 =	sshll.u32 s8, $0x1;
	s5 =	sadd.s32 s6, s20  }
0x9e: {  	s9 =	simm.s32 $0x0;
	s21 =	sshll.u32 s7, $0x1;
	s7 =	sadd.s32 s22, s5  }
0x9f: {  	[timem:s9], [sflag:s23] =	dma.local [hbm:s7], s21  }
0xa0: {  	_ =	swait.ge [sflag:s23], s21  }
0xa1: {  	s6 =	ssub.s32 $0x0, s21;
	[sflag:s23] =	ssyncset.done $0x0  }
0xa2: {  	[sflag:s23] =	ssyncadd.s32 s6;
	_ =	sdelay $0x1  }
0xa3: {  	s24 =	simm.s32 $0x1B8B  }
0xa4: {  	_ =	swait.ge [sflag:s24], $0x1  }
0xa5: {  	[sflag:s24] =	ssyncset.done $0x0  }
0xa6: {  	s25 =	simm.s32 $0x1B8E;
	[sflag:s24] =	ssyncadd.s32 $0xFFFFFFFF  }
0xa7: {  	s26 =	simm.s32 $execute0_lowered;
	[smem:$0x3FD2] =	sst s25  }
0xa8: {  	s6 =	sshll.u32 s26, $0x1;
	_ =	strace $0x80000046;
	[dreg:$0x1] =	wrdreg $0xFFFFFFFF  }
0xa9: {  	s28 =	simm.s32 $_size_execute0_lowered;
	s5 =	sadd.s32 s5, s6;
	[dreg:$0x0] =	wrdreg $0x0  }
0xaa: {  	s6 =	sshll.u32 s28, $0x1;
	[dreg:$0x2] =	wrdreg s5  }
0xab: {  	[dreg:$0x3] =	wrdreg s6  }
0xac: {  	[dreg:$0x4] =	wrdreg $0xC0  }
0xad: {  	_ =	task [dreg:s9], $0x5FFFF  }
0xae: {  	[dreg:$0x1] =	wrdreg $0xFFFFFFFF  }
0xaf: {  	[dreg:$0x0] =	wrdreg $0x60  }
0xb0: {  	[dreg:$0x2] =	wrdreg s2  }
0xb1: {  	[dreg:$0x3] =	wrdreg s19  }
0xb2: {  	[dreg:$0x4] =	wrdreg s4  }
0xb3: {  	[dreg:$0x5] =	wrdreg $0x9  }
0xb4: {  	_ =	task.clear_ibuf [dreg:s9], $0x6FFFF;
	_ =	strace $0x90000046  }
0xb5: {  	s29 =	simm.s32 $0x9;
	_ =	strace $0x80000048  }
0xb6: {  	_ =	swait.ge [sflag:s29], $0x1  }
0xb7: {  	[sflag:s29] =	ssyncadd.s32 $0xFFFFFFFF  }
0xb8: {  	_ =	strace $0x90000048  }
0xb9: {  	_ =	sfence  }
0xba: {  	s30 =	sld [smem:$0x0];
	_ =	sdelay $0x2  }
0xbb: {  	s31 =	sshll.u32 s1, $0xD;
	s1 =	sshrl.u32 s1, $0x2  }
0xbc: {  	s3 =	sand.u32 $0x4000, s31;
	s1 =	sadd.s32 s1, s30  }
0xbd: {  	s0 =	sor.u32 s3, s0;
	s1 =	sshll.u32 s1, $0x11  }
0xbe: {  	s0 =	sor.u32 s1, s0  }
0xbf: {  	s0 =	sadd.s32 $0x8F2B, s0  }
0xc0: {  	[sflag:s0] =	ssyncadd.remote.s32 $0x1  }
0xc1: {  	_ =	sfence.sel $0xFFFF  }
0xc2: {  	[dreg:$0x0] =	wrdreg $0xFFFFFFFF;
	(pc) =	sbr.abs _section_cstart, $3  }
0xc3: {  	[dreg:$0x1] =	wrdreg $0xFFFFFFFF  }
0xc4: {  	_ =	task.clear_ibuf [dreg:s9], $0x2FFFF;
	_ =	strace $0x9FFFFFFF  }
0xc5: {  	(tm) =	ssettm $0x7FFFFFFF  }
tec
execute0_lowered:
.L_overlay_start_1:
0x0: {  	(tag) =	ssettag $0x1  }
0x1: {  	s0 =	rddreg [dreg:$0x0]  }
0x2: {  	s1 =	rddreg [dreg:$0x2];
	s3 =	simm.s32 $0x0;
	s2 =	srdreg.scid  }
0x3: {  	s5 =	stileid.u32;
	s30 =	simm.s32 $0x11;
	s31 =	simm.s32 $0x1  }
0x4: {  	s29 =	simm.s32 $0x5;
	s28 =	simm.s32 $0xC;
	s2 =	sand.u32 $0x1, s2  }
0x5: {  	s5 =	sshll.u32 s5, $0xE;
	s4 =	ssub.s32 $0x2, s2;
	s2 =	sshll.u32 s2, $0xD  }
0x6: {  	[smem:$0x7FF] =	sst s3;
	s6 =	sshrl.u32 s4, $0x1;
	s2 =	sor.u32 s2, s5  }
0x7: {  	_ =	strace $0x80000047;
	s4 =	ssub.s32 s4, s6;
	s5 =	sadd.s32 s0, s2  }
0x8: {  	s14 =	sor.u32 $0x400, s2;
	s22 =	sadd.s32 s1, s2;
	[dreg:$0x4] =	wrdreg s5  }
0x9: {  	s16 =	sor.u32 $0x800, s2;
	s15 =	sadd.s32 s0, s14;
	[dreg:$0xc] =	wrdreg s22  }
0xa: {  	s7 =	sor.u32 $0xC00, s2;
	s8 =	sadd.s32 s0, s16;
	[dreg:$0x5] =	wrdreg s15  }
0xb: {  	s18 =	sor.u32 $0x1000, s2;
	s17 =	sadd.s32 s0, s7;
	[dreg:$0x6] =	wrdreg s8  }
0xc: {  	s19 =	sor.u32 $0x1400, s2;
	s9 =	sadd.s32 s0, s18;
	[dreg:$0x7] =	wrdreg s17  }
0xd: {  	s10 =	sor.u32 $0x1800, s2;
	s11 =	sadd.s32 s0, s19;
	[dreg:$0x8] =	wrdreg s9  }
0xe: {  	s21 =	sor.u32 $0x1C00, s2;
	s20 =	sadd.s32 s0, s10;
	[dreg:$0x9] =	wrdreg s11  }
0xf: {  	s2 =	simm.s32 $0x3;
	s0 =	sadd.s32 s0, s21;
	[dreg:$0xa] =	wrdreg s20  }
0x10: {  	s6 =	simm.s32 $0xF;
	s23 =	sadd.s32 s1, s14;
	[dreg:$0xb] =	wrdreg s0  }
0x11: {  	s24 =	sadd.s32 s1, s16;
	s25 =	sadd.s32 s1, s7;
	[dreg:$0xd] =	wrdreg s23  }
0x12: {  	s26 =	sadd.s32 s1, s18;
	s18 =	sadd.s32 s1, s10;
	[dreg:$0xe] =	wrdreg s24  }
0x13: {  	s22 =	simm.s32 $0x7;
	s5 =	simm.s32 $0xE;
	[dreg:$0xf] =	wrdreg s25  }
0x14: {  	s7 =	simm.s32 $0x10;
	[dreg:$0x10] =	wrdreg s26;
	s17 =	sadd.s32 s1, s19  }
0x15: {  	s19 =	sadd.s32 s1, s21;
	s20 =	smax.u32 s4, $0x1;
	s11 =	simm.s32 $0xE000  }
0x16: {  	s0 =	simm.s32 $0x2;
	s1 =	simm.s32 $0x4;
	s21 =	simm.s32 $0x6  }
0x17: {  	s23 =	simm.s32 $0x8;
	s24 =	simm.s32 $0x9;
	s25 =	simm.s32 $0xA  }
0x18: {  	v0 =	vimm.s32 $0x0;
	v1 =	vimm.s32 $0xF;
	s26 =	simm.s32 $0xB;
	s4 =	simm.s32 $0xD;
	s8 =	simm.s32 $0x0  }
.LBB2_1:
0x19: {  	s9 =	rddreg [dreg:$0x4]  }
0x1a: {  	[tilespmem:s3], [sflag:$0x1] =	stream.linear.gather [hbm4b:s9+s3], $0x2000, $0x38;
	[tilespmem:$0x10100] =	vst v63  }
0x1b: {  	s12 =	rddreg [dreg:$0x5];
	s10 =	simm.s32 $0x2000  }
0x1c: {  	[tilespmem:s10], [sflag:$0x2] =	stream.linear.gather [hbm4b:s12+s3], $0x2000, $0x38;
	[tilespmem:$0x10100] =	vst v63  }
0x1d: {  	s13 =	rddreg [dreg:$0x6];
	s14 =	simm.s32 $0x4000  }
0x1e: {  	[tilespmem:s14], [sflag:$0x3] =	stream.linear.gather [hbm4b:s13+s3], $0x2000, $0x38;
	[tilespmem:$0x10100] =	vst v63  }
0x1f: {  	s15 =	rddreg [dreg:$0x7];
	s16 =	simm.s32 $0x6000  }
0x20: {  	[tilespmem:s16], [sflag:$0x4] =	stream.linear.gather [hbm4b:s15+s3], $0x2000, $0x38;
	[tilespmem:$0x10100] =	vst v63  }
0x21: {  	s10 =	rddreg [dreg:$0x8];
	s12 =	simm.s32 $0x8000  }
0x22: {  	[tilespmem:s12], [sflag:$0x5] =	stream.linear.gather [hbm4b:s10+s3], $0x2000, $0x38;
	[tilespmem:$0x10100] =	vst v63  }
0x23: {  	s13 =	rddreg [dreg:$0x9];
	s14 =	simm.s32 $0xA000  }
0x24: {  	[tilespmem:s14], [sflag:$0x6] =	stream.linear.gather [hbm4b:s13+s3], $0x2000, $0x38;
	[tilespmem:$0x10100] =	vst v63  }
0x25: {  	s15 =	rddreg [dreg:$0xa];
	s16 =	simm.s32 $0xC000  }
0x26: {  	[tilespmem:s16], [sflag:$0x7] =	stream.linear.gather [hbm4b:s15+s3], $0x2000, $0x38;
	[tilespmem:$0x10100] =	vst v63  }
0x27: {  	s10 =	rddreg [dreg:$0xb]  }
0x28: {  	[tilespmem:s11], [sflag:$0x8] =	stream.linear.gather [hbm4b:s10+s3], $0x2000, $0x38;
	[tilespmem:$0x10100] =	vst v63  }
0x29: {  	s12 =	simm.s32 $0x10080;
	s11 =	rddreg [dreg:$0x1]  }
0x2a: {  	[tilespmem:s12], [sflag:$0x11] =	stream.linear.gather [hbm4b:s11+s3], $0x80, $0x38;
	[tilespmem:$0x10100] =	vst v63  }
0x2b: {  	_ =	swait.ge [sflag:s30], $0x80  }
0x2c: {  	[sflag:s30] =	ssyncset.done $0x0  }
0x2d: {  	[sflag:s30] =	ssyncadd.s32 $0xFFFFFF80  }
0x2e: {  	v2 =	vld [tilespmem:$0x10080]  }
0x2f: {  	v3 =	vld [tilespmem:$0x100B0];
	_ =	sdelay $0x4  }
0x30: {  	v2 =	vperm.xlane v2, v0;
	v3 =	vperm.xlane v3, v1;
	_ =	sdelay $0x1  }
0x31: {  	v3 =	vsub.f32 v3, v2;
	_ =	sdelay $0x1  }
0x32: {  	v3 =	vmul.f32 $1.587301680e-02, v3;
	_ =	sdelay $0x1  }
0x33: {  	(erf) = vrcp.f32 v3;
	_ =	sdelay $0x7  }
0x34: {  	v4 =	vsub.f32 $0.0e+00, v2  }
0x35: {  	[tilespmem:$0x10010] =	vst v2;
	v5 =	vpop (erf)  }
0x36: {  	[tilespmem:$0x10020] =	vst v3;
	v4 =	vmul.f32 v5, v4  }
0x37: {  	[tilespmem:$0x10030] =	vst v5  }
0x38: {  	[tilespmem:$0x10000] =	vst v4  }
0x39: {  	_ =	swait.ge [sflag:s31], $0x2000  }
0x3a: {  	s13 =	sand.u32 $0x70, s3;
	s14 =	sand.u32 $0x1C00, s3;
	[sflag:s31] =	ssyncset.done $0x0  }
0x3b: {  	s12 =	sor.u32 s13, s14;
	[sflag:s31] =	ssyncadd.s32 $0xFFFFE000  }
0x3c: {  	v6 =	vld [tilespmem:s12+$0x0]  }
0x3d: {  	v7 =	vld [tilespmem:s12+$0x80]  }
0x3e: {  	v8 =	vld [tilespmem:s12+$0x100]  }
0x3f: {  	v9 =	vld [tilespmem:s12+$0x180]  }
0x40: {  	v10 =	vld [tilespmem:s12+$0x200]  }
0x41: {  	v11 =	vld [tilespmem:s12+$0x280]  }
0x42: {  	v12 =	vld [tilespmem:s12+$0x300];
	_ =	sdelay $0x1  }
0x43: {  	v6 =	vmul.f32 v6, v5;
	v7 =	vmul.f32 v7, v5  }
0x44: {  	v8 =	vmul.f32 v8, v5;
	v9 =	vmul.f32 v9, v5  }
0x45: {  	v10 =	vmul.f32 v10, v5;
	v11 =	vmul.f32 v11, v5;
	v6 =	vadd.f32 v6, v4  }
0x46: {  	v12 =	vmul.f32 v12, v5;
	v7 =	vadd.f32 v7, v4;
	v8 =	vadd.f32 v8, v4  }
0x47: {  	v9 =	vadd.f32 v9, v4;
	v10 =	vadd.f32 v10, v4  }
0x48: {  	v11 =	vadd.f32 v11, v4;
	v12 =	vadd.f32 v12, v4  }
0x49: {  	v6 =	vmax.f32 v6, $0.0e+00;
	v7 =	vmax.f32 v7, $0.0e+00;
	v8 =	vmax.f32 v8, $0.0e+00  }
0x4a: {  	v9 =	vmax.f32 v9, $0.0e+00;
	v10 =	vmax.f32 v10, $0.0e+00;
	v11 =	vmax.f32 v11, $0.0e+00  }
0x4b: {  	v12 =	vmax.f32 v12, $0.0e+00;
	v6 =	vmin.f32 v6, $6.300000000e+01;
	v7 =	vmin.f32 v7, $6.300000000e+01  }
0x4c: {  	v8 =	vmin.f32 v8, $6.300000000e+01;
	v9 =	vmin.f32 v9, $6.300000000e+01;
	v6 =	vadd.f32 $1.258291200e+07, v6  }
0x4d: {  	s9 =	simm.s32 $0x10;
	s11 =	simm.s32 $0x80;
	v10 =	vmin.f32 v10, $6.300000000e+01;
	v7 =	vadd.f32 $1.258291200e+07, v7;
	v8 =	vadd.f32 $1.258291200e+07, v8  }
0x4e: {  	s15 =	sand.u32 $0x70, s9;
	s13 =	sand.u32 $0x1C00, s11;
	v11 =	vmin.f32 v11, $6.300000000e+01;
	v9 =	vadd.f32 $1.258291200e+07, v9;
	v10 =	vadd.f32 $1.258291200e+07, v10  }
0x4f: {  	s10 =	sor.u32 s15, s13;
	v12 =	vmin.f32 v12, $6.300000000e+01;
	v11 =	vadd.f32 $1.258291200e+07, v11;
	v6 =	vadd.f32 $-1.258291200e+07, v6  }
0x50: {  	v13 =	vld [tilespmem:s10+$0x0];
	v12 =	vadd.f32 $1.258291200e+07, v12;
	v7 =	vadd.f32 $-1.258291200e+07, v7  }
0x51: {  	v14 =	vld [tilespmem:s10+$0x80];
	v8 =	vadd.f32 $-1.258291200e+07, v8;
	v9 =	vadd.f32 $-1.258291200e+07, v9;
	v6 =	vmul.f32 v6, v3  }
0x52: {  	v15 =	vld [tilespmem:s10+$0x100];
	v10 =	vadd.f32 $-1.258291200e+07, v10;
	v12 =	vadd.f32 $-1.258291200e+07, v12;
	v7 =	vmul.f32 v7, v3  }
0x53: {  	v16 =	vld [tilespmem:s10+$0x180];
	v11 =	vadd.f32 $-1.258291200e+07, v11;
	v8 =	vmul.f32 v8, v3;
	v6 =	vadd.f32 v6, v2  }
0x54: {  	v17 =	vld [tilespmem:s10+$0x200];
	v9 =	vmul.f32 v9, v3;
	v12 =	vmul.f32 v12, v3;
	v7 =	vadd.f32 v7, v2  }
0x55: {  	[tilespmem:s12+$0x0] =	vst v6;
	v6 =	vadd.f32 v8, v2;
	v8 =	vmul.f32 v10, v3;
	v10 =	vld [tilespmem:s10+$0x280]  }
0x56: {  	v12 =	vadd.f32 v12, v2;
	[tilespmem:s12+$0x80] =	vst v7;
	v7 =	vadd.f32 v9, v2;
	v9 =	vmul.f32 v11, v3;
	v11 =	vld [tilespmem:s10+$0x300]  }
0x57: {  	[tilespmem:s12+$0x100] =	vst v6;
	v6 =	vadd.f32 v8, v2;
	v8 =	vmul.f32 v13, v5  }
0x58: {  	[tilespmem:s12+$0x300] =	vst v12;
	v13 =	vmul.f32 v14, v5;
	v14 =	vmul.f32 v15, v5  }
0x59: {  	v9 =	vadd.f32 v9, v2;
	v15 =	vmul.f32 v17, v5;
	[tilespmem:s12+$0x200] =	vst v6;
	v6 =	vmul.f32 v16, v5  }
0x5a: {  	s16 =	sor.u32 s3, s3;
	[tilespmem:s12+$0x180] =	vst v7;
	v7 =	vadd.f32 v8, v4;
	v8 =	vadd.f32 v13, v4;
	v63 =	vmul.f32 v10, v5  }
0x5b: {  	[tilespmem:s12+$0x280] =	vst v9;
	v9 =	vadd.f32 v14, v4;
	s12 =	sor.u32 $0x380, s16;
	v12 =	vadd.f32 v15, v4;
	v13 =	vmul.f32 v11, v5  }
0x5c: {  	s14 =	simm.s32 $0x20;
	s13 =	simm.s32 $0x80;
	v10 =	vadd.f32 v6, v4;
	v6 =	vld [tilespmem:s12+$0x0];
	v11 =	vadd.f32 v63, v4  }
.LBB2_2:
0x5d: {  	p0 =	sne.s32 s14, $0x3F0;
	v7 =	vmax.f32 v7, $0.0e+00;
	v8 =	vmax.f32 v8, $0.0e+00;
	v13 =	vadd.f32 v13, v4  }
0x5e: {  	v9 =	vmax.f32 v9, $0.0e+00;
	v10 =	vmax.f32 v10, $0.0e+00;
	v12 =	vmax.f32 v12, $0.0e+00  }
0x5f: {  	v7 =	vmin.f32 v7, $6.300000000e+01;
	v11 =	vmax.f32 v11, $0.0e+00;
	v13 =	vmax.f32 v13, $0.0e+00  }
0x60: {  	v8 =	vmin.f32 v8, $6.300000000e+01;
	v9 =	vmin.f32 v9, $6.300000000e+01;
	v10 =	vmin.f32 v10, $6.300000000e+01  }
0x61: {  	v7 =	vadd.f32 $1.258291200e+07, v7;
	v8 =	vadd.f32 $1.258291200e+07, v8;
	v6 =	vmul.f32 v6, v5  }
0x62: {  	v9 =	vadd.f32 $1.258291200e+07, v9;
	v10 =	vadd.f32 $1.258291200e+07, v10;
	v12 =	vmin.f32 v12, $6.300000000e+01  }
0x63: {  	s11 =	sadd.s32 $0x80, s11;
	v11 =	vmin.f32 v11, $6.300000000e+01;
	v12 =	vadd.f32 $1.258291200e+07, v12;
	v6 =	vadd.f32 v6, v4  }
0x64: {  	s15 =	sand.u32 $0x70, s14;
	s16 =	sand.u32 $0x1C00, s11;
	v11 =	vadd.f32 $1.258291200e+07, v11;
	v13 =	vmin.f32 v13, $6.300000000e+01;
	v7 =	vadd.f32 $-1.258291200e+07, v7  }
0x65: {  	s15 =	sor.u32 s15, s16;
	v8 =	vadd.f32 $-1.258291200e+07, v8;
	v13 =	vadd.f32 $1.258291200e+07, v13;
	v6 =	vmax.f32 v6, $0.0e+00  }
0x66: {  	v9 =	vadd.f32 $-1.258291200e+07, v9;
	v7 =	vmul.f32 v7, v3;
	v14 =	vld [tilespmem:s15+$0x0];
	v6 =	vmin.f32 v6, $6.300000000e+01  }
0x67: {  	v10 =	vadd.f32 $-1.258291200e+07, v10;
	v8 =	vmul.f32 v8, v3;
	v15 =	vld [tilespmem:s15+$0x80];
	v6 =	vadd.f32 $1.258291200e+07, v6  }
0x68: {  	v12 =	vadd.f32 $-1.258291200e+07, v12;
	v9 =	vmul.f32 v9, v3;
	v7 =	vadd.f32 v7, v2;
	v16 =	vld [tilespmem:s15+$0x100]  }
0x69: {  	v10 =	vmul.f32 v10, v3;
	v8 =	vadd.f32 v8, v2;
	v17 =	vld [tilespmem:s15+$0x180];
	v6 =	vadd.f32 $-1.258291200e+07, v6  }
0x6a: {  	v11 =	vadd.f32 $-1.258291200e+07, v11;
	v18 =	vld [tilespmem:s15+$0x200];
	[tilespmem:s10+$0x0] =	vst v7;
	v7 =	vadd.f32 v9, v2;
	v9 =	vmul.f32 v12, v3  }
0x6b: {  	v12 =	vld [tilespmem:s15+$0x280];
	[tilespmem:s10+$0x80] =	vst v8;
	v8 =	vadd.f32 v10, v2;
	v10 =	vadd.f32 $-1.258291200e+07, v13;
	v6 =	vmul.f32 v6, v3  }
0x6c: {  	v13 =	vld [tilespmem:s15+$0x300];
	[tilespmem:s10+$0x100] =	vst v7;
	v7 =	vadd.f32 v9, v2;
	v9 =	vmul.f32 v11, v3  }
0x6d: {  	v11 =	vmul.f32 v14, v5;
	[tilespmem:s10+$0x180] =	vst v8;
	v8 =	vmul.f32 v10, v3;
	v6 =	vadd.f32 v6, v2  }
.Ltmp0:
0x6e: {  	v10 =	vmul.f32 v15, v5;
	v14 =	vmul.f32 v16, v5;
	[tilespmem:s10+$0x200] =	vst v7;
	v9 =	vadd.f32 v9, v2;
	(pc) =	sbr.rel @p0 .LBB2_2-.Ltmp0, $4  }
0x6f: {  	v15 =	vmul.f32 v17, v5;
	v16 =	vmul.f32 v18, v5;
	v17 =	vadd.f32 v8, v2;
	[tilespmem:s12+$0x0] =	vst v6  }
0x70: {  	v7 =	vadd.f32 v11, v4;
	v8 =	vadd.f32 v10, v4;
	s12 =	sor.u32 s13, s9;
	s13 =	smov.u32 s11;
	s9 =	smov.u32 s14;
	v6 =	vmul.f32 v12, v5;
	[tilespmem:s10+$0x280] =	vst v9  }
0x71: {  	v9 =	vadd.f32 v14, v4;
	v10 =	vadd.f32 v15, v4;
	s12 =	sor.u32 $0x380, s12;
	v13 =	vmul.f32 v13, v5;
	[tilespmem:s10+$0x300] =	vst v17;
	s10 =	smov.u32 s15  }
0x72: {  	s14 =	sadd.s32 $0x10, s14;
	v12 =	vadd.f32 v16, v4;
	v11 =	vadd.f32 v6, v4;
	v6 =	vld [tilespmem:s12+$0x0]  }
0x73: {  	v7 =	vmax.f32 v7, $0.0e+00  }
0x74: {  	v8 =	vmax.f32 v8, $0.0e+00;
	v13 =	vadd.f32 v13, v4;
	v9 =	vmax.f32 v9, $0.0e+00  }
0x75: {  	v10 =	vmax.f32 v10, $0.0e+00;
	v12 =	vmax.f32 v12, $0.0e+00;
	v7 =	vmin.f32 v7, $6.300000000e+01  }
0x76: {  	v11 =	vmax.f32 v11, $0.0e+00;
	v8 =	vmin.f32 v8, $6.300000000e+01;
	v9 =	vmin.f32 v9, $6.300000000e+01  }
0x77: {  	v10 =	vmin.f32 v10, $6.300000000e+01;
	v7 =	vadd.f32 $1.258291200e+07, v7;
	v8 =	vadd.f32 $1.258291200e+07, v8  }
0x78: {  	v9 =	vadd.f32 $1.258291200e+07, v9;
	v10 =	vadd.f32 $1.258291200e+07, v10;
	v12 =	vmin.f32 v12, $6.300000000e+01  }
0x79: {  	v11 =	vmin.f32 v11, $6.300000000e+01;
	v12 =	vadd.f32 $1.258291200e+07, v12;
	v7 =	vadd.f32 $-1.258291200e+07, v7  }
0x7a: {  	v13 =	vmax.f32 v13, $0.0e+00;
	v11 =	vadd.f32 $1.258291200e+07, v11;
	v8 =	vadd.f32 $-1.258291200e+07, v8  }
0x7b: {  	v13 =	vmin.f32 v13, $6.300000000e+01;
	v9 =	vadd.f32 $-1.258291200e+07, v9;
	v7 =	vmul.f32 v7, v3  }
0x7c: {  	v13 =	vadd.f32 $1.258291200e+07, v13;
	v10 =	vadd.f32 $-1.258291200e+07, v10;
	v8 =	vmul.f32 v8, v3  }
0x7d: {  	v12 =	vadd.f32 $-1.258291200e+07, v12;
	v9 =	vmul.f32 v9, v3;
	v7 =	vadd.f32 v7, v2  }
0x7e: {  	v11 =	vadd.f32 $-1.258291200e+07, v11;
	v10 =	vmul.f32 v10, v3;
	v8 =	vadd.f32 v8, v2  }
0x7f: {  	[tilespmem:s10+$0x0] =	vst v7;
	v7 =	vadd.f32 v9, v2;
	v9 =	vmul.f32 v12, v3;
	v12 =	vadd.f32 $-1.258291200e+07, v13  }
0x80: {  	[tilespmem:s10+$0x80] =	vst v8;
	v8 =	vadd.f32 v10, v2;
	v10 =	vmul.f32 v11, v3  }
0x81: {  	[tilespmem:s10+$0x100] =	vst v7;
	v7 =	vadd.f32 v9, v2;
	v9 =	vmul.f32 v12, v3  }
0x82: {  	[tilespmem:s10+$0x180] =	vst v8;
	v8 =	vadd.f32 v10, v2  }
0x83: {  	[tilespmem:s10+$0x200] =	vst v7;
	v7 =	vadd.f32 v9, v2  }
0x84: {  	s9 =	sor.u32 s13, s9;
	[tilespmem:s10+$0x280] =	vst v8  }
0x85: {  	s9 =	sor.u32 $0x380, s9;
	[tilespmem:s10+$0x300] =	vst v7  }
0x86: {  	v7 =	vld [tilespmem:s9+$0x0];
	_ =	sdelay $0x3  }
0x87: {  	v6 =	vmul.f32 v6, v5  }
0x88: {  	v7 =	vmul.f32 v7, v5  }
0x89: {  	v6 =	vadd.f32 v6, v4  }
0x8a: {  	v7 =	vadd.f32 v7, v4  }
0x8b: {  	v6 =	vmax.f32 v6, $0.0e+00  }
0x8c: {  	v6 =	vmin.f32 v6, $6.300000000e+01;
	v7 =	vmax.f32 v7, $0.0e+00  }
0x8d: {  	v6 =	vadd.f32 $1.258291200e+07, v6;
	v7 =	vmin.f32 v7, $6.300000000e+01  }
0x8e: {  	v7 =	vadd.f32 $1.258291200e+07, v7  }
0x8f: {  	v6 =	vadd.f32 $-1.258291200e+07, v6  }
0x90: {  	v7 =	vadd.f32 $-1.258291200e+07, v7  }
0x91: {  	v6 =	vmul.f32 v6, v3  }
0x92: {  	v7 =	vmul.f32 v7, v3  }
0x93: {  	v6 =	vadd.f32 v6, v2  }
0x94: {  	v7 =	vadd.f32 v7, v2  }
0x95: {  	[tilespmem:s12+$0x0] =	vst v6  }
0x96: {  	[tilespmem:s9+$0x0] =	vst v7  }
0x97: {  	s12 =	simm.s32 $0x0;
	s9 =	rddreg [dreg:$0xc]  }
0x98: {  	[hbm4b:s9+s12] =	stream.linear.scatter [tilespmem:s12], [sflag:$0x9], $0x2000, $0x38;
	[tilespmem:$0x10100] =	vst v63  }
0x99: {  	_ =	swait.ge [sflag:s0], $0x2000  }
0x9a: {  	s13 =	sand.u32 $0x70, s12;
	s14 =	sand.u32 $0x1C00, s12;
	[sflag:s0] =	ssyncset.done $0x0  }
0x9b: {  	s15 =	sor.u32 s13, s14;
	[sflag:s0] =	ssyncadd.s32 $0xFFFFE000  }
0x9c: {  	v6 =	vld [tilespmem:s15+$0x2000]  }
0x9d: {  	v7 =	vld [tilespmem:s15+$0x2080]  }
0x9e: {  	v8 =	vld [tilespmem:s15+$0x2100]  }
0x9f: {  	v9 =	vld [tilespmem:s15+$0x2180]  }
0xa0: {  	v10 =	vld [tilespmem:s15+$0x2200]  }
0xa1: {  	v11 =	vld [tilespmem:s15+$0x2280]  }
0xa2: {  	v12 =	vld [tilespmem:s15+$0x2300];
	_ =	sdelay $0x1  }
0xa3: {  	v6 =	vmul.f32 v6, v5;
	v7 =	vmul.f32 v7, v5  }
0xa4: {  	v8 =	vmul.f32 v8, v5;
	v9 =	vmul.f32 v9, v5  }
0xa5: {  	v10 =	vmul.f32 v10, v5;
	v11 =	vmul.f32 v11, v5;
	v6 =	vadd.f32 v6, v4  }
0xa6: {  	v12 =	vmul.f32 v12, v5;
	v7 =	vadd.f32 v7, v4;
	v8 =	vadd.f32 v8, v4  }
0xa7: {  	v9 =	vadd.f32 v9, v4;
	v10 =	vadd.f32 v10, v4  }
0xa8: {  	v11 =	vadd.f32 v11, v4;
	v12 =	vadd.f32 v12, v4  }
0xa9: {  	v6 =	vmax.f32 v6, $0.0e+00;
	v7 =	vmax.f32 v7, $0.0e+00;
	v8 =	vmax.f32 v8, $0.0e+00  }
0xaa: {  	v9 =	vmax.f32 v9, $0.0e+00;
	v10 =	vmax.f32 v10, $0.0e+00;
	v11 =	vmax.f32 v11, $0.0e+00  }
0xab: {  	v12 =	vmax.f32 v12, $0.0e+00;
	v6 =	vmin.f32 v6, $6.300000000e+01;
	v7 =	vmin.f32 v7, $6.300000000e+01  }
0xac: {  	v8 =	vmin.f32 v8, $6.300000000e+01;
	v9 =	vmin.f32 v9, $6.300000000e+01;
	v6 =	vadd.f32 $1.258291200e+07, v6  }
0xad: {  	s11 =	simm.s32 $0x80;
	s9 =	simm.s32 $0x10;
	v10 =	vmin.f32 v10, $6.300000000e+01;
	v7 =	vadd.f32 $1.258291200e+07, v7;
	v8 =	vadd.f32 $1.258291200e+07, v8  }
0xae: {  	s14 =	sand.u32 $0x1C00, s11;
	s16 =	sand.u32 $0x70, s9;
	v11 =	vmin.f32 v11, $6.300000000e+01;
	v9 =	vadd.f32 $1.258291200e+07, v9;
	v10 =	vadd.f32 $1.258291200e+07, v10  }
0xaf: {  	s10 =	sor.u32 s16, s14;
	v12 =	vmin.f32 v12, $6.300000000e+01;
	v11 =	vadd.f32 $1.258291200e+07, v11;
	v6 =	vadd.f32 $-1.258291200e+07, v6  }
0xb0: {  	v13 =	vld [tilespmem:s10+$0x2000];
	v12 =	vadd.f32 $1.258291200e+07, v12;
	v7 =	vadd.f32 $-1.258291200e+07, v7  }
0xb1: {  	v14 =	vld [tilespmem:s10+$0x2080];
	v8 =	vadd.f32 $-1.258291200e+07, v8;
	v9 =	vadd.f32 $-1.258291200e+07, v9;
	v6 =	vmul.f32 v6, v3  }
0xb2: {  	v15 =	vld [tilespmem:s10+$0x2100];
	v10 =	vadd.f32 $-1.258291200e+07, v10;
	v12 =	vadd.f32 $-1.258291200e+07, v12;
	v7 =	vmul.f32 v7, v3  }
0xb3: {  	v16 =	vld [tilespmem:s10+$0x2180];
	v11 =	vadd.f32 $-1.258291200e+07, v11;
	v8 =	vmul.f32 v8, v3;
	v6 =	vadd.f32 v6, v2  }
0xb4: {  	v17 =	vld [tilespmem:s10+$0x2200];
	v9 =	vmul.f32 v9, v3;
	v12 =	vmul.f32 v12, v3;
	v7 =	vadd.f32 v7, v2  }
0xb5: {  	[tilespmem:s15+$0x2000] =	vst v6;
	v6 =	vadd.f32 v8, v2;
	v8 =	vmul.f32 v10, v3;
	v10 =	vld [tilespmem:s10+$0x2280]  }
0xb6: {  	v12 =	vadd.f32 v12, v2;
	[tilespmem:s15+$0x2080] =	vst v7;
	v7 =	vadd.f32 v9, v2;
	v9 =	vmul.f32 v11, v3;
	v11 =	vld [tilespmem:s10+$0x2300]  }
0xb7: {  	[tilespmem:s15+$0x2100] =	vst v6;
	v6 =	vadd.f32 v8, v2;
	v8 =	vmul.f32 v13, v5  }
0xb8: {  	[tilespmem:s15+$0x2300] =	vst v12;
	v13 =	vmul.f32 v14, v5;
	v14 =	vmul.f32 v15, v5  }
0xb9: {  	v9 =	vadd.f32 v9, v2;
	v15 =	vmul.f32 v17, v5;
	[tilespmem:s15+$0x2200] =	vst v6;
	v6 =	vmul.f32 v16, v5  }
0xba: {  	s12 =	sor.u32 s12, s12;
	[tilespmem:s15+$0x2180] =	vst v7;
	v7 =	vadd.f32 v8, v4;
	v8 =	vadd.f32 v13, v4;
	v63 =	vmul.f32 v10, v5  }
0xbb: {  	s12 =	sor.u32 $0x380, s12;
	[tilespmem:s15+$0x2280] =	vst v9;
	v9 =	vadd.f32 v14, v4;
	v12 =	vadd.f32 v15, v4;
	v13 =	vmul.f32 v11, v5  }
0xbc: {  	s13 =	simm.s32 $0x80;
	s14 =	simm.s32 $0x20;
	v10 =	vadd.f32 v6, v4;
	v6 =	vld [tilespmem:s12+$0x2000];
	v11 =	vadd.f32 v63, v4  }
.LBB2_4:
0xbd: {  	p0 =	sne.s32 s14, $0x3F0;
	v7 =	vmax.f32 v7, $0.0e+00;
	v8 =	vmax.f32 v8, $0.0e+00;
	v13 =	vadd.f32 v13, v4  }
0xbe: {  	v9 =	vmax.f32 v9, $0.0e+00;
	v10 =	vmax.f32 v10, $0.0e+00;
	v12 =	vmax.f32 v12, $0.0e+00  }
0xbf: {  	v7 =	vmin.f32 v7, $6.300000000e+01;
	v11 =	vmax.f32 v11, $0.0e+00;
	v13 =	vmax.f32 v13, $0.0e+00  }
0xc0: {  	v8 =	vmin.f32 v8, $6.300000000e+01;
	v9 =	vmin.f32 v9, $6.300000000e+01;
	v10 =	vmin.f32 v10, $6.300000000e+01  }
0xc1: {  	v7 =	vadd.f32 $1.258291200e+07, v7;
	v8 =	vadd.f32 $1.258291200e+07, v8;
	v6 =	vmul.f32 v6, v5  }
0xc2: {  	v9 =	vadd.f32 $1.258291200e+07, v9;
	v10 =	vadd.f32 $1.258291200e+07, v10;
	v12 =	vmin.f32 v12, $6.300000000e+01  }
0xc3: {  	s11 =	sadd.s32 $0x80, s11;
	v11 =	vmin.f32 v11, $6.300000000e+01;
	v12 =	vadd.f32 $1.258291200e+07, v12;
	v6 =	vadd.f32 v6, v4  }
0xc4: {  	s15 =	sand.u32 $0x70, s14;
	s16 =	sand.u32 $0x1C00, s11;
	v11 =	vadd.f32 $1.258291200e+07, v11;
	v13 =	vmin.f32 v13, $6.300000000e+01;
	v7 =	vadd.f32 $-1.258291200e+07, v7  }
0xc5: {  	s15 =	sor.u32 s15, s16;
	v8 =	vadd.f32 $-1.258291200e+07, v8;
	v13 =	vadd.f32 $1.258291200e+07, v13;
	v6 =	vmax.f32 v6, $0.0e+00  }
0xc6: {  	v9 =	vadd.f32 $-1.258291200e+07, v9;
	v7 =	vmul.f32 v7, v3;
	v14 =	vld [tilespmem:s15+$0x2000];
	v6 =	vmin.f32 v6, $6.300000000e+01  }
0xc7: {  	v10 =	vadd.f32 $-1.258291200e+07, v10;
	v8 =	vmul.f32 v8, v3;
	v15 =	vld [tilespmem:s15+$0x2080];
	v6 =	vadd.f32 $1.258291200e+07, v6  }
0xc8: {  	v12 =	vadd.f32 $-1.258291200e+07, v12;
	v9 =	vmul.f32 v9, v3;
	v7 =	vadd.f32 v7, v2;
	v16 =	vld [tilespmem:s15+$0x2100]  }
0xc9: {  	v10 =	vmul.f32 v10, v3;
	v8 =	vadd.f32 v8, v2;
	v17 =	vld [tilespmem:s15+$0x2180];
	v6 =	vadd.f32 $-1.258291200e+07, v6  }
0xca: {  	v11 =	vadd.f32 $-1.258291200e+07, v11;
	v18 =	vld [tilespmem:s15+$0x2200];
	[tilespmem:s10+$0x2000] =	vst v7;
	v7 =	vadd.f32 v9, v2;
	v9 =	vmul.f32 v12, v3  }
0xcb: {  	v12 =	vld [tilespmem:s15+$0x2280];
	[tilespmem:s10+$0x2080] =	vst v8;
	v8 =	vadd.f32 v10, v2;
	v10 =	vadd.f32 $-1.258291200e+07, v13;
	v6 =	vmul.f32 v6, v3  }
0xcc: {  	v13 =	vld [tilespmem:s15+$0x2300];
	[tilespmem:s10+$0x2100] =	vst v7;
	v7 =	vadd.f32 v9, v2;
	v9 =	vmul.f32 v11, v3  }
0xcd: {  	v11 =	vmul.f32 v14, v5;
	[tilespmem:s10+$0x2180] =	vst v8;
	v8 =	vmul.f32 v10, v3;
	v6 =	vadd.f32 v6, v2  }
.Ltmp1:
0xce: {  	v10 =	vmul.f32 v15, v5;
	v14 =	vmul.f32 v16, v5;
	[tilespmem:s10+$0x2200] =	vst v7;
	v9 =	vadd.f32 v9, v2;
	(pc) =	sbr.rel @p0 .LBB2_4-.Ltmp1, $4  }
0xcf: {  	v15 =	vmul.f32 v17, v5;
	v16 =	vmul.f32 v18, v5;
	v17 =	vadd.f32 v8, v2;
	[tilespmem:s12+$0x2000] =	vst v6  }
0xd0: {  	v7 =	vadd.f32 v11, v4;
	v8 =	vadd.f32 v10, v4;
	s12 =	sor.u32 s13, s9;
	s13 =	smov.u32 s11;
	s9 =	smov.u32 s14;
	v6 =	vmul.f32 v12, v5;
	[tilespmem:s10+$0x2280] =	vst v9  }
0xd1: {  	v9 =	vadd.f32 v14, v4;
	v10 =	vadd.f32 v15, v4;
	s12 =	sor.u32 $0x380, s12;
	v13 =	vmul.f32 v13, v5;
	[tilespmem:s10+$0x2300] =	vst v17;
	s10 =	smov.u32 s15  }
0xd2: {  	s14 =	sadd.s32 $0x10, s14;
	v12 =	vadd.f32 v16, v4;
	v11 =	vadd.f32 v6, v4;
	v6 =	vld [tilespmem:s12+$0x2000]  }
0xd3: {  	v7 =	vmax.f32 v7, $0.0e+00  }
0xd4: {  	v8 =	vmax.f32 v8, $0.0e+00;
	v13 =	vadd.f32 v13, v4;
	v9 =	vmax.f32 v9, $0.0e+00  }
0xd5: {  	v10 =	vmax.f32 v10, $0.0e+00;
	v12 =	vmax.f32 v12, $0.0e+00;
	v7 =	vmin.f32 v7, $6.300000000e+01  }
0xd6: {  	v11 =	vmax.f32 v11, $0.0e+00;
	v8 =	vmin.f32 v8, $6.300000000e+01;
	v9 =	vmin.f32 v9, $6.300000000e+01  }
0xd7: {  	v10 =	vmin.f32 v10, $6.300000000e+01;
	v7 =	vadd.f32 $1.258291200e+07, v7;
	v8 =	vadd.f32 $1.258291200e+07, v8  }
0xd8: {  	v9 =	vadd.f32 $1.258291200e+07, v9;
	v10 =	vadd.f32 $1.258291200e+07, v10;
	v12 =	vmin.f32 v12, $6.300000000e+01  }
0xd9: {  	v11 =	vmin.f32 v11, $6.300000000e+01;
	v12 =	vadd.f32 $1.258291200e+07, v12;
	v7 =	vadd.f32 $-1.258291200e+07, v7  }
0xda: {  	v13 =	vmax.f32 v13, $0.0e+00;
	v11 =	vadd.f32 $1.258291200e+07, v11;
	v8 =	vadd.f32 $-1.258291200e+07, v8  }
0xdb: {  	v13 =	vmin.f32 v13, $6.300000000e+01;
	v9 =	vadd.f32 $-1.258291200e+07, v9;
	v7 =	vmul.f32 v7, v3  }
0xdc: {  	v13 =	vadd.f32 $1.258291200e+07, v13;
	v10 =	vadd.f32 $-1.258291200e+07, v10;
	v8 =	vmul.f32 v8, v3  }
0xdd: {  	v12 =	vadd.f32 $-1.258291200e+07, v12;
	v9 =	vmul.f32 v9, v3;
	v7 =	vadd.f32 v7, v2  }
0xde: {  	v11 =	vadd.f32 $-1.258291200e+07, v11;
	v10 =	vmul.f32 v10, v3;
	v8 =	vadd.f32 v8, v2  }
0xdf: {  	[tilespmem:s10+$0x2000] =	vst v7;
	v7 =	vadd.f32 v9, v2;
	v9 =	vmul.f32 v12, v3;
	v12 =	vadd.f32 $-1.258291200e+07, v13  }
0xe0: {  	[tilespmem:s10+$0x2080] =	vst v8;
	v8 =	vadd.f32 v10, v2;
	v10 =	vmul.f32 v11, v3  }
0xe1: {  	[tilespmem:s10+$0x2100] =	vst v7;
	v7 =	vadd.f32 v9, v2;
	v9 =	vmul.f32 v12, v3  }
0xe2: {  	[tilespmem:s10+$0x2180] =	vst v8;
	v8 =	vadd.f32 v10, v2  }
0xe3: {  	[tilespmem:s10+$0x2200] =	vst v7;
	v7 =	vadd.f32 v9, v2  }
0xe4: {  	s9 =	sor.u32 s13, s9;
	[tilespmem:s10+$0x2280] =	vst v8  }
0xe5: {  	s9 =	sor.u32 $0x380, s9;
	[tilespmem:s10+$0x2300] =	vst v7  }
0xe6: {  	v7 =	vld [tilespmem:s9+$0x2000];
	_ =	sdelay $0x3  }
0xe7: {  	v6 =	vmul.f32 v6, v5  }
0xe8: {  	v7 =	vmul.f32 v7, v5  }
0xe9: {  	v6 =	vadd.f32 v6, v4  }
0xea: {  	v7 =	vadd.f32 v7, v4  }
0xeb: {  	v6 =	vmax.f32 v6, $0.0e+00  }
0xec: {  	v6 =	vmin.f32 v6, $6.300000000e+01;
	v7 =	vmax.f32 v7, $0.0e+00  }
0xed: {  	v6 =	vadd.f32 $1.258291200e+07, v6;
	v7 =	vmin.f32 v7, $6.300000000e+01  }
0xee: {  	v7 =	vadd.f32 $1.258291200e+07, v7  }
0xef: {  	v6 =	vadd.f32 $-1.258291200e+07, v6  }
0xf0: {  	v7 =	vadd.f32 $-1.258291200e+07, v7  }
0xf1: {  	v6 =	vmul.f32 v6, v3  }
0xf2: {  	v7 =	vmul.f32 v7, v3  }
0xf3: {  	v6 =	vadd.f32 v6, v2  }
0xf4: {  	v7 =	vadd.f32 v7, v2  }
0xf5: {  	[tilespmem:s12+$0x2000] =	vst v6  }
0xf6: {  	[tilespmem:s9+$0x2000] =	vst v7  }
0xf7: {  	s11 =	simm.s32 $0x2000;
	s12 =	simm.s32 $0x0;
	s9 =	rddreg [dreg:$0xd]  }
0xf8: {  	[hbm4b:s9+s12] =	stream.linear.scatter [tilespmem:s11], [sflag:$0xA], $0x2000, $0x38;
	[tilespmem:$0x10100] =	vst v63  }
0xf9: {  	_ =	swait.ge [sflag:s2], $0x2000  }
0xfa: {  	s13 =	sand.u32 $0x70, s12;
	s14 =	sand.u32 $0x1C00, s12;
	[sflag:s2] =	ssyncset.done $0x0  }
0xfb: {  	s15 =	sor.u32 s13, s14;
	[sflag:s2] =	ssyncadd.s32 $0xFFFFE000  }
0xfc: {  	v6 =	vld [tilespmem:s15+$0x4000]  }
0xfd: {  	v7 =	vld [tilespmem:s15+$0x4080]  }
0xfe: {  	v8 =	vld [tilespmem:s15+$0x4100]  }
0xff: {  	v9 =	vld [tilespmem:s15+$0x4180]  }
0x100: {  	v10 =	vld [tilespmem:s15+$0x4200]  }
0x101: {  	v11 =	vld [tilespmem:s15+$0x4280]  }
0x102: {  	v12 =	vld [tilespmem:s15+$0x4300];
	_ =	sdelay $0x1  }
0x103: {  	v6 =	vmul.f32 v6, v5;
	v7 =	vmul.f32 v7, v5  }
0x104: {  	v8 =	vmul.f32 v8, v5;
	v9 =	vmul.f32 v9, v5  }
0x105: {  	v10 =	vmul.f32 v10, v5;
	v11 =	vmul.f32 v11, v5;
	v6 =	vadd.f32 v6, v4  }
0x106: {  	v12 =	vmul.f32 v12, v5;
	v7 =	vadd.f32 v7, v4;
	v8 =	vadd.f32 v8, v4  }
0x107: {  	v9 =	vadd.f32 v9, v4;
	v10 =	vadd.f32 v10, v4  }
0x108: {  	v11 =	vadd.f32 v11, v4;
	v12 =	vadd.f32 v12, v4  }
0x109: {  	v6 =	vmax.f32 v6, $0.0e+00;
	v7 =	vmax.f32 v7, $0.0e+00;
	v8 =	vmax.f32 v8, $0.0e+00  }
0x10a: {  	v9 =	vmax.f32 v9, $0.0e+00;
	v10 =	vmax.f32 v10, $0.0e+00;
	v11 =	vmax.f32 v11, $0.0e+00  }
0x10b: {  	v12 =	vmax.f32 v12, $0.0e+00;
	v6 =	vmin.f32 v6, $6.300000000e+01;
	v7 =	vmin.f32 v7, $6.300000000e+01  }
0x10c: {  	v8 =	vmin.f32 v8, $6.300000000e+01;
	v9 =	vmin.f32 v9, $6.300000000e+01;
	v6 =	vadd.f32 $1.258291200e+07, v6  }
0x10d: {  	s9 =	simm.s32 $0x10;
	s11 =	simm.s32 $0x80;
	v10 =	vmin.f32 v10, $6.300000000e+01;
	v7 =	vadd.f32 $1.258291200e+07, v7;
	v8 =	vadd.f32 $1.258291200e+07, v8  }
0x10e: {  	s16 =	sand.u32 $0x70, s9;
	s14 =	sand.u32 $0x1C00, s11;
	v11 =	vmin.f32 v11, $6.300000000e+01;
	v9 =	vadd.f32 $1.258291200e+07, v9;
	v10 =	vadd.f32 $1.258291200e+07, v10  }
0x10f: {  	s10 =	sor.u32 s16, s14;
	v12 =	vmin.f32 v12, $6.300000000e+01;
	v11 =	vadd.f32 $1.258291200e+07, v11;
	v6 =	vadd.f32 $-1.258291200e+07, v6  }
0x110: {  	v13 =	vld [tilespmem:s10+$0x4000];
	v12 =	vadd.f32 $1.258291200e+07, v12;
	v7 =	vadd.f32 $-1.258291200e+07, v7  }
0x111: {  	v14 =	vld [tilespmem:s10+$0x4080];
	v8 =	vadd.f32 $-1.258291200e+07, v8;
	v9 =	vadd.f32 $-1.258291200e+07, v9;
	v6 =	vmul.f32 v6, v3  }
0x112: {  	v15 =	vld [tilespmem:s10+$0x4100];
	v10 =	vadd.f32 $-1.258291200e+07, v10;
	v12 =	vadd.f32 $-1.258291200e+07, v12;
	v7 =	vmul.f32 v7, v3  }
0x113: {  	v16 =	vld [tilespmem:s10+$0x4180];
	v11 =	vadd.f32 $-1.258291200e+07, v11;
	v8 =	vmul.f32 v8, v3;
	v6 =	vadd.f32 v6, v2  }
0x114: {  	v17 =	vld [tilespmem:s10+$0x4200];
	v9 =	vmul.f32 v9, v3;
	v12 =	vmul.f32 v12, v3;
	v7 =	vadd.f32 v7, v2  }
0x115: {  	[tilespmem:s15+$0x4000] =	vst v6;
	v6 =	vadd.f32 v8, v2;
	v8 =	vmul.f32 v10, v3;
	v10 =	vld [tilespmem:s10+$0x4280]  }
0x116: {  	v12 =	vadd.f32 v12, v2;
	[tilespmem:s15+$0x4080] =	vst v7;
	v7 =	vadd.f32 v9, v2;
	v9 =	vmul.f32 v11, v3;
	v11 =	vld [tilespmem:s10+$0x4300]  }
0x117: {  	[tilespmem:s15+$0x4100] =	vst v6;
	v6 =	vadd.f32 v8, v2;
	v8 =	vmul.f32 v13, v5  }
0x118: {  	[tilespmem:s15+$0x4300] =	vst v12;
	v13 =	vmul.f32 v14, v5;
	v14 =	vmul.f32 v15, v5  }
0x119: {  	v9 =	vadd.f32 v9, v2;
	v15 =	vmul.f32 v17, v5;
	[tilespmem:s15+$0x4200] =	vst v6;
	v6 =	vmul.f32 v16, v5  }
0x11a: {  	s12 =	sor.u32 s12, s12;
	[tilespmem:s15+$0x4180] =	vst v7;
	v7 =	vadd.f32 v8, v4;
	v8 =	vadd.f32 v13, v4;
	v63 =	vmul.f32 v10, v5  }
0x11b: {  	s12 =	sor.u32 $0x380, s12;
	[tilespmem:s15+$0x4280] =	vst v9;
	v9 =	vadd.f32 v14, v4;
	v12 =	vadd.f32 v15, v4;
	v13 =	vmul.f32 v11, v5  }
0x11c: {  	s13 =	simm.s32 $0x80;
	s14 =	simm.s32 $0x20;
	v10 =	vadd.f32 v6, v4;
	v6 =	vld [tilespmem:s12+$0x4000];
	v11 =	vadd.f32 v63, v4  }
.LBB2_6:
0x11d: {  	p0 =	sne.s32 s14, $0x3F0;
	v7 =	vmax.f32 v7, $0.0e+00;
	v8 =	vmax.f32 v8, $0.0e+00;
	v13 =	vadd.f32 v13, v4  }
0x11e: {  	v9 =	vmax.f32 v9, $0.0e+00;
	v10 =	vmax.f32 v10, $0.0e+00;
	v12 =	vmax.f32 v12, $0.0e+00  }
0x11f: {  	v7 =	vmin.f32 v7, $6.300000000e+01;
	v11 =	vmax.f32 v11, $0.0e+00;
	v13 =	vmax.f32 v13, $0.0e+00  }
0x120: {  	v8 =	vmin.f32 v8, $6.300000000e+01;
	v9 =	vmin.f32 v9, $6.300000000e+01;
	v10 =	vmin.f32 v10, $6.300000000e+01  }
0x121: {  	v7 =	vadd.f32 $1.258291200e+07, v7;
	v8 =	vadd.f32 $1.258291200e+07, v8;
	v6 =	vmul.f32 v6, v5  }
0x122: {  	v9 =	vadd.f32 $1.258291200e+07, v9;
	v10 =	vadd.f32 $1.258291200e+07, v10;
	v12 =	vmin.f32 v12, $6.300000000e+01  }
0x123: {  	s11 =	sadd.s32 $0x80, s11;
	v11 =	vmin.f32 v11, $6.300000000e+01;
	v12 =	vadd.f32 $1.258291200e+07, v12;
	v6 =	vadd.f32 v6, v4  }
0x124: {  	s15 =	sand.u32 $0x70, s14;
	s16 =	sand.u32 $0x1C00, s11;
	v11 =	vadd.f32 $1.258291200e+07, v11;
	v13 =	vmin.f32 v13, $6.300000000e+01;
	v7 =	vadd.f32 $-1.258291200e+07, v7  }
0x125: {  	s15 =	sor.u32 s15, s16;
	v8 =	vadd.f32 $-1.258291200e+07, v8;
	v13 =	vadd.f32 $1.258291200e+07, v13;
	v6 =	vmax.f32 v6, $0.0e+00  }
0x126: {  	v9 =	vadd.f32 $-1.258291200e+07, v9;
	v7 =	vmul.f32 v7, v3;
	v14 =	vld [tilespmem:s15+$0x4000];
	v6 =	vmin.f32 v6, $6.300000000e+01  }
0x127: {  	v10 =	vadd.f32 $-1.258291200e+07, v10;
	v8 =	vmul.f32 v8, v3;
	v15 =	vld [tilespmem:s15+$0x4080];
	v6 =	vadd.f32 $1.258291200e+07, v6  }
0x128: {  	v12 =	vadd.f32 $-1.258291200e+07, v12;
	v9 =	vmul.f32 v9, v3;
	v7 =	vadd.f32 v7, v2;
	v16 =	vld [tilespmem:s15+$0x4100]  }
0x129: {  	v10 =	vmul.f32 v10, v3;
	v8 =	vadd.f32 v8, v2;
	v17 =	vld [tilespmem:s15+$0x4180];
	v6 =	vadd.f32 $-1.258291200e+07, v6  }
0x12a: {  	v11 =	vadd.f32 $-1.258291200e+07, v11;
	v18 =	vld [tilespmem:s15+$0x4200];
	[tilespmem:s10+$0x4000] =	vst v7;
	v7 =	vadd.f32 v9, v2;
	v9 =	vmul.f32 v12, v3  }
0x12b: {  	v12 =	vld [tilespmem:s15+$0x4280];
	[tilespmem:s10+$0x4080] =	vst v8;
	v8 =	vadd.f32 v10, v2;
	v10 =	vadd.f32 $-1.258291200e+07, v13;
	v6 =	vmul.f32 v6, v3  }
0x12c: {  	v13 =	vld [tilespmem:s15+$0x4300];
	[tilespmem:s10+$0x4100] =	vst v7;
	v7 =	vadd.f32 v9, v2;
	v9 =	vmul.f32 v11, v3  }
0x12d: {  	v11 =	vmul.f32 v14, v5;
	[tilespmem:s10+$0x4180] =	vst v8;
	v8 =	vmul.f32 v10, v3;
	v6 =	vadd.f32 v6, v2  }
.Ltmp2:
0x12e: {  	v10 =	vmul.f32 v15, v5;
	v14 =	vmul.f32 v16, v5;
	[tilespmem:s10+$0x4200] =	vst v7;
	v9 =	vadd.f32 v9, v2;
	(pc) =	sbr.rel @p0 .LBB2_6-.Ltmp2, $4  }
0x12f: {  	v15 =	vmul.f32 v17, v5;
	v16 =	vmul.f32 v18, v5;
	v17 =	vadd.f32 v8, v2;
	[tilespmem:s12+$0x4000] =	vst v6  }
0x130: {  	v7 =	vadd.f32 v11, v4;
	v8 =	vadd.f32 v10, v4;
	s12 =	sor.u32 s13, s9;
	s13 =	smov.u32 s11;
	s9 =	smov.u32 s14;
	v6 =	vmul.f32 v12, v5;
	[tilespmem:s10+$0x4280] =	vst v9  }
0x131: {  	v9 =	vadd.f32 v14, v4;
	v10 =	vadd.f32 v15, v4;
	s12 =	sor.u32 $0x380, s12;
	v13 =	vmul.f32 v13, v5;
	[tilespmem:s10+$0x4300] =	vst v17;
	s10 =	smov.u32 s15  }
0x132: {  	s14 =	sadd.s32 $0x10, s14;
	v12 =	vadd.f32 v16, v4;
	v11 =	vadd.f32 v6, v4;
	v6 =	vld [tilespmem:s12+$0x4000]  }
0x133: {  	v7 =	vmax.f32 v7, $0.0e+00  }
0x134: {  	v8 =	vmax.f32 v8, $0.0e+00;
	v13 =	vadd.f32 v13, v4;
	v9 =	vmax.f32 v9, $0.0e+00  }
0x135: {  	v10 =	vmax.f32 v10, $0.0e+00;
	v12 =	vmax.f32 v12, $0.0e+00;
	v7 =	vmin.f32 v7, $6.300000000e+01  }
0x136: {  	v11 =	vmax.f32 v11, $0.0e+00;
	v8 =	vmin.f32 v8, $6.300000000e+01;
	v9 =	vmin.f32 v9, $6.300000000e+01  }
0x137: {  	v10 =	vmin.f32 v10, $6.300000000e+01;
	v7 =	vadd.f32 $1.258291200e+07, v7;
	v8 =	vadd.f32 $1.258291200e+07, v8  }
0x138: {  	v9 =	vadd.f32 $1.258291200e+07, v9;
	v10 =	vadd.f32 $1.258291200e+07, v10;
	v12 =	vmin.f32 v12, $6.300000000e+01  }
0x139: {  	v11 =	vmin.f32 v11, $6.300000000e+01;
	v12 =	vadd.f32 $1.258291200e+07, v12;
	v7 =	vadd.f32 $-1.258291200e+07, v7  }
0x13a: {  	v13 =	vmax.f32 v13, $0.0e+00;
	v11 =	vadd.f32 $1.258291200e+07, v11;
	v8 =	vadd.f32 $-1.258291200e+07, v8  }
0x13b: {  	v13 =	vmin.f32 v13, $6.300000000e+01;
	v9 =	vadd.f32 $-1.258291200e+07, v9;
	v7 =	vmul.f32 v7, v3  }
0x13c: {  	v13 =	vadd.f32 $1.258291200e+07, v13;
	v10 =	vadd.f32 $-1.258291200e+07, v10;
	v8 =	vmul.f32 v8, v3  }
0x13d: {  	v12 =	vadd.f32 $-1.258291200e+07, v12;
	v9 =	vmul.f32 v9, v3;
	v7 =	vadd.f32 v7, v2  }
0x13e: {  	v11 =	vadd.f32 $-1.258291200e+07, v11;
	v10 =	vmul.f32 v10, v3;
	v8 =	vadd.f32 v8, v2  }
0x13f: {  	[tilespmem:s10+$0x4000] =	vst v7;
	v7 =	vadd.f32 v9, v2;
	v9 =	vmul.f32 v12, v3;
	v12 =	vadd.f32 $-1.258291200e+07, v13  }
0x140: {  	[tilespmem:s10+$0x4080] =	vst v8;
	v8 =	vadd.f32 v10, v2;
	v10 =	vmul.f32 v11, v3  }
0x141: {  	[tilespmem:s10+$0x4100] =	vst v7;
	v7 =	vadd.f32 v9, v2;
	v9 =	vmul.f32 v12, v3  }
0x142: {  	[tilespmem:s10+$0x4180] =	vst v8;
	v8 =	vadd.f32 v10, v2  }
0x143: {  	[tilespmem:s10+$0x4200] =	vst v7;
	v7 =	vadd.f32 v9, v2  }
0x144: {  	s9 =	sor.u32 s13, s9;
	[tilespmem:s10+$0x4280] =	vst v8  }
0x145: {  	s9 =	sor.u32 $0x380, s9;
	[tilespmem:s10+$0x4300] =	vst v7  }
0x146: {  	v7 =	vld [tilespmem:s9+$0x4000];
	_ =	sdelay $0x3  }
0x147: {  	v6 =	vmul.f32 v6, v5  }
0x148: {  	v7 =	vmul.f32 v7, v5  }
0x149: {  	v6 =	vadd.f32 v6, v4  }
0x14a: {  	v7 =	vadd.f32 v7, v4  }
0x14b: {  	v6 =	vmax.f32 v6, $0.0e+00  }
0x14c: {  	v6 =	vmin.f32 v6, $6.300000000e+01;
	v7 =	vmax.f32 v7, $0.0e+00  }
0x14d: {  	v6 =	vadd.f32 $1.258291200e+07, v6;
	v7 =	vmin.f32 v7, $6.300000000e+01  }
0x14e: {  	v7 =	vadd.f32 $1.258291200e+07, v7  }
0x14f: {  	v6 =	vadd.f32 $-1.258291200e+07, v6  }
0x150: {  	v7 =	vadd.f32 $-1.258291200e+07, v7  }
0x151: {  	v6 =	vmul.f32 v6, v3  }
0x152: {  	v7 =	vmul.f32 v7, v3  }
0x153: {  	v6 =	vadd.f32 v6, v2  }
0x154: {  	v7 =	vadd.f32 v7, v2  }
0x155: {  	[tilespmem:s12+$0x4000] =	vst v6  }
0x156: {  	[tilespmem:s9+$0x4000] =	vst v7  }
0x157: {  	s11 =	simm.s32 $0x4000;
	s12 =	simm.s32 $0x0;
	s9 =	rddreg [dreg:$0xe]  }
0x158: {  	[hbm4b:s9+s12] =	stream.linear.scatter [tilespmem:s11], [sflag:$0xB], $0x2000, $0x38;
	[tilespmem:$0x10100] =	vst v63  }
0x159: {  	_ =	swait.ge [sflag:s1], $0x2000  }
0x15a: {  	s13 =	sand.u32 $0x70, s12;
	s14 =	sand.u32 $0x1C00, s12;
	[sflag:s1] =	ssyncset.done $0x0  }
0x15b: {  	s15 =	sor.u32 s13, s14;
	[sflag:s1] =	ssyncadd.s32 $0xFFFFE000  }
0x15c: {  	v6 =	vld [tilespmem:s15+$0x6000]  }
0x15d: {  	v7 =	vld [tilespmem:s15+$0x6080]  }
0x15e: {  	v8 =	vld [tilespmem:s15+$0x6100]  }
0x15f: {  	v9 =	vld [tilespmem:s15+$0x6180]  }
0x160: {  	v10 =	vld [tilespmem:s15+$0x6200]  }
0x161: {  	v11 =	vld [tilespmem:s15+$0x6280]  }
0x162: {  	v12 =	vld [tilespmem:s15+$0x6300];
	_ =	sdelay $0x1  }
0x163: {  	v6 =	vmul.f32 v6, v5;
	v7 =	vmul.f32 v7, v5  }
0x164: {  	v8 =	vmul.f32 v8, v5;
	v9 =	vmul.f32 v9, v5  }
0x165: {  	v10 =	vmul.f32 v10, v5;
	v11 =	vmul.f32 v11, v5;
	v6 =	vadd.f32 v6, v4  }
0x166: {  	v12 =	vmul.f32 v12, v5;
	v7 =	vadd.f32 v7, v4;
	v8 =	vadd.f32 v8, v4  }
0x167: {  	v9 =	vadd.f32 v9, v4;
	v10 =	vadd.f32 v10, v4  }
0x168: {  	v11 =	vadd.f32 v11, v4;
	v12 =	vadd.f32 v12, v4  }
0x169: {  	v6 =	vmax.f32 v6, $0.0e+00;
	v7 =	vmax.f32 v7, $0.0e+00;
	v8 =	vmax.f32 v8, $0.0e+00  }
0x16a: {  	v9 =	vmax.f32 v9, $0.0e+00;
	v10 =	vmax.f32 v10, $0.0e+00;
	v11 =	vmax.f32 v11, $0.0e+00  }
0x16b: {  	v12 =	vmax.f32 v12, $0.0e+00;
	v6 =	vmin.f32 v6, $6.300000000e+01;
	v7 =	vmin.f32 v7, $6.300000000e+01  }
0x16c: {  	v8 =	vmin.f32 v8, $6.300000000e+01;
	v9 =	vmin.f32 v9, $6.300000000e+01;
	v6 =	vadd.f32 $1.258291200e+07, v6  }
0x16d: {  	s9 =	simm.s32 $0x10;
	s11 =	simm.s32 $0x80;
	v10 =	vmin.f32 v10, $6.300000000e+01;
	v7 =	vadd.f32 $1.258291200e+07, v7;
	v8 =	vadd.f32 $1.258291200e+07, v8  }
0x16e: {  	s16 =	sand.u32 $0x70, s9;
	s14 =	sand.u32 $0x1C00, s11;
	v11 =	vmin.f32 v11, $6.300000000e+01;
	v9 =	vadd.f32 $1.258291200e+07, v9;
	v10 =	vadd.f32 $1.258291200e+07, v10  }
0x16f: {  	s10 =	sor.u32 s16, s14;
	v12 =	vmin.f32 v12, $6.300000000e+01;
	v11 =	vadd.f32 $1.258291200e+07, v11;
	v6 =	vadd.f32 $-1.258291200e+07, v6  }
0x170: {  	v13 =	vld [tilespmem:s10+$0x6000];
	v12 =	vadd.f32 $1.258291200e+07, v12;
	v7 =	vadd.f32 $-1.258291200e+07, v7  }
0x171: {  	v14 =	vld [tilespmem:s10+$0x6080];
	v8 =	vadd.f32 $-1.258291200e+07, v8;
	v9 =	vadd.f32 $-1.258291200e+07, v9;
	v6 =	vmul.f32 v6, v3  }
0x172: {  	v15 =	vld [tilespmem:s10+$0x6100];
	v10 =	vadd.f32 $-1.258291200e+07, v10;
	v12 =	vadd.f32 $-1.258291200e+07, v12;
	v7 =	vmul.f32 v7, v3  }
0x173: {  	v16 =	vld [tilespmem:s10+$0x6180];
	v11 =	vadd.f32 $-1.258291200e+07, v11;
	v8 =	vmul.f32 v8, v3;
	v6 =	vadd.f32 v6, v2  }
0x174: {  	v17 =	vld [tilespmem:s10+$0x6200];
	v9 =	vmul.f32 v9, v3;
	v12 =	vmul.f32 v12, v3;
	v7 =	vadd.f32 v7, v2  }
0x175: {  	[tilespmem:s15+$0x6000] =	vst v6;
	v6 =	vadd.f32 v8, v2;
	v8 =	vmul.f32 v10, v3;
	v10 =	vld [tilespmem:s10+$0x6280]  }
0x176: {  	v12 =	vadd.f32 v12, v2;
	[tilespmem:s15+$0x6080] =	vst v7;
	v7 =	vadd.f32 v9, v2;
	v9 =	vmul.f32 v11, v3;
	v11 =	vld [tilespmem:s10+$0x6300]  }
0x177: {  	[tilespmem:s15+$0x6100] =	vst v6;
	v6 =	vadd.f32 v8, v2;
	v8 =	vmul.f32 v13, v5  }
0x178: {  	[tilespmem:s15+$0x6300] =	vst v12;
	v13 =	vmul.f32 v14, v5;
	v14 =	vmul.f32 v15, v5  }
0x179: {  	v9 =	vadd.f32 v9, v2;
	v15 =	vmul.f32 v17, v5;
	[tilespmem:s15+$0x6200] =	vst v6;
	v6 =	vmul.f32 v16, v5  }
0x17a: {  	s12 =	sor.u32 s12, s12;
	[tilespmem:s15+$0x6180] =	vst v7;
	v7 =	vadd.f32 v8, v4;
	v8 =	vadd.f32 v13, v4;
	v63 =	vmul.f32 v10, v5  }
0x17b: {  	s12 =	sor.u32 $0x380, s12;
	[tilespmem:s15+$0x6280] =	vst v9;
	v9 =	vadd.f32 v14, v4;
	v12 =	vadd.f32 v15, v4;
	v13 =	vmul.f32 v11, v5  }
0x17c: {  	s13 =	simm.s32 $0x80;
	s14 =	simm.s32 $0x20;
	v10 =	vadd.f32 v6, v4;
	v6 =	vld [tilespmem:s12+$0x6000];
	v11 =	vadd.f32 v63, v4  }
.LBB2_8:
0x17d: {  	p0 =	sne.s32 s14, $0x3F0;
	v7 =	vmax.f32 v7, $0.0e+00;
	v8 =	vmax.f32 v8, $0.0e+00;
	v13 =	vadd.f32 v13, v4  }
0x17e: {  	v9 =	vmax.f32 v9, $0.0e+00;
	v10 =	vmax.f32 v10, $0.0e+00;
	v12 =	vmax.f32 v12, $0.0e+00  }
0x17f: {  	v7 =	vmin.f32 v7, $6.300000000e+01;
	v11 =	vmax.f32 v11, $0.0e+00;
	v13 =	vmax.f32 v13, $0.0e+00  }
0x180: {  	v8 =	vmin.f32 v8, $6.300000000e+01;
	v9 =	vmin.f32 v9, $6.300000000e+01;
	v10 =	vmin.f32 v10, $6.300000000e+01  }
0x181: {  	v7 =	vadd.f32 $1.258291200e+07, v7;
	v8 =	vadd.f32 $1.258291200e+07, v8;
	v6 =	vmul.f32 v6, v5  }
0x182: {  	v9 =	vadd.f32 $1.258291200e+07, v9;
	v10 =	vadd.f32 $1.258291200e+07, v10;
	v12 =	vmin.f32 v12, $6.300000000e+01  }
0x183: {  	s11 =	sadd.s32 $0x80, s11;
	v11 =	vmin.f32 v11, $6.300000000e+01;
	v12 =	vadd.f32 $1.258291200e+07, v12;
	v6 =	vadd.f32 v6, v4  }
0x184: {  	s15 =	sand.u32 $0x70, s14;
	s16 =	sand.u32 $0x1C00, s11;
	v11 =	vadd.f32 $1.258291200e+07, v11;
	v13 =	vmin.f32 v13, $6.300000000e+01;
	v7 =	vadd.f32 $-1.258291200e+07, v7  }
0x185: {  	s15 =	sor.u32 s15, s16;
	v8 =	vadd.f32 $-1.258291200e+07, v8;
	v13 =	vadd.f32 $1.258291200e+07, v13;
	v6 =	vmax.f32 v6, $0.0e+00  }
0x186: {  	v9 =	vadd.f32 $-1.258291200e+07, v9;
	v7 =	vmul.f32 v7, v3;
	v14 =	vld [tilespmem:s15+$0x6000];
	v6 =	vmin.f32 v6, $6.300000000e+01  }
0x187: {  	v10 =	vadd.f32 $-1.258291200e+07, v10;
	v8 =	vmul.f32 v8, v3;
	v15 =	vld [tilespmem:s15+$0x6080];
	v6 =	vadd.f32 $1.258291200e+07, v6  }
0x188: {  	v12 =	vadd.f32 $-1.258291200e+07, v12;
	v9 =	vmul.f32 v9, v3;
	v7 =	vadd.f32 v7, v2;
	v16 =	vld [tilespmem:s15+$0x6100]  }
0x189: {  	v10 =	vmul.f32 v10, v3;
	v8 =	vadd.f32 v8, v2;
	v17 =	vld [tilespmem:s15+$0x6180];
	v6 =	vadd.f32 $-1.258291200e+07, v6  }
0x18a: {  	v11 =	vadd.f32 $-1.258291200e+07, v11;
	v18 =	vld [tilespmem:s15+$0x6200];
	[tilespmem:s10+$0x6000] =	vst v7;
	v7 =	vadd.f32 v9, v2;
	v9 =	vmul.f32 v12, v3  }
0x18b: {  	v12 =	vld [tilespmem:s15+$0x6280];
	[tilespmem:s10+$0x6080] =	vst v8;
	v8 =	vadd.f32 v10, v2;
	v10 =	vadd.f32 $-1.258291200e+07, v13;
	v6 =	vmul.f32 v6, v3  }
0x18c: {  	v13 =	vld [tilespmem:s15+$0x6300];
	[tilespmem:s10+$0x6100] =	vst v7;
	v7 =	vadd.f32 v9, v2;
	v9 =	vmul.f32 v11, v3  }
0x18d: {  	v11 =	vmul.f32 v14, v5;
	[tilespmem:s10+$0x6180] =	vst v8;
	v8 =	vmul.f32 v10, v3;
	v6 =	vadd.f32 v6, v2  }
.Ltmp3:
0x18e: {  	v10 =	vmul.f32 v15, v5;
	v14 =	vmul.f32 v16, v5;
	[tilespmem:s10+$0x6200] =	vst v7;
	v9 =	vadd.f32 v9, v2;
	(pc) =	sbr.rel @p0 .LBB2_8-.Ltmp3, $4  }
0x18f: {  	v15 =	vmul.f32 v17, v5;
	v16 =	vmul.f32 v18, v5;
	v17 =	vadd.f32 v8, v2;
	[tilespmem:s12+$0x6000] =	vst v6  }
0x190: {  	v7 =	vadd.f32 v11, v4;
	v8 =	vadd.f32 v10, v4;
	s12 =	sor.u32 s13, s9;
	s13 =	smov.u32 s11;
	s9 =	smov.u32 s14;
	v6 =	vmul.f32 v12, v5;
	[tilespmem:s10+$0x6280] =	vst v9  }
0x191: {  	v9 =	vadd.f32 v14, v4;
	v10 =	vadd.f32 v15, v4;
	s12 =	sor.u32 $0x380, s12;
	v13 =	vmul.f32 v13, v5;
	[tilespmem:s10+$0x6300] =	vst v17;
	s10 =	smov.u32 s15  }
0x192: {  	s14 =	sadd.s32 $0x10, s14;
	v12 =	vadd.f32 v16, v4;
	v11 =	vadd.f32 v6, v4;
	v6 =	vld [tilespmem:s12+$0x6000]  }
0x193: {  	v7 =	vmax.f32 v7, $0.0e+00  }
0x194: {  	v8 =	vmax.f32 v8, $0.0e+00;
	v13 =	vadd.f32 v13, v4;
	v9 =	vmax.f32 v9, $0.0e+00  }
0x195: {  	v10 =	vmax.f32 v10, $0.0e+00;
	v12 =	vmax.f32 v12, $0.0e+00;
	v7 =	vmin.f32 v7, $6.300000000e+01  }
0x196: {  	v11 =	vmax.f32 v11, $0.0e+00;
	v8 =	vmin.f32 v8, $6.300000000e+01;
	v9 =	vmin.f32 v9, $6.300000000e+01  }
0x197: {  	v10 =	vmin.f32 v10, $6.300000000e+01;
	v7 =	vadd.f32 $1.258291200e+07, v7;
	v8 =	vadd.f32 $1.258291200e+07, v8  }
0x198: {  	v9 =	vadd.f32 $1.258291200e+07, v9;
	v10 =	vadd.f32 $1.258291200e+07, v10;
	v12 =	vmin.f32 v12, $6.300000000e+01  }
0x199: {  	v11 =	vmin.f32 v11, $6.300000000e+01;
	v12 =	vadd.f32 $1.258291200e+07, v12;
	v7 =	vadd.f32 $-1.258291200e+07, v7  }
0x19a: {  	v13 =	vmax.f32 v13, $0.0e+00;
	v11 =	vadd.f32 $1.258291200e+07, v11;
	v8 =	vadd.f32 $-1.258291200e+07, v8  }
0x19b: {  	v13 =	vmin.f32 v13, $6.300000000e+01;
	v9 =	vadd.f32 $-1.258291200e+07, v9;
	v7 =	vmul.f32 v7, v3  }
0x19c: {  	v13 =	vadd.f32 $1.258291200e+07, v13;
	v10 =	vadd.f32 $-1.258291200e+07, v10;
	v8 =	vmul.f32 v8, v3  }
0x19d: {  	v12 =	vadd.f32 $-1.258291200e+07, v12;
	v9 =	vmul.f32 v9, v3;
	v7 =	vadd.f32 v7, v2  }
0x19e: {  	v11 =	vadd.f32 $-1.258291200e+07, v11;
	v10 =	vmul.f32 v10, v3;
	v8 =	vadd.f32 v8, v2  }
0x19f: {  	[tilespmem:s10+$0x6000] =	vst v7;
	v7 =	vadd.f32 v9, v2;
	v9 =	vmul.f32 v12, v3;
	v12 =	vadd.f32 $-1.258291200e+07, v13  }
0x1a0: {  	[tilespmem:s10+$0x6080] =	vst v8;
	v8 =	vadd.f32 v10, v2;
	v10 =	vmul.f32 v11, v3  }
0x1a1: {  	[tilespmem:s10+$0x6100] =	vst v7;
	v7 =	vadd.f32 v9, v2;
	v9 =	vmul.f32 v12, v3  }
0x1a2: {  	[tilespmem:s10+$0x6180] =	vst v8;
	v8 =	vadd.f32 v10, v2  }
0x1a3: {  	[tilespmem:s10+$0x6200] =	vst v7;
	v7 =	vadd.f32 v9, v2  }
0x1a4: {  	s9 =	sor.u32 s13, s9;
	[tilespmem:s10+$0x6280] =	vst v8  }
0x1a5: {  	s9 =	sor.u32 $0x380, s9;
	[tilespmem:s10+$0x6300] =	vst v7  }
0x1a6: {  	v7 =	vld [tilespmem:s9+$0x6000];
	_ =	sdelay $0x3  }
0x1a7: {  	v6 =	vmul.f32 v6, v5  }
0x1a8: {  	v7 =	vmul.f32 v7, v5  }
0x1a9: {  	v6 =	vadd.f32 v6, v4  }
0x1aa: {  	v7 =	vadd.f32 v7, v4  }
0x1ab: {  	v6 =	vmax.f32 v6, $0.0e+00  }
0x1ac: {  	v6 =	vmin.f32 v6, $6.300000000e+01;
	v7 =	vmax.f32 v7, $0.0e+00  }
0x1ad: {  	v6 =	vadd.f32 $1.258291200e+07, v6;
	v7 =	vmin.f32 v7, $6.300000000e+01  }
0x1ae: {  	v7 =	vadd.f32 $1.258291200e+07, v7  }
0x1af: {  	v6 =	vadd.f32 $-1.258291200e+07, v6  }
0x1b0: {  	v7 =	vadd.f32 $-1.258291200e+07, v7  }
0x1b1: {  	v6 =	vmul.f32 v6, v3  }
0x1b2: {  	v7 =	vmul.f32 v7, v3  }
0x1b3: {  	v6 =	vadd.f32 v6, v2  }
0x1b4: {  	v7 =	vadd.f32 v7, v2  }
0x1b5: {  	[tilespmem:s12+$0x6000] =	vst v6  }
0x1b6: {  	[tilespmem:s9+$0x6000] =	vst v7  }
0x1b7: {  	s11 =	simm.s32 $0x6000;
	s12 =	simm.s32 $0x0;
	s9 =	rddreg [dreg:$0xf]  }
0x1b8: {  	[hbm4b:s9+s12] =	stream.linear.scatter [tilespmem:s11], [sflag:$0xC], $0x2000, $0x38;
	[tilespmem:$0x10100] =	vst v63  }
0x1b9: {  	_ =	swait.ge [sflag:s29], $0x2000  }
0x1ba: {  	s13 =	sand.u32 $0x70, s12;
	s14 =	sand.u32 $0x1C00, s12;
	[sflag:s29] =	ssyncset.done $0x0  }
0x1bb: {  	s15 =	sor.u32 s13, s14;
	[sflag:s29] =	ssyncadd.s32 $0xFFFFE000  }
0x1bc: {  	v6 =	vld [tilespmem:s15+$0x8000]  }
0x1bd: {  	v7 =	vld [tilespmem:s15+$0x8080]  }
0x1be: {  	v8 =	vld [tilespmem:s15+$0x8100]  }
0x1bf: {  	v9 =	vld [tilespmem:s15+$0x8180]  }
0x1c0: {  	v10 =	vld [tilespmem:s15+$0x8200]  }
0x1c1: {  	v11 =	vld [tilespmem:s15+$0x8280]  }
0x1c2: {  	v12 =	vld [tilespmem:s15+$0x8300];
	_ =	sdelay $0x1  }
0x1c3: {  	v6 =	vmul.f32 v6, v5;
	v7 =	vmul.f32 v7, v5  }
0x1c4: {  	v8 =	vmul.f32 v8, v5;
	v9 =	vmul.f32 v9, v5  }
0x1c5: {  	v10 =	vmul.f32 v10, v5;
	v11 =	vmul.f32 v11, v5;
	v6 =	vadd.f32 v6, v4  }
0x1c6: {  	v12 =	vmul.f32 v12, v5;
	v7 =	vadd.f32 v7, v4;
	v8 =	vadd.f32 v8, v4  }
0x1c7: {  	v9 =	vadd.f32 v9, v4;
	v10 =	vadd.f32 v10, v4  }
0x1c8: {  	v11 =	vadd.f32 v11, v4;
	v12 =	vadd.f32 v12, v4  }
0x1c9: {  	v6 =	vmax.f32 v6, $0.0e+00;
	v7 =	vmax.f32 v7, $0.0e+00;
	v8 =	vmax.f32 v8, $0.0e+00  }
0x1ca: {  	v9 =	vmax.f32 v9, $0.0e+00;
	v10 =	vmax.f32 v10, $0.0e+00;
	v11 =	vmax.f32 v11, $0.0e+00  }
0x1cb: {  	v12 =	vmax.f32 v12, $0.0e+00;
	v6 =	vmin.f32 v6, $6.300000000e+01;
	v7 =	vmin.f32 v7, $6.300000000e+01  }
0x1cc: {  	v8 =	vmin.f32 v8, $6.300000000e+01;
	v9 =	vmin.f32 v9, $6.300000000e+01;
	v6 =	vadd.f32 $1.258291200e+07, v6  }
0x1cd: {  	s9 =	simm.s32 $0x10;
	s11 =	simm.s32 $0x80;
	v10 =	vmin.f32 v10, $6.300000000e+01;
	v7 =	vadd.f32 $1.258291200e+07, v7;
	v8 =	vadd.f32 $1.258291200e+07, v8  }
0x1ce: {  	s16 =	sand.u32 $0x70, s9;
	s14 =	sand.u32 $0x1C00, s11;
	v11 =	vmin.f32 v11, $6.300000000e+01;
	v9 =	vadd.f32 $1.258291200e+07, v9;
	v10 =	vadd.f32 $1.258291200e+07, v10  }
0x1cf: {  	s10 =	sor.u32 s16, s14;
	v12 =	vmin.f32 v12, $6.300000000e+01;
	v11 =	vadd.f32 $1.258291200e+07, v11;
	v6 =	vadd.f32 $-1.258291200e+07, v6  }
0x1d0: {  	v13 =	vld [tilespmem:s10+$0x8000];
	v12 =	vadd.f32 $1.258291200e+07, v12;
	v7 =	vadd.f32 $-1.258291200e+07, v7  }
0x1d1: {  	v14 =	vld [tilespmem:s10+$0x8080];
	v8 =	vadd.f32 $-1.258291200e+07, v8;
	v9 =	vadd.f32 $-1.258291200e+07, v9;
	v6 =	vmul.f32 v6, v3  }
0x1d2: {  	v15 =	vld [tilespmem:s10+$0x8100];
	v10 =	vadd.f32 $-1.258291200e+07, v10;
	v12 =	vadd.f32 $-1.258291200e+07, v12;
	v7 =	vmul.f32 v7, v3  }
0x1d3: {  	v16 =	vld [tilespmem:s10+$0x8180];
	v11 =	vadd.f32 $-1.258291200e+07, v11;
	v8 =	vmul.f32 v8, v3;
	v6 =	vadd.f32 v6, v2  }
0x1d4: {  	v17 =	vld [tilespmem:s10+$0x8200];
	v9 =	vmul.f32 v9, v3;
	v12 =	vmul.f32 v12, v3;
	v7 =	vadd.f32 v7, v2  }
0x1d5: {  	[tilespmem:s15+$0x8000] =	vst v6;
	v6 =	vadd.f32 v8, v2;
	v8 =	vmul.f32 v10, v3;
	v10 =	vld [tilespmem:s10+$0x8280]  }
0x1d6: {  	v12 =	vadd.f32 v12, v2;
	[tilespmem:s15+$0x8080] =	vst v7;
	v7 =	vadd.f32 v9, v2;
	v9 =	vmul.f32 v11, v3;
	v11 =	vld [tilespmem:s10+$0x8300]  }
0x1d7: {  	[tilespmem:s15+$0x8100] =	vst v6;
	v6 =	vadd.f32 v8, v2;
	v8 =	vmul.f32 v13, v5  }
0x1d8: {  	[tilespmem:s15+$0x8300] =	vst v12;
	v13 =	vmul.f32 v14, v5;
	v14 =	vmul.f32 v15, v5  }
0x1d9: {  	v9 =	vadd.f32 v9, v2;
	v15 =	vmul.f32 v17, v5;
	[tilespmem:s15+$0x8200] =	vst v6;
	v6 =	vmul.f32 v16, v5  }
0x1da: {  	s12 =	sor.u32 s12, s12;
	[tilespmem:s15+$0x8180] =	vst v7;
	v7 =	vadd.f32 v8, v4;
	v8 =	vadd.f32 v13, v4;
	v63 =	vmul.f32 v10, v5  }
0x1db: {  	s12 =	sor.u32 $0x380, s12;
	[tilespmem:s15+$0x8280] =	vst v9;
	v9 =	vadd.f32 v14, v4;
	v12 =	vadd.f32 v15, v4;
	v13 =	vmul.f32 v11, v5  }
0x1dc: {  	s13 =	simm.s32 $0x80;
	s14 =	simm.s32 $0x20;
	v10 =	vadd.f32 v6, v4;
	v6 =	vld [tilespmem:s12+$0x8000];
	v11 =	vadd.f32 v63, v4  }
.LBB2_10:
0x1dd: {  	p0 =	sne.s32 s14, $0x3F0;
	v7 =	vmax.f32 v7, $0.0e+00;
	v8 =	vmax.f32 v8, $0.0e+00;
	v13 =	vadd.f32 v13, v4  }
0x1de: {  	v9 =	vmax.f32 v9, $0.0e+00;
	v10 =	vmax.f32 v10, $0.0e+00;
	v12 =	vmax.f32 v12, $0.0e+00  }
0x1df: {  	v7 =	vmin.f32 v7, $6.300000000e+01;
	v11 =	vmax.f32 v11, $0.0e+00;
	v13 =	vmax.f32 v13, $0.0e+00  }
0x1e0: {  	v8 =	vmin.f32 v8, $6.300000000e+01;
	v9 =	vmin.f32 v9, $6.300000000e+01;
	v10 =	vmin.f32 v10, $6.300000000e+01  }
0x1e1: {  	v7 =	vadd.f32 $1.258291200e+07, v7;
	v8 =	vadd.f32 $1.258291200e+07, v8;
	v6 =	vmul.f32 v6, v5  }
0x1e2: {  	v9 =	vadd.f32 $1.258291200e+07, v9;
	v10 =	vadd.f32 $1.258291200e+07, v10;
	v12 =	vmin.f32 v12, $6.300000000e+01  }
0x1e3: {  	s11 =	sadd.s32 $0x80, s11;
	v11 =	vmin.f32 v11, $6.300000000e+01;
	v12 =	vadd.f32 $1.258291200e+07, v12;
	v6 =	vadd.f32 v6, v4  }
0x1e4: {  	s15 =	sand.u32 $0x70, s14;
	s16 =	sand.u32 $0x1C00, s11;
	v11 =	vadd.f32 $1.258291200e+07, v11;
	v13 =	vmin.f32 v13, $6.300000000e+01;
	v7 =	vadd.f32 $-1.258291200e+07, v7  }
0x1e5: {  	s15 =	sor.u32 s15, s16;
	v8 =	vadd.f32 $-1.258291200e+07, v8;
	v13 =	vadd.f32 $1.258291200e+07, v13;
	v6 =	vmax.f32 v6, $0.0e+00  }
0x1e6: {  	v9 =	vadd.f32 $-1.258291200e+07, v9;
	v7 =	vmul.f32 v7, v3;
	v14 =	vld [tilespmem:s15+$0x8000];
	v6 =	vmin.f32 v6, $6.300000000e+01  }
0x1e7: {  	v10 =	vadd.f32 $-1.258291200e+07, v10;
	v8 =	vmul.f32 v8, v3;
	v15 =	vld [tilespmem:s15+$0x8080];
	v6 =	vadd.f32 $1.258291200e+07, v6  }
0x1e8: {  	v12 =	vadd.f32 $-1.258291200e+07, v12;
	v9 =	vmul.f32 v9, v3;
	v7 =	vadd.f32 v7, v2;
	v16 =	vld [tilespmem:s15+$0x8100]  }
0x1e9: {  	v10 =	vmul.f32 v10, v3;
	v8 =	vadd.f32 v8, v2;
	v17 =	vld [tilespmem:s15+$0x8180];
	v6 =	vadd.f32 $-1.258291200e+07, v6  }
0x1ea: {  	v11 =	vadd.f32 $-1.258291200e+07, v11;
	v18 =	vld [tilespmem:s15+$0x8200];
	[tilespmem:s10+$0x8000] =	vst v7;
	v7 =	vadd.f32 v9, v2;
	v9 =	vmul.f32 v12, v3  }
0x1eb: {  	v12 =	vld [tilespmem:s15+$0x8280];
	[tilespmem:s10+$0x8080] =	vst v8;
	v8 =	vadd.f32 v10, v2;
	v10 =	vadd.f32 $-1.258291200e+07, v13;
	v6 =	vmul.f32 v6, v3  }
0x1ec: {  	v13 =	vld [tilespmem:s15+$0x8300];
	[tilespmem:s10+$0x8100] =	vst v7;
	v7 =	vadd.f32 v9, v2;
	v9 =	vmul.f32 v11, v3  }
0x1ed: {  	v11 =	vmul.f32 v14, v5;
	[tilespmem:s10+$0x8180] =	vst v8;
	v8 =	vmul.f32 v10, v3;
	v6 =	vadd.f32 v6, v2  }
.Ltmp4:
0x1ee: {  	v10 =	vmul.f32 v15, v5;
	v14 =	vmul.f32 v16, v5;
	[tilespmem:s10+$0x8200] =	vst v7;
	v9 =	vadd.f32 v9, v2;
	(pc) =	sbr.rel @p0 .LBB2_10-.Ltmp4, $4  }
0x1ef: {  	v15 =	vmul.f32 v17, v5;
	v16 =	vmul.f32 v18, v5;
	v17 =	vadd.f32 v8, v2;
	[tilespmem:s12+$0x8000] =	vst v6  }
0x1f0: {  	v7 =	vadd.f32 v11, v4;
	v8 =	vadd.f32 v10, v4;
	s12 =	sor.u32 s13, s9;
	s13 =	smov.u32 s11;
	s9 =	smov.u32 s14;
	v6 =	vmul.f32 v12, v5;
	[tilespmem:s10+$0x8280] =	vst v9  }
0x1f1: {  	v9 =	vadd.f32 v14, v4;
	v10 =	vadd.f32 v15, v4;
	s12 =	sor.u32 $0x380, s12;
	v13 =	vmul.f32 v13, v5;
	[tilespmem:s10+$0x8300] =	vst v17;
	s10 =	smov.u32 s15  }
0x1f2: {  	s14 =	sadd.s32 $0x10, s14;
	v12 =	vadd.f32 v16, v4;
	v11 =	vadd.f32 v6, v4;
	v6 =	vld [tilespmem:s12+$0x8000]  }
0x1f3: {  	v7 =	vmax.f32 v7, $0.0e+00  }
0x1f4: {  	v8 =	vmax.f32 v8, $0.0e+00;
	v13 =	vadd.f32 v13, v4;
	v9 =	vmax.f32 v9, $0.0e+00  }
0x1f5: {  	v10 =	vmax.f32 v10, $0.0e+00;
	v12 =	vmax.f32 v12, $0.0e+00;
	v7 =	vmin.f32 v7, $6.300000000e+01  }
0x1f6: {  	v11 =	vmax.f32 v11, $0.0e+00;
	v8 =	vmin.f32 v8, $6.300000000e+01;
	v9 =	vmin.f32 v9, $6.300000000e+01  }
0x1f7: {  	v10 =	vmin.f32 v10, $6.300000000e+01;
	v7 =	vadd.f32 $1.258291200e+07, v7;
	v8 =	vadd.f32 $1.258291200e+07, v8  }
0x1f8: {  	v9 =	vadd.f32 $1.258291200e+07, v9;
	v10 =	vadd.f32 $1.258291200e+07, v10;
	v12 =	vmin.f32 v12, $6.300000000e+01  }
0x1f9: {  	v11 =	vmin.f32 v11, $6.300000000e+01;
	v12 =	vadd.f32 $1.258291200e+07, v12;
	v7 =	vadd.f32 $-1.258291200e+07, v7  }
0x1fa: {  	v13 =	vmax.f32 v13, $0.0e+00;
	v11 =	vadd.f32 $1.258291200e+07, v11;
	v8 =	vadd.f32 $-1.258291200e+07, v8  }
0x1fb: {  	v13 =	vmin.f32 v13, $6.300000000e+01;
	v9 =	vadd.f32 $-1.258291200e+07, v9;
	v7 =	vmul.f32 v7, v3  }
0x1fc: {  	v13 =	vadd.f32 $1.258291200e+07, v13;
	v10 =	vadd.f32 $-1.258291200e+07, v10;
	v8 =	vmul.f32 v8, v3  }
0x1fd: {  	v12 =	vadd.f32 $-1.258291200e+07, v12;
	v9 =	vmul.f32 v9, v3;
	v7 =	vadd.f32 v7, v2  }
0x1fe: {  	v11 =	vadd.f32 $-1.258291200e+07, v11;
	v10 =	vmul.f32 v10, v3;
	v8 =	vadd.f32 v8, v2  }
0x1ff: {  	[tilespmem:s10+$0x8000] =	vst v7;
	v7 =	vadd.f32 v9, v2;
	v9 =	vmul.f32 v12, v3;
	v12 =	vadd.f32 $-1.258291200e+07, v13  }
0x200: {  	[tilespmem:s10+$0x8080] =	vst v8;
	v8 =	vadd.f32 v10, v2;
	v10 =	vmul.f32 v11, v3  }
0x201: {  	[tilespmem:s10+$0x8100] =	vst v7;
	v7 =	vadd.f32 v9, v2;
	v9 =	vmul.f32 v12, v3  }
0x202: {  	[tilespmem:s10+$0x8180] =	vst v8;
	v8 =	vadd.f32 v10, v2  }
0x203: {  	[tilespmem:s10+$0x8200] =	vst v7;
	v7 =	vadd.f32 v9, v2  }
0x204: {  	s9 =	sor.u32 s13, s9;
	[tilespmem:s10+$0x8280] =	vst v8  }
0x205: {  	s9 =	sor.u32 $0x380, s9;
	[tilespmem:s10+$0x8300] =	vst v7  }
0x206: {  	v7 =	vld [tilespmem:s9+$0x8000];
	_ =	sdelay $0x3  }
0x207: {  	v6 =	vmul.f32 v6, v5  }
0x208: {  	v7 =	vmul.f32 v7, v5  }
0x209: {  	v6 =	vadd.f32 v6, v4  }
0x20a: {  	v7 =	vadd.f32 v7, v4  }
0x20b: {  	v6 =	vmax.f32 v6, $0.0e+00  }
0x20c: {  	v6 =	vmin.f32 v6, $6.300000000e+01;
	v7 =	vmax.f32 v7, $0.0e+00  }
0x20d: {  	v6 =	vadd.f32 $1.258291200e+07, v6;
	v7 =	vmin.f32 v7, $6.300000000e+01  }
0x20e: {  	v7 =	vadd.f32 $1.258291200e+07, v7  }
0x20f: {  	v6 =	vadd.f32 $-1.258291200e+07, v6  }
0x210: {  	v7 =	vadd.f32 $-1.258291200e+07, v7  }
0x211: {  	v6 =	vmul.f32 v6, v3  }
0x212: {  	v7 =	vmul.f32 v7, v3  }
0x213: {  	v6 =	vadd.f32 v6, v2  }
0x214: {  	v7 =	vadd.f32 v7, v2  }
0x215: {  	[tilespmem:s12+$0x8000] =	vst v6  }
0x216: {  	[tilespmem:s9+$0x8000] =	vst v7  }
0x217: {  	s11 =	simm.s32 $0x8000;
	s12 =	simm.s32 $0x0;
	s9 =	rddreg [dreg:$0x10]  }
0x218: {  	[hbm4b:s9+s12] =	stream.linear.scatter [tilespmem:s11], [sflag:$0xD], $0x2000, $0x38;
	[tilespmem:$0x10100] =	vst v63  }
0x219: {  	_ =	swait.ge [sflag:s21], $0x2000  }
0x21a: {  	s13 =	sand.u32 $0x70, s12;
	s14 =	sand.u32 $0x1C00, s12;
	[sflag:s21] =	ssyncset.done $0x0  }
0x21b: {  	s15 =	sor.u32 s13, s14;
	[sflag:s21] =	ssyncadd.s32 $0xFFFFE000  }
0x21c: {  	v6 =	vld [tilespmem:s15+$0xA000]  }
0x21d: {  	v7 =	vld [tilespmem:s15+$0xA080]  }
0x21e: {  	v8 =	vld [tilespmem:s15+$0xA100]  }
0x21f: {  	v9 =	vld [tilespmem:s15+$0xA180]  }
0x220: {  	v10 =	vld [tilespmem:s15+$0xA200]  }
0x221: {  	v11 =	vld [tilespmem:s15+$0xA280]  }
0x222: {  	v12 =	vld [tilespmem:s15+$0xA300];
	_ =	sdelay $0x1  }
0x223: {  	v6 =	vmul.f32 v6, v5;
	v7 =	vmul.f32 v7, v5  }
0x224: {  	v8 =	vmul.f32 v8, v5;
	v9 =	vmul.f32 v9, v5  }
0x225: {  	v10 =	vmul.f32 v10, v5;
	v11 =	vmul.f32 v11, v5;
	v6 =	vadd.f32 v6, v4  }
0x226: {  	v12 =	vmul.f32 v12, v5;
	v7 =	vadd.f32 v7, v4;
	v8 =	vadd.f32 v8, v4  }
0x227: {  	v9 =	vadd.f32 v9, v4;
	v10 =	vadd.f32 v10, v4  }
0x228: {  	v11 =	vadd.f32 v11, v4;
	v12 =	vadd.f32 v12, v4  }
0x229: {  	v6 =	vmax.f32 v6, $0.0e+00;
	v7 =	vmax.f32 v7, $0.0e+00;
	v8 =	vmax.f32 v8, $0.0e+00  }
0x22a: {  	v9 =	vmax.f32 v9, $0.0e+00;
	v10 =	vmax.f32 v10, $0.0e+00;
	v11 =	vmax.f32 v11, $0.0e+00  }
0x22b: {  	v12 =	vmax.f32 v12, $0.0e+00;
	v6 =	vmin.f32 v6, $6.300000000e+01;
	v7 =	vmin.f32 v7, $6.300000000e+01  }
0x22c: {  	v8 =	vmin.f32 v8, $6.300000000e+01;
	v9 =	vmin.f32 v9, $6.300000000e+01;
	v6 =	vadd.f32 $1.258291200e+07, v6  }
0x22d: {  	s9 =	simm.s32 $0x10;
	s11 =	simm.s32 $0x80;
	v10 =	vmin.f32 v10, $6.300000000e+01;
	v7 =	vadd.f32 $1.258291200e+07, v7;
	v8 =	vadd.f32 $1.258291200e+07, v8  }
0x22e: {  	s16 =	sand.u32 $0x70, s9;
	s14 =	sand.u32 $0x1C00, s11;
	v11 =	vmin.f32 v11, $6.300000000e+01;
	v9 =	vadd.f32 $1.258291200e+07, v9;
	v10 =	vadd.f32 $1.258291200e+07, v10  }
0x22f: {  	s10 =	sor.u32 s16, s14;
	v12 =	vmin.f32 v12, $6.300000000e+01;
	v11 =	vadd.f32 $1.258291200e+07, v11;
	v6 =	vadd.f32 $-1.258291200e+07, v6  }
0x230: {  	v13 =	vld [tilespmem:s10+$0xA000];
	v12 =	vadd.f32 $1.258291200e+07, v12;
	v7 =	vadd.f32 $-1.258291200e+07, v7  }
0x231: {  	v14 =	vld [tilespmem:s10+$0xA080];
	v8 =	vadd.f32 $-1.258291200e+07, v8;
	v9 =	vadd.f32 $-1.258291200e+07, v9;
	v6 =	vmul.f32 v6, v3  }
0x232: {  	v15 =	vld [tilespmem:s10+$0xA100];
	v10 =	vadd.f32 $-1.258291200e+07, v10;
	v12 =	vadd.f32 $-1.258291200e+07, v12;
	v7 =	vmul.f32 v7, v3  }
0x233: {  	v16 =	vld [tilespmem:s10+$0xA180];
	v11 =	vadd.f32 $-1.258291200e+07, v11;
	v8 =	vmul.f32 v8, v3;
	v6 =	vadd.f32 v6, v2  }
0x234: {  	v17 =	vld [tilespmem:s10+$0xA200];
	v9 =	vmul.f32 v9, v3;
	v12 =	vmul.f32 v12, v3;
	v7 =	vadd.f32 v7, v2  }
0x235: {  	[tilespmem:s15+$0xA000] =	vst v6;
	v6 =	vadd.f32 v8, v2;
	v8 =	vmul.f32 v10, v3;
	v10 =	vld [tilespmem:s10+$0xA280]  }
0x236: {  	v12 =	vadd.f32 v12, v2;
	[tilespmem:s15+$0xA080] =	vst v7;
	v7 =	vadd.f32 v9, v2;
	v9 =	vmul.f32 v11, v3;
	v11 =	vld [tilespmem:s10+$0xA300]  }
0x237: {  	[tilespmem:s15+$0xA100] =	vst v6;
	v6 =	vadd.f32 v8, v2;
	v8 =	vmul.f32 v13, v5  }
0x238: {  	[tilespmem:s15+$0xA300] =	vst v12;
	v13 =	vmul.f32 v14, v5;
	v14 =	vmul.f32 v15, v5  }
0x239: {  	v9 =	vadd.f32 v9, v2;
	v15 =	vmul.f32 v17, v5;
	[tilespmem:s15+$0xA200] =	vst v6;
	v6 =	vmul.f32 v16, v5  }
0x23a: {  	s12 =	sor.u32 s12, s12;
	[tilespmem:s15+$0xA180] =	vst v7;
	v7 =	vadd.f32 v8, v4;
	v8 =	vadd.f32 v13, v4;
	v63 =	vmul.f32 v10, v5  }
0x23b: {  	s12 =	sor.u32 $0x380, s12;
	[tilespmem:s15+$0xA280] =	vst v9;
	v9 =	vadd.f32 v14, v4;
	v12 =	vadd.f32 v15, v4;
	v13 =	vmul.f32 v11, v5  }
0x23c: {  	s13 =	simm.s32 $0x80;
	s14 =	simm.s32 $0x20;
	v10 =	vadd.f32 v6, v4;
	v6 =	vld [tilespmem:s12+$0xA000];
	v11 =	vadd.f32 v63, v4  }
.LBB2_12:
0x23d: {  	p0 =	sne.s32 s14, $0x3F0;
	v7 =	vmax.f32 v7, $0.0e+00;
	v8 =	vmax.f32 v8, $0.0e+00;
	v13 =	vadd.f32 v13, v4  }
0x23e: {  	v9 =	vmax.f32 v9, $0.0e+00;
	v10 =	vmax.f32 v10, $0.0e+00;
	v12 =	vmax.f32 v12, $0.0e+00  }
0x23f: {  	v7 =	vmin.f32 v7, $6.300000000e+01;
	v11 =	vmax.f32 v11, $0.0e+00;
	v13 =	vmax.f32 v13, $0.0e+00  }
0x240: {  	v8 =	vmin.f32 v8, $6.300000000e+01;
	v9 =	vmin.f32 v9, $6.300000000e+01;
	v10 =	vmin.f32 v10, $6.300000000e+01  }
0x241: {  	v7 =	vadd.f32 $1.258291200e+07, v7;
	v8 =	vadd.f32 $1.258291200e+07, v8;
	v6 =	vmul.f32 v6, v5  }
0x242: {  	v9 =	vadd.f32 $1.258291200e+07, v9;
	v10 =	vadd.f32 $1.258291200e+07, v10;
	v12 =	vmin.f32 v12, $6.300000000e+01  }
0x243: {  	s11 =	sadd.s32 $0x80, s11;
	v11 =	vmin.f32 v11, $6.300000000e+01;
	v12 =	vadd.f32 $1.258291200e+07, v12;
	v6 =	vadd.f32 v6, v4  }
0x244: {  	s15 =	sand.u32 $0x70, s14;
	s16 =	sand.u32 $0x1C00, s11;
	v11 =	vadd.f32 $1.258291200e+07, v11;
	v13 =	vmin.f32 v13, $6.300000000e+01;
	v7 =	vadd.f32 $-1.258291200e+07, v7  }
0x245: {  	s15 =	sor.u32 s15, s16;
	v8 =	vadd.f32 $-1.258291200e+07, v8;
	v13 =	vadd.f32 $1.258291200e+07, v13;
	v6 =	vmax.f32 v6, $0.0e+00  }
0x246: {  	v9 =	vadd.f32 $-1.258291200e+07, v9;
	v7 =	vmul.f32 v7, v3;
	v14 =	vld [tilespmem:s15+$0xA000];
	v6 =	vmin.f32 v6, $6.300000000e+01  }
0x247: {  	v10 =	vadd.f32 $-1.258291200e+07, v10;
	v8 =	vmul.f32 v8, v3;
	v15 =	vld [tilespmem:s15+$0xA080];
	v6 =	vadd.f32 $1.258291200e+07, v6  }
0x248: {  	v12 =	vadd.f32 $-1.258291200e+07, v12;
	v9 =	vmul.f32 v9, v3;
	v7 =	vadd.f32 v7, v2;
	v16 =	vld [tilespmem:s15+$0xA100]  }
0x249: {  	v10 =	vmul.f32 v10, v3;
	v8 =	vadd.f32 v8, v2;
	v17 =	vld [tilespmem:s15+$0xA180];
	v6 =	vadd.f32 $-1.258291200e+07, v6  }
0x24a: {  	v11 =	vadd.f32 $-1.258291200e+07, v11;
	v18 =	vld [tilespmem:s15+$0xA200];
	[tilespmem:s10+$0xA000] =	vst v7;
	v7 =	vadd.f32 v9, v2;
	v9 =	vmul.f32 v12, v3  }
0x24b: {  	v12 =	vld [tilespmem:s15+$0xA280];
	[tilespmem:s10+$0xA080] =	vst v8;
	v8 =	vadd.f32 v10, v2;
	v10 =	vadd.f32 $-1.258291200e+07, v13;
	v6 =	vmul.f32 v6, v3  }
0x24c: {  	v13 =	vld [tilespmem:s15+$0xA300];
	[tilespmem:s10+$0xA100] =	vst v7;
	v7 =	vadd.f32 v9, v2;
	v9 =	vmul.f32 v11, v3  }
0x24d: {  	v11 =	vmul.f32 v14, v5;
	[tilespmem:s10+$0xA180] =	vst v8;
	v8 =	vmul.f32 v10, v3;
	v6 =	vadd.f32 v6, v2  }
.Ltmp5:
0x24e: {  	v10 =	vmul.f32 v15, v5;
	v14 =	vmul.f32 v16, v5;
	[tilespmem:s10+$0xA200] =	vst v7;
	v9 =	vadd.f32 v9, v2;
	(pc) =	sbr.rel @p0 .LBB2_12-.Ltmp5, $4  }
0x24f: {  	v15 =	vmul.f32 v17, v5;
	v16 =	vmul.f32 v18, v5;
	v17 =	vadd.f32 v8, v2;
	[tilespmem:s12+$0xA000] =	vst v6  }
0x250: {  	v7 =	vadd.f32 v11, v4;
	v8 =	vadd.f32 v10, v4;
	s12 =	sor.u32 s13, s9;
	s13 =	smov.u32 s11;
	s9 =	smov.u32 s14;
	v6 =	vmul.f32 v12, v5;
	[tilespmem:s10+$0xA280] =	vst v9  }
0x251: {  	v9 =	vadd.f32 v14, v4;
	v10 =	vadd.f32 v15, v4;
	s12 =	sor.u32 $0x380, s12;
	v13 =	vmul.f32 v13, v5;
	[tilespmem:s10+$0xA300] =	vst v17;
	s10 =	smov.u32 s15  }
0x252: {  	s14 =	sadd.s32 $0x10, s14;
	v12 =	vadd.f32 v16, v4;
	v11 =	vadd.f32 v6, v4;
	v6 =	vld [tilespmem:s12+$0xA000]  }
0x253: {  	v7 =	vmax.f32 v7, $0.0e+00  }
0x254: {  	v8 =	vmax.f32 v8, $0.0e+00;
	v13 =	vadd.f32 v13, v4;
	v9 =	vmax.f32 v9, $0.0e+00  }
0x255: {  	v10 =	vmax.f32 v10, $0.0e+00;
	v12 =	vmax.f32 v12, $0.0e+00;
	v7 =	vmin.f32 v7, $6.300000000e+01  }
0x256: {  	v11 =	vmax.f32 v11, $0.0e+00;
	v8 =	vmin.f32 v8, $6.300000000e+01;
	v9 =	vmin.f32 v9, $6.300000000e+01  }
0x257: {  	v10 =	vmin.f32 v10, $6.300000000e+01;
	v7 =	vadd.f32 $1.258291200e+07, v7;
	v8 =	vadd.f32 $1.258291200e+07, v8  }
0x258: {  	v9 =	vadd.f32 $1.258291200e+07, v9;
	v10 =	vadd.f32 $1.258291200e+07, v10;
	v12 =	vmin.f32 v12, $6.300000000e+01  }
0x259: {  	v11 =	vmin.f32 v11, $6.300000000e+01;
	v12 =	vadd.f32 $1.258291200e+07, v12;
	v7 =	vadd.f32 $-1.258291200e+07, v7  }
0x25a: {  	v13 =	vmax.f32 v13, $0.0e+00;
	v11 =	vadd.f32 $1.258291200e+07, v11;
	v8 =	vadd.f32 $-1.258291200e+07, v8  }
0x25b: {  	v13 =	vmin.f32 v13, $6.300000000e+01;
	v9 =	vadd.f32 $-1.258291200e+07, v9;
	v7 =	vmul.f32 v7, v3  }
0x25c: {  	v13 =	vadd.f32 $1.258291200e+07, v13;
	v10 =	vadd.f32 $-1.258291200e+07, v10;
	v8 =	vmul.f32 v8, v3  }
0x25d: {  	v12 =	vadd.f32 $-1.258291200e+07, v12;
	v9 =	vmul.f32 v9, v3;
	v7 =	vadd.f32 v7, v2  }
0x25e: {  	v11 =	vadd.f32 $-1.258291200e+07, v11;
	v10 =	vmul.f32 v10, v3;
	v8 =	vadd.f32 v8, v2  }
0x25f: {  	[tilespmem:s10+$0xA000] =	vst v7;
	v7 =	vadd.f32 v9, v2;
	v9 =	vmul.f32 v12, v3;
	v12 =	vadd.f32 $-1.258291200e+07, v13  }
0x260: {  	[tilespmem:s10+$0xA080] =	vst v8;
	v8 =	vadd.f32 v10, v2;
	v10 =	vmul.f32 v11, v3  }
0x261: {  	[tilespmem:s10+$0xA100] =	vst v7;
	v7 =	vadd.f32 v9, v2;
	v9 =	vmul.f32 v12, v3  }
0x262: {  	[tilespmem:s10+$0xA180] =	vst v8;
	v8 =	vadd.f32 v10, v2  }
0x263: {  	[tilespmem:s10+$0xA200] =	vst v7;
	v7 =	vadd.f32 v9, v2  }
0x264: {  	s9 =	sor.u32 s13, s9;
	[tilespmem:s10+$0xA280] =	vst v8  }
0x265: {  	s9 =	sor.u32 $0x380, s9;
	[tilespmem:s10+$0xA300] =	vst v7  }
0x266: {  	v7 =	vld [tilespmem:s9+$0xA000];
	_ =	sdelay $0x3  }
0x267: {  	v6 =	vmul.f32 v6, v5  }
0x268: {  	v7 =	vmul.f32 v7, v5  }
0x269: {  	v6 =	vadd.f32 v6, v4  }
0x26a: {  	v7 =	vadd.f32 v7, v4  }
0x26b: {  	v6 =	vmax.f32 v6, $0.0e+00  }
0x26c: {  	v6 =	vmin.f32 v6, $6.300000000e+01;
	v7 =	vmax.f32 v7, $0.0e+00  }
0x26d: {  	v6 =	vadd.f32 $1.258291200e+07, v6;
	v7 =	vmin.f32 v7, $6.300000000e+01  }
0x26e: {  	v7 =	vadd.f32 $1.258291200e+07, v7  }
0x26f: {  	v6 =	vadd.f32 $-1.258291200e+07, v6  }
0x270: {  	v7 =	vadd.f32 $-1.258291200e+07, v7  }
0x271: {  	v6 =	vmul.f32 v6, v3  }
0x272: {  	v7 =	vmul.f32 v7, v3  }
0x273: {  	v6 =	vadd.f32 v6, v2  }
0x274: {  	v7 =	vadd.f32 v7, v2  }
0x275: {  	[tilespmem:s12+$0xA000] =	vst v6  }
0x276: {  	s11 =	simm.s32 $0xA000;
	s12 =	simm.s32 $0x0;
	[tilespmem:s9+$0xA000] =	vst v7  }
0x277: {  	[hbm4b:s17+s12] =	stream.linear.scatter [tilespmem:s11], [sflag:$0xE], $0x2000, $0x38;
	[tilespmem:$0x10100] =	vst v63  }
0x278: {  	_ =	swait.ge [sflag:s22], $0x2000  }
0x279: {  	s13 =	sand.u32 $0x70, s12;
	s14 =	sand.u32 $0x1C00, s12;
	[sflag:s22] =	ssyncset.done $0x0  }
0x27a: {  	s15 =	sor.u32 s13, s14;
	[sflag:s22] =	ssyncadd.s32 $0xFFFFE000  }
0x27b: {  	v6 =	vld [tilespmem:s15+$0xC000]  }
0x27c: {  	v7 =	vld [tilespmem:s15+$0xC080]  }
0x27d: {  	v8 =	vld [tilespmem:s15+$0xC100]  }
0x27e: {  	v9 =	vld [tilespmem:s15+$0xC180]  }
0x27f: {  	v10 =	vld [tilespmem:s15+$0xC200]  }
0x280: {  	v11 =	vld [tilespmem:s15+$0xC280]  }
0x281: {  	v12 =	vld [tilespmem:s15+$0xC300];
	_ =	sdelay $0x1  }
0x282: {  	v6 =	vmul.f32 v6, v5;
	v7 =	vmul.f32 v7, v5  }
0x283: {  	v8 =	vmul.f32 v8, v5;
	v9 =	vmul.f32 v9, v5  }
0x284: {  	v10 =	vmul.f32 v10, v5;
	v11 =	vmul.f32 v11, v5;
	v6 =	vadd.f32 v6, v4  }
0x285: {  	v12 =	vmul.f32 v12, v5;
	v7 =	vadd.f32 v7, v4;
	v8 =	vadd.f32 v8, v4  }
0x286: {  	v9 =	vadd.f32 v9, v4;
	v10 =	vadd.f32 v10, v4  }
0x287: {  	v11 =	vadd.f32 v11, v4;
	v12 =	vadd.f32 v12, v4  }
0x288: {  	v6 =	vmax.f32 v6, $0.0e+00;
	v7 =	vmax.f32 v7, $0.0e+00;
	v8 =	vmax.f32 v8, $0.0e+00  }
0x289: {  	v9 =	vmax.f32 v9, $0.0e+00;
	v10 =	vmax.f32 v10, $0.0e+00;
	v11 =	vmax.f32 v11, $0.0e+00  }
0x28a: {  	v12 =	vmax.f32 v12, $0.0e+00;
	v6 =	vmin.f32 v6, $6.300000000e+01;
	v7 =	vmin.f32 v7, $6.300000000e+01  }
0x28b: {  	v8 =	vmin.f32 v8, $6.300000000e+01;
	v9 =	vmin.f32 v9, $6.300000000e+01;
	v6 =	vadd.f32 $1.258291200e+07, v6  }
0x28c: {  	s9 =	simm.s32 $0x10;
	s11 =	simm.s32 $0x80;
	v10 =	vmin.f32 v10, $6.300000000e+01;
	v7 =	vadd.f32 $1.258291200e+07, v7;
	v8 =	vadd.f32 $1.258291200e+07, v8  }
0x28d: {  	s16 =	sand.u32 $0x70, s9;
	s14 =	sand.u32 $0x1C00, s11;
	v11 =	vmin.f32 v11, $6.300000000e+01;
	v9 =	vadd.f32 $1.258291200e+07, v9;
	v10 =	vadd.f32 $1.258291200e+07, v10  }
0x28e: {  	s10 =	sor.u32 s16, s14;
	v12 =	vmin.f32 v12, $6.300000000e+01;
	v11 =	vadd.f32 $1.258291200e+07, v11;
	v6 =	vadd.f32 $-1.258291200e+07, v6  }
0x28f: {  	v13 =	vld [tilespmem:s10+$0xC000];
	v12 =	vadd.f32 $1.258291200e+07, v12;
	v7 =	vadd.f32 $-1.258291200e+07, v7  }
0x290: {  	v14 =	vld [tilespmem:s10+$0xC080];
	v8 =	vadd.f32 $-1.258291200e+07, v8;
	v9 =	vadd.f32 $-1.258291200e+07, v9;
	v6 =	vmul.f32 v6, v3  }
0x291: {  	v15 =	vld [tilespmem:s10+$0xC100];
	v10 =	vadd.f32 $-1.258291200e+07, v10;
	v12 =	vadd.f32 $-1.258291200e+07, v12;
	v7 =	vmul.f32 v7, v3  }
0x292: {  	v16 =	vld [tilespmem:s10+$0xC180];
	v11 =	vadd.f32 $-1.258291200e+07, v11;
	v8 =	vmul.f32 v8, v3;
	v6 =	vadd.f32 v6, v2  }
0x293: {  	v17 =	vld [tilespmem:s10+$0xC200];
	v9 =	vmul.f32 v9, v3;
	v12 =	vmul.f32 v12, v3;
	v7 =	vadd.f32 v7, v2  }
0x294: {  	[tilespmem:s15+$0xC000] =	vst v6;
	v6 =	vadd.f32 v8, v2;
	v8 =	vmul.f32 v10, v3;
	v10 =	vld [tilespmem:s10+$0xC280]  }
0x295: {  	v12 =	vadd.f32 v12, v2;
	[tilespmem:s15+$0xC080] =	vst v7;
	v7 =	vadd.f32 v9, v2;
	v9 =	vmul.f32 v11, v3;
	v11 =	vld [tilespmem:s10+$0xC300]  }
0x296: {  	[tilespmem:s15+$0xC100] =	vst v6;
	v6 =	vadd.f32 v8, v2;
	v8 =	vmul.f32 v13, v5  }
0x297: {  	[tilespmem:s15+$0xC300] =	vst v12;
	v13 =	vmul.f32 v14, v5;
	v14 =	vmul.f32 v15, v5  }
0x298: {  	v9 =	vadd.f32 v9, v2;
	v15 =	vmul.f32 v17, v5;
	[tilespmem:s15+$0xC200] =	vst v6;
	v6 =	vmul.f32 v16, v5  }
0x299: {  	s12 =	sor.u32 s12, s12;
	[tilespmem:s15+$0xC180] =	vst v7;
	v7 =	vadd.f32 v8, v4;
	v8 =	vadd.f32 v13, v4;
	v63 =	vmul.f32 v10, v5  }
0x29a: {  	s12 =	sor.u32 $0x380, s12;
	[tilespmem:s15+$0xC280] =	vst v9;
	v9 =	vadd.f32 v14, v4;
	v12 =	vadd.f32 v15, v4;
	v13 =	vmul.f32 v11, v5  }
0x29b: {  	s13 =	simm.s32 $0x80;
	s14 =	simm.s32 $0x20;
	v10 =	vadd.f32 v6, v4;
	v6 =	vld [tilespmem:s12+$0xC000];
	v11 =	vadd.f32 v63, v4  }
.LBB2_14:
0x29c: {  	p0 =	sne.s32 s14, $0x3F0;
	v7 =	vmax.f32 v7, $0.0e+00;
	v8 =	vmax.f32 v8, $0.0e+00;
	v13 =	vadd.f32 v13, v4  }
0x29d: {  	v9 =	vmax.f32 v9, $0.0e+00;
	v10 =	vmax.f32 v10, $0.0e+00;
	v12 =	vmax.f32 v12, $0.0e+00  }
0x29e: {  	v7 =	vmin.f32 v7, $6.300000000e+01;
	v11 =	vmax.f32 v11, $0.0e+00;
	v13 =	vmax.f32 v13, $0.0e+00  }
0x29f: {  	v8 =	vmin.f32 v8, $6.300000000e+01;
	v9 =	vmin.f32 v9, $6.300000000e+01;
	v10 =	vmin.f32 v10, $6.300000000e+01  }
0x2a0: {  	v7 =	vadd.f32 $1.258291200e+07, v7;
	v8 =	vadd.f32 $1.258291200e+07, v8;
	v6 =	vmul.f32 v6, v5  }
0x2a1: {  	v9 =	vadd.f32 $1.258291200e+07, v9;
	v10 =	vadd.f32 $1.258291200e+07, v10;
	v12 =	vmin.f32 v12, $6.300000000e+01  }
0x2a2: {  	s11 =	sadd.s32 $0x80, s11;
	v11 =	vmin.f32 v11, $6.300000000e+01;
	v12 =	vadd.f32 $1.258291200e+07, v12;
	v6 =	vadd.f32 v6, v4  }
0x2a3: {  	s15 =	sand.u32 $0x70, s14;
	s16 =	sand.u32 $0x1C00, s11;
	v11 =	vadd.f32 $1.258291200e+07, v11;
	v13 =	vmin.f32 v13, $6.300000000e+01;
	v7 =	vadd.f32 $-1.258291200e+07, v7  }
0x2a4: {  	s15 =	sor.u32 s15, s16;
	v8 =	vadd.f32 $-1.258291200e+07, v8;
	v13 =	vadd.f32 $1.258291200e+07, v13;
	v6 =	vmax.f32 v6, $0.0e+00  }
0x2a5: {  	v9 =	vadd.f32 $-1.258291200e+07, v9;
	v7 =	vmul.f32 v7, v3;
	v14 =	vld [tilespmem:s15+$0xC000];
	v6 =	vmin.f32 v6, $6.300000000e+01  }
0x2a6: {  	v10 =	vadd.f32 $-1.258291200e+07, v10;
	v8 =	vmul.f32 v8, v3;
	v15 =	vld [tilespmem:s15+$0xC080];
	v6 =	vadd.f32 $1.258291200e+07, v6  }
0x2a7: {  	v12 =	vadd.f32 $-1.258291200e+07, v12;
	v9 =	vmul.f32 v9, v3;
	v7 =	vadd.f32 v7, v2;
	v16 =	vld [tilespmem:s15+$0xC100]  }
0x2a8: {  	v10 =	vmul.f32 v10, v3;
	v8 =	vadd.f32 v8, v2;
	v17 =	vld [tilespmem:s15+$0xC180];
	v6 =	vadd.f32 $-1.258291200e+07, v6  }
0x2a9: {  	v11 =	vadd.f32 $-1.258291200e+07, v11;
	v18 =	vld [tilespmem:s15+$0xC200];
	[tilespmem:s10+$0xC000] =	vst v7;
	v7 =	vadd.f32 v9, v2;
	v9 =	vmul.f32 v12, v3  }
0x2aa: {  	v12 =	vld [tilespmem:s15+$0xC280];
	[tilespmem:s10+$0xC080] =	vst v8;
	v8 =	vadd.f32 v10, v2;
	v10 =	vadd.f32 $-1.258291200e+07, v13;
	v6 =	vmul.f32 v6, v3  }
0x2ab: {  	v13 =	vld [tilespmem:s15+$0xC300];
	[tilespmem:s10+$0xC100] =	vst v7;
	v7 =	vadd.f32 v9, v2;
	v9 =	vmul.f32 v11, v3  }
0x2ac: {  	v11 =	vmul.f32 v14, v5;
	[tilespmem:s10+$0xC180] =	vst v8;
	v8 =	vmul.f32 v10, v3;
	v6 =	vadd.f32 v6, v2  }
.Ltmp6:
0x2ad: {  	v10 =	vmul.f32 v15, v5;
	v14 =	vmul.f32 v16, v5;
	[tilespmem:s10+$0xC200] =	vst v7;
	v9 =	vadd.f32 v9, v2;
	(pc) =	sbr.rel @p0 .LBB2_14-.Ltmp6, $4  }
0x2ae: {  	v15 =	vmul.f32 v17, v5;
	v16 =	vmul.f32 v18, v5;
	v17 =	vadd.f32 v8, v2;
	[tilespmem:s12+$0xC000] =	vst v6  }
0x2af: {  	v7 =	vadd.f32 v11, v4;
	v8 =	vadd.f32 v10, v4;
	s12 =	sor.u32 s13, s9;
	s13 =	smov.u32 s11;
	s9 =	smov.u32 s14;
	v6 =	vmul.f32 v12, v5;
	[tilespmem:s10+$0xC280] =	vst v9  }
0x2b0: {  	v9 =	vadd.f32 v14, v4;
	v10 =	vadd.f32 v15, v4;
	s12 =	sor.u32 $0x380, s12;
	v13 =	vmul.f32 v13, v5;
	[tilespmem:s10+$0xC300] =	vst v17;
	s10 =	smov.u32 s15  }
0x2b1: {  	s14 =	sadd.s32 $0x10, s14;
	v12 =	vadd.f32 v16, v4;
	v11 =	vadd.f32 v6, v4;
	v6 =	vld [tilespmem:s12+$0xC000]  }
0x2b2: {  	v7 =	vmax.f32 v7, $0.0e+00  }
0x2b3: {  	v8 =	vmax.f32 v8, $0.0e+00;
	v13 =	vadd.f32 v13, v4;
	v9 =	vmax.f32 v9, $0.0e+00  }
0x2b4: {  	v10 =	vmax.f32 v10, $0.0e+00;
	v12 =	vmax.f32 v12, $0.0e+00;
	v7 =	vmin.f32 v7, $6.300000000e+01  }
0x2b5: {  	v11 =	vmax.f32 v11, $0.0e+00;
	v8 =	vmin.f32 v8, $6.300000000e+01;
	v9 =	vmin.f32 v9, $6.300000000e+01  }
0x2b6: {  	v10 =	vmin.f32 v10, $6.300000000e+01;
	v7 =	vadd.f32 $1.258291200e+07, v7;
	v8 =	vadd.f32 $1.258291200e+07, v8  }
0x2b7: {  	v9 =	vadd.f32 $1.258291200e+07, v9;
	v10 =	vadd.f32 $1.258291200e+07, v10;
	v12 =	vmin.f32 v12, $6.300000000e+01  }
0x2b8: {  	v11 =	vmin.f32 v11, $6.300000000e+01;
	v12 =	vadd.f32 $1.258291200e+07, v12;
	v7 =	vadd.f32 $-1.258291200e+07, v7  }
0x2b9: {  	v13 =	vmax.f32 v13, $0.0e+00;
	v11 =	vadd.f32 $1.258291200e+07, v11;
	v8 =	vadd.f32 $-1.258291200e+07, v8  }
0x2ba: {  	v13 =	vmin.f32 v13, $6.300000000e+01;
	v9 =	vadd.f32 $-1.258291200e+07, v9;
	v7 =	vmul.f32 v7, v3  }
0x2bb: {  	v13 =	vadd.f32 $1.258291200e+07, v13;
	v10 =	vadd.f32 $-1.258291200e+07, v10;
	v8 =	vmul.f32 v8, v3  }
0x2bc: {  	v12 =	vadd.f32 $-1.258291200e+07, v12;
	v9 =	vmul.f32 v9, v3;
	v7 =	vadd.f32 v7, v2  }
0x2bd: {  	v11 =	vadd.f32 $-1.258291200e+07, v11;
	v10 =	vmul.f32 v10, v3;
	v8 =	vadd.f32 v8, v2  }
0x2be: {  	[tilespmem:s10+$0xC000] =	vst v7;
	v7 =	vadd.f32 v9, v2;
	v9 =	vmul.f32 v12, v3;
	v12 =	vadd.f32 $-1.258291200e+07, v13  }
0x2bf: {  	[tilespmem:s10+$0xC080] =	vst v8;
	v8 =	vadd.f32 v10, v2;
	v10 =	vmul.f32 v11, v3  }
0x2c0: {  	[tilespmem:s10+$0xC100] =	vst v7;
	v7 =	vadd.f32 v9, v2;
	v9 =	vmul.f32 v12, v3  }
0x2c1: {  	[tilespmem:s10+$0xC180] =	vst v8;
	v8 =	vadd.f32 v10, v2  }
0x2c2: {  	[tilespmem:s10+$0xC200] =	vst v7;
	v7 =	vadd.f32 v9, v2  }
0x2c3: {  	s9 =	sor.u32 s13, s9;
	[tilespmem:s10+$0xC280] =	vst v8  }
0x2c4: {  	s9 =	sor.u32 $0x380, s9;
	[tilespmem:s10+$0xC300] =	vst v7  }
0x2c5: {  	v7 =	vld [tilespmem:s9+$0xC000];
	_ =	sdelay $0x3  }
0x2c6: {  	v6 =	vmul.f32 v6, v5  }
0x2c7: {  	v7 =	vmul.f32 v7, v5  }
0x2c8: {  	v6 =	vadd.f32 v6, v4  }
0x2c9: {  	v7 =	vadd.f32 v7, v4  }
0x2ca: {  	v6 =	vmax.f32 v6, $0.0e+00  }
0x2cb: {  	v6 =	vmin.f32 v6, $6.300000000e+01;
	v7 =	vmax.f32 v7, $0.0e+00  }
0x2cc: {  	v6 =	vadd.f32 $1.258291200e+07, v6;
	v7 =	vmin.f32 v7, $6.300000000e+01  }
0x2cd: {  	v7 =	vadd.f32 $1.258291200e+07, v7  }
0x2ce: {  	v6 =	vadd.f32 $-1.258291200e+07, v6  }
0x2cf: {  	v7 =	vadd.f32 $-1.258291200e+07, v7  }
0x2d0: {  	v6 =	vmul.f32 v6, v3  }
0x2d1: {  	v7 =	vmul.f32 v7, v3  }
0x2d2: {  	v6 =	vadd.f32 v6, v2  }
0x2d3: {  	v7 =	vadd.f32 v7, v2  }
0x2d4: {  	[tilespmem:s12+$0xC000] =	vst v6  }
0x2d5: {  	s11 =	simm.s32 $0xC000;
	s12 =	simm.s32 $0x0;
	[tilespmem:s9+$0xC000] =	vst v7  }
0x2d6: {  	[hbm4b:s18+s12] =	stream.linear.scatter [tilespmem:s11], [sflag:$0xF], $0x2000, $0x38;
	[tilespmem:$0x10100] =	vst v63  }
0x2d7: {  	_ =	swait.ge [sflag:s23], $0x2000  }
0x2d8: {  	s13 =	sand.u32 $0x70, s12;
	s14 =	sand.u32 $0x1C00, s12;
	[sflag:s23] =	ssyncset.done $0x0  }
0x2d9: {  	s15 =	sor.u32 s13, s14;
	[sflag:s23] =	ssyncadd.s32 $0xFFFFE000  }
0x2da: {  	v6 =	vld [tilespmem:s15+$0xE000]  }
0x2db: {  	v7 =	vld [tilespmem:s15+$0xE080]  }
0x2dc: {  	v8 =	vld [tilespmem:s15+$0xE100]  }
0x2dd: {  	v9 =	vld [tilespmem:s15+$0xE180]  }
0x2de: {  	v10 =	vld [tilespmem:s15+$0xE200]  }
0x2df: {  	v11 =	vld [tilespmem:s15+$0xE280]  }
0x2e0: {  	v12 =	vld [tilespmem:s15+$0xE300];
	_ =	sdelay $0x1  }
0x2e1: {  	v6 =	vmul.f32 v6, v5;
	v7 =	vmul.f32 v7, v5  }
0x2e2: {  	v8 =	vmul.f32 v8, v5;
	v9 =	vmul.f32 v9, v5  }
0x2e3: {  	v10 =	vmul.f32 v10, v5;
	v11 =	vmul.f32 v11, v5;
	v6 =	vadd.f32 v6, v4  }
0x2e4: {  	v12 =	vmul.f32 v12, v5;
	v7 =	vadd.f32 v7, v4;
	v8 =	vadd.f32 v8, v4  }
0x2e5: {  	v9 =	vadd.f32 v9, v4;
	v10 =	vadd.f32 v10, v4  }
0x2e6: {  	v11 =	vadd.f32 v11, v4;
	v12 =	vadd.f32 v12, v4  }
0x2e7: {  	v6 =	vmax.f32 v6, $0.0e+00;
	v7 =	vmax.f32 v7, $0.0e+00;
	v8 =	vmax.f32 v8, $0.0e+00  }
0x2e8: {  	v9 =	vmax.f32 v9, $0.0e+00;
	v10 =	vmax.f32 v10, $0.0e+00;
	v11 =	vmax.f32 v11, $0.0e+00  }
0x2e9: {  	v12 =	vmax.f32 v12, $0.0e+00;
	v6 =	vmin.f32 v6, $6.300000000e+01;
	v7 =	vmin.f32 v7, $6.300000000e+01  }
0x2ea: {  	v8 =	vmin.f32 v8, $6.300000000e+01;
	v9 =	vmin.f32 v9, $6.300000000e+01;
	v6 =	vadd.f32 $1.258291200e+07, v6  }
0x2eb: {  	s9 =	simm.s32 $0x10;
	s11 =	simm.s32 $0x80;
	v10 =	vmin.f32 v10, $6.300000000e+01;
	v7 =	vadd.f32 $1.258291200e+07, v7;
	v8 =	vadd.f32 $1.258291200e+07, v8  }
0x2ec: {  	s16 =	sand.u32 $0x70, s9;
	s14 =	sand.u32 $0x1C00, s11;
	v11 =	vmin.f32 v11, $6.300000000e+01;
	v9 =	vadd.f32 $1.258291200e+07, v9;
	v10 =	vadd.f32 $1.258291200e+07, v10  }
0x2ed: {  	s10 =	sor.u32 s16, s14;
	v12 =	vmin.f32 v12, $6.300000000e+01;
	v11 =	vadd.f32 $1.258291200e+07, v11;
	v6 =	vadd.f32 $-1.258291200e+07, v6  }
0x2ee: {  	v13 =	vld [tilespmem:s10+$0xE000];
	v12 =	vadd.f32 $1.258291200e+07, v12;
	v7 =	vadd.f32 $-1.258291200e+07, v7  }
0x2ef: {  	v14 =	vld [tilespmem:s10+$0xE080];
	v8 =	vadd.f32 $-1.258291200e+07, v8;
	v9 =	vadd.f32 $-1.258291200e+07, v9;
	v6 =	vmul.f32 v6, v3  }
0x2f0: {  	v15 =	vld [tilespmem:s10+$0xE100];
	v10 =	vadd.f32 $-1.258291200e+07, v10;
	v12 =	vadd.f32 $-1.258291200e+07, v12;
	v7 =	vmul.f32 v7, v3  }
0x2f1: {  	v16 =	vld [tilespmem:s10+$0xE180];
	v11 =	vadd.f32 $-1.258291200e+07, v11;
	v8 =	vmul.f32 v8, v3;
	v6 =	vadd.f32 v6, v2  }
0x2f2: {  	v17 =	vld [tilespmem:s10+$0xE200];
	v9 =	vmul.f32 v9, v3;
	v12 =	vmul.f32 v12, v3;
	v7 =	vadd.f32 v7, v2  }
0x2f3: {  	[tilespmem:s15+$0xE000] =	vst v6;
	v6 =	vadd.f32 v8, v2;
	v8 =	vmul.f32 v10, v3;
	v10 =	vld [tilespmem:s10+$0xE280]  }
0x2f4: {  	v12 =	vadd.f32 v12, v2;
	[tilespmem:s15+$0xE080] =	vst v7;
	v7 =	vadd.f32 v9, v2;
	v9 =	vmul.f32 v11, v3;
	v11 =	vld [tilespmem:s10+$0xE300]  }
0x2f5: {  	[tilespmem:s15+$0xE100] =	vst v6;
	v6 =	vadd.f32 v8, v2;
	v8 =	vmul.f32 v13, v5  }
0x2f6: {  	[tilespmem:s15+$0xE300] =	vst v12;
	v13 =	vmul.f32 v14, v5;
	v14 =	vmul.f32 v15, v5  }
0x2f7: {  	v9 =	vadd.f32 v9, v2;
	v15 =	vmul.f32 v17, v5;
	[tilespmem:s15+$0xE200] =	vst v6;
	v6 =	vmul.f32 v16, v5  }
0x2f8: {  	s12 =	sor.u32 s12, s12;
	[tilespmem:s15+$0xE180] =	vst v7;
	v7 =	vadd.f32 v8, v4;
	v8 =	vadd.f32 v13, v4;
	v63 =	vmul.f32 v10, v5  }
0x2f9: {  	s12 =	sor.u32 $0x380, s12;
	[tilespmem:s15+$0xE280] =	vst v9;
	v9 =	vadd.f32 v14, v4;
	v12 =	vadd.f32 v15, v4;
	v13 =	vmul.f32 v11, v5  }
0x2fa: {  	s13 =	simm.s32 $0x80;
	s14 =	simm.s32 $0x20;
	v10 =	vadd.f32 v6, v4;
	v6 =	vld [tilespmem:s12+$0xE000];
	v11 =	vadd.f32 v63, v4  }
.LBB2_16:
0x2fb: {  	p0 =	sne.s32 s14, $0x3F0;
	v7 =	vmax.f32 v7, $0.0e+00;
	v8 =	vmax.f32 v8, $0.0e+00;
	v13 =	vadd.f32 v13, v4  }
0x2fc: {  	v9 =	vmax.f32 v9, $0.0e+00;
	v10 =	vmax.f32 v10, $0.0e+00;
	v12 =	vmax.f32 v12, $0.0e+00  }
0x2fd: {  	v7 =	vmin.f32 v7, $6.300000000e+01;
	v11 =	vmax.f32 v11, $0.0e+00;
	v13 =	vmax.f32 v13, $0.0e+00  }
0x2fe: {  	v8 =	vmin.f32 v8, $6.300000000e+01;
	v9 =	vmin.f32 v9, $6.300000000e+01;
	v10 =	vmin.f32 v10, $6.300000000e+01  }
0x2ff: {  	v7 =	vadd.f32 $1.258291200e+07, v7;
	v8 =	vadd.f32 $1.258291200e+07, v8;
	v6 =	vmul.f32 v6, v5  }
0x300: {  	v9 =	vadd.f32 $1.258291200e+07, v9;
	v10 =	vadd.f32 $1.258291200e+07, v10;
	v12 =	vmin.f32 v12, $6.300000000e+01  }
0x301: {  	s11 =	sadd.s32 $0x80, s11;
	v11 =	vmin.f32 v11, $6.300000000e+01;
	v12 =	vadd.f32 $1.258291200e+07, v12;
	v6 =	vadd.f32 v6, v4  }
0x302: {  	s15 =	sand.u32 $0x70, s14;
	s16 =	sand.u32 $0x1C00, s11;
	v11 =	vadd.f32 $1.258291200e+07, v11;
	v13 =	vmin.f32 v13, $6.300000000e+01;
	v7 =	vadd.f32 $-1.258291200e+07, v7  }
0x303: {  	s15 =	sor.u32 s15, s16;
	v8 =	vadd.f32 $-1.258291200e+07, v8;
	v13 =	vadd.f32 $1.258291200e+07, v13;
	v6 =	vmax.f32 v6, $0.0e+00  }
0x304: {  	v9 =	vadd.f32 $-1.258291200e+07, v9;
	v7 =	vmul.f32 v7, v3;
	v14 =	vld [tilespmem:s15+$0xE000];
	v6 =	vmin.f32 v6, $6.300000000e+01  }
0x305: {  	v10 =	vadd.f32 $-1.258291200e+07, v10;
	v8 =	vmul.f32 v8, v3;
	v15 =	vld [tilespmem:s15+$0xE080];
	v6 =	vadd.f32 $1.258291200e+07, v6  }
0x306: {  	v12 =	vadd.f32 $-1.258291200e+07, v12;
	v9 =	vmul.f32 v9, v3;
	v7 =	vadd.f32 v7, v2;
	v16 =	vld [tilespmem:s15+$0xE100]  }
0x307: {  	v10 =	vmul.f32 v10, v3;
	v8 =	vadd.f32 v8, v2;
	v17 =	vld [tilespmem:s15+$0xE180];
	v6 =	vadd.f32 $-1.258291200e+07, v6  }
0x308: {  	v11 =	vadd.f32 $-1.258291200e+07, v11;
	v18 =	vld [tilespmem:s15+$0xE200];
	[tilespmem:s10+$0xE000] =	vst v7;
	v7 =	vadd.f32 v9, v2;
	v9 =	vmul.f32 v12, v3  }
0x309: {  	v12 =	vld [tilespmem:s15+$0xE280];
	[tilespmem:s10+$0xE080] =	vst v8;
	v8 =	vadd.f32 v10, v2;
	v10 =	vadd.f32 $-1.258291200e+07, v13;
	v6 =	vmul.f32 v6, v3  }
0x30a: {  	v13 =	vld [tilespmem:s15+$0xE300];
	[tilespmem:s10+$0xE100] =	vst v7;
	v7 =	vadd.f32 v9, v2;
	v9 =	vmul.f32 v11, v3  }
0x30b: {  	v11 =	vmul.f32 v14, v5;
	[tilespmem:s10+$0xE180] =	vst v8;
	v8 =	vmul.f32 v10, v3;
	v6 =	vadd.f32 v6, v2  }
.Ltmp7:
0x30c: {  	v10 =	vmul.f32 v15, v5;
	v14 =	vmul.f32 v16, v5;
	[tilespmem:s10+$0xE200] =	vst v7;
	v9 =	vadd.f32 v9, v2;
	(pc) =	sbr.rel @p0 .LBB2_16-.Ltmp7, $4  }
0x30d: {  	v15 =	vmul.f32 v17, v5;
	v16 =	vmul.f32 v18, v5;
	v17 =	vadd.f32 v8, v2;
	[tilespmem:s12+$0xE000] =	vst v6  }
0x30e: {  	v7 =	vadd.f32 v11, v4;
	v8 =	vadd.f32 v10, v4;
	s12 =	sor.u32 s13, s9;
	s13 =	smov.u32 s11;
	s9 =	smov.u32 s14;
	v6 =	vmul.f32 v12, v5;
	[tilespmem:s10+$0xE280] =	vst v9  }
0x30f: {  	v9 =	vadd.f32 v14, v4;
	v10 =	vadd.f32 v15, v4;
	s12 =	sor.u32 $0x380, s12;
	v13 =	vmul.f32 v13, v5;
	[tilespmem:s10+$0xE300] =	vst v17;
	s10 =	smov.u32 s15  }
0x310: {  	s14 =	sadd.s32 $0x10, s14;
	v12 =	vadd.f32 v16, v4;
	v11 =	vadd.f32 v6, v4;
	v6 =	vld [tilespmem:s12+$0xE000]  }
0x311: {  	v7 =	vmax.f32 v7, $0.0e+00  }
0x312: {  	v8 =	vmax.f32 v8, $0.0e+00;
	v13 =	vadd.f32 v13, v4;
	v9 =	vmax.f32 v9, $0.0e+00  }
0x313: {  	v10 =	vmax.f32 v10, $0.0e+00;
	v12 =	vmax.f32 v12, $0.0e+00;
	v7 =	vmin.f32 v7, $6.300000000e+01  }
0x314: {  	v11 =	vmax.f32 v11, $0.0e+00;
	v8 =	vmin.f32 v8, $6.300000000e+01;
	v9 =	vmin.f32 v9, $6.300000000e+01  }
0x315: {  	v10 =	vmin.f32 v10, $6.300000000e+01;
	v7 =	vadd.f32 $1.258291200e+07, v7;
	v8 =	vadd.f32 $1.258291200e+07, v8  }
0x316: {  	v9 =	vadd.f32 $1.258291200e+07, v9;
	v10 =	vadd.f32 $1.258291200e+07, v10;
	v12 =	vmin.f32 v12, $6.300000000e+01  }
0x317: {  	v11 =	vmin.f32 v11, $6.300000000e+01;
	v12 =	vadd.f32 $1.258291200e+07, v12;
	v7 =	vadd.f32 $-1.258291200e+07, v7  }
0x318: {  	v13 =	vmax.f32 v13, $0.0e+00;
	v11 =	vadd.f32 $1.258291200e+07, v11;
	v8 =	vadd.f32 $-1.258291200e+07, v8  }
0x319: {  	v13 =	vmin.f32 v13, $6.300000000e+01;
	v9 =	vadd.f32 $-1.258291200e+07, v9;
	v7 =	vmul.f32 v7, v3  }
0x31a: {  	v13 =	vadd.f32 $1.258291200e+07, v13;
	v10 =	vadd.f32 $-1.258291200e+07, v10;
	v8 =	vmul.f32 v8, v3  }
0x31b: {  	v12 =	vadd.f32 $-1.258291200e+07, v12;
	v9 =	vmul.f32 v9, v3;
	v7 =	vadd.f32 v7, v2  }
0x31c: {  	v11 =	vadd.f32 $-1.258291200e+07, v11;
	v10 =	vmul.f32 v10, v3;
	v8 =	vadd.f32 v8, v2  }
0x31d: {  	v53 =	vadd.f32 $-1.258291200e+07, v13;
	v52 =	vmul.f32 v12, v3;
	v51 =	vadd.f32 v9, v2;
	[tilespmem:s10+$0xE000] =	vst v7  }
0x31e: {  	v55 =	vmul.f32 v11, v3;
	v54 =	vadd.f32 v10, v2;
	[tilespmem:s10+$0xE080] =	vst v8  }
0x31f: {  	v57 =	vmul.f32 v53, v3;
	v56 =	vadd.f32 v52, v2;
	[tilespmem:s10+$0xE100] =	vst v51  }
0x320: {  	v58 =	vadd.f32 v55, v2;
	[tilespmem:s10+$0xE180] =	vst v54  }
0x321: {  	v59 =	vadd.f32 v57, v2;
	[tilespmem:s10+$0xE200] =	vst v56  }
0x322: {  	s9 =	sor.u32 s13, s9;
	[tilespmem:s10+$0xE280] =	vst v58  }
0x323: {  	s9 =	sor.u32 $0x380, s9;
	[tilespmem:s10+$0xE300] =	vst v59  }
0x324: {  	v7 =	vld [tilespmem:s9+$0xE000];
	_ =	sdelay $0x3  }
0x325: {  	v6 =	vmul.f32 v6, v5  }
0x326: {  	v60 =	vmul.f32 v7, v5  }
0x327: {  	v6 =	vadd.f32 v6, v4  }
0x328: {  	v61 =	vadd.f32 v60, v4  }
0x329: {  	v62 =	vmax.f32 v6, $0.0e+00  }
0x32a: {  	v5 =	vmin.f32 v62, $6.300000000e+01;
	v4 =	vmax.f32 v61, $0.0e+00  }
0x32b: {  	v5 =	vadd.f32 $1.258291200e+07, v5;
	v4 =	vmin.f32 v4, $6.300000000e+01  }
0x32c: {  	v4 =	vadd.f32 $1.258291200e+07, v4  }
0x32d: {  	v5 =	vadd.f32 $-1.258291200e+07, v5  }
0x32e: {  	v4 =	vadd.f32 $-1.258291200e+07, v4  }
0x32f: {  	v5 =	vmul.f32 v5, v3  }
0x330: {  	v3 =	vmul.f32 v4, v3  }
0x331: {  	v63 =	vadd.f32 v5, v2  }
0x332: {  	v2 =	vadd.f32 v3, v2  }
0x333: {  	[tilespmem:s12+$0xE000] =	vst v63  }
0x334: {  	s11 =	simm.s32 $0xE000;
	[tilespmem:s9+$0xE000] =	vst v2  }
0x335: {  	[hbm4b:s19+s3] =	stream.linear.scatter [tilespmem:s11], [sflag:$0x10], $0x2000, $0x38;
	[tilespmem:$0x10100] =	vst v63  }
0x336: {  	_ =	swait.ge [sflag:s24], $0x2000  }
0x337: {  	[sflag:s24] =	ssyncset.done $0x0  }
0x338: {  	[sflag:s24] =	ssyncadd.s32 $0xFFFFE000  }
0x339: {  	_ =	swait.ge [sflag:s25], $0x2000  }
0x33a: {  	[sflag:s25] =	ssyncset.done $0x0  }
0x33b: {  	[sflag:s25] =	ssyncadd.s32 $0xFFFFE000  }
0x33c: {  	_ =	swait.ge [sflag:s26], $0x2000  }
0x33d: {  	[sflag:s26] =	ssyncset.done $0x0  }
0x33e: {  	[sflag:s26] =	ssyncadd.s32 $0xFFFFE000  }
0x33f: {  	_ =	swait.ge [sflag:s28], $0x2000  }
0x340: {  	[sflag:s28] =	ssyncset.done $0x0  }
0x341: {  	[sflag:s28] =	ssyncadd.s32 $0xFFFFE000  }
0x342: {  	_ =	swait.ge [sflag:s4], $0x2000  }
0x343: {  	[sflag:s4] =	ssyncset.done $0x0  }
0x344: {  	[sflag:s4] =	ssyncadd.s32 $0xFFFFE000  }
0x345: {  	_ =	swait.ge [sflag:s5], $0x2000  }
0x346: {  	[sflag:s5] =	ssyncset.done $0x0  }
0x347: {  	s8 =	sadd.s32 $0x1, s8;
	[sflag:s5] =	ssyncadd.s32 $0xFFFFE000  }
0x348: {  	p0 =	sne.s32 s8, s20;
	_ =	swait.ge [sflag:s6], $0x2000  }
.Ltmp8:
0x349: {  	[sflag:s6] =	ssyncset.done $0x0;
	(pc) =	sbr.rel @p0 .LBB2_1-.Ltmp8, $4  }
0x34a: {  	[sflag:s6] =	ssyncadd.s32 $0xFFFFE000  }
0x34b: {  	_ =	swait.ge [sflag:s7], $0x2000  }
0x34c: {  	[sflag:s7] =	ssyncset.done $0x0  }
0x34d: {  	[sflag:s7] =	ssyncadd.s32 $0xFFFFE000  }
0x34e: {  	_ =	sfence.sel $0x180000  }
0x34f: {  	[bflag:$0x0] =	sbarrier.arrive $0xFFFF  }
0x350: {  	_ =	strace $0x90000047  }
0x351: {  	s0 =	stileid.u32;
	[bflag:$0x2] =	sbarrier.arrive $0xFFFF  }
0x352: {  	p0 =	sne.s32 s0, $0x0;
	s0 =	rddreg [dreg:$0x3]  }
0x353: {  	s0 =	sadd.s32 @!p0 $0x100000, s0  }
0x354: {  	[sflag:s0] =	ssyncadd.tile.s32 @!p0 $0x1;
	_ =	shalt  }
.Lfunc_end2:
_tile_overlayer_lowered:
.L_overlay_start_2:
0x355: {  	(tag) =	ssettag $0x2  }
0x356: {  	s0 =	rddreg [dreg:$0x0];
	s2 =	stileid.u32  }
0x357: {  	s1 =	rddreg [dreg:$0x1];
	p0 =	sne.s32 s2, $0x0  }
0x358: {  	s3 =	rddreg [dreg:$0x2];
	[bflag:$0x3] =	sbarrier.arrive $0xFFFF;
	s2 =	simm.s32 @!p0 $0x1C11  }
0x359: {  	[timem:s3], [sflag:s2] =	dma.local @!p0 [hbm:s0], s1  }
0x35a: {  	s0 =	simm.s32 @!p0 $0x11  }
0x35b: {  	_ =	swait.ge @!p0 [sflag:s0], s1  }
0x35c: {  	s1 =	ssub.s32 @!p0 $0x0, s1;
	[sflag:s0] =	ssyncset.done @!p0 $0x0  }
0x35d: {  	[sflag:s0] =	ssyncadd.s32 @!p0 s1  }
0x35e: {  	[bflag:$0x3] =	sbarrier.arrive $0xFFFF  }
0x35f: {  	_ =	shalt  }

</sc_bundles>
